<compile_context>
chip_gen: v7x
topology: tpu7x:2x2x1
jax: 0.10.2.dev20260603
libtpu: 0.0.44.dev20260713+nightly
codegen_flags: <defaults>
</compile_context>

<pallas_src>
import functools

import jax
import jax.numpy as jnp
from jax import lax
from jax.experimental import pallas as pl
from jax.experimental.pallas import tpu as pltpu
from jax.experimental.pallas import tpu_sc as plsc

D = 64
DH = 128
EPS = 1e-08
B, N, T = 1024, 8, 200
T_PAD = 208
HALF = 104
SEGS = B * (N + 1)
NW = 32
SEG_W = SEGS // NW
NBUF = 4

@functools.cache
def _emb_sums_kernel():
    mesh = plsc.VectorSubcoreMesh(core_axis_name="c", subcore_axis_name="s")
    return pl.kernel(
        _emb_sums_body,
        mesh=mesh,
        compiler_params=pltpu.CompilerParams(use_tc_tiling_on_sc=False),
        out_type=jax.ShapeDtypeStruct((SEGS, D), jnp.float32),
        scratch_types=[
            pltpu.VMEM((SEG_W * 2, HALF), jnp.int32),
            pltpu.VMEM((NBUF, T_PAD, D), jnp.float32),
            pltpu.VMEM((16, D), jnp.float32),
            pltpu.SemaphoreType.DMA,
            pltpu.SemaphoreType.DMA,
            pltpu.SemaphoreType.DMA,
            pltpu.SemaphoreType.DMA,
        ],
    )


def _emb_sums_body(idx_hbm, we_hbm, out_hbm, idx_v, rows_v, hstage, sem0, sem1, sem2, sem3):
    sems = (sem0, sem1, sem2, sem3)
    wid = lax.axis_index("s") * 2 + lax.axis_index("c")
    seg0 = pl.multiple_of(wid * SEG_W, SEG_W)
    pltpu.sync_copy(idx_hbm.at[pl.ds(seg0 * 2, SEG_W * 2)], idx_v)

    def start_gather(sl, b):
        pltpu.make_async_copy(
            we_hbm.at[idx_v.at[2 * sl]],
            rows_v.at[b, pl.ds(0, HALF)], sems[b]).start()
        pltpu.make_async_copy(
            we_hbm.at[idx_v.at[2 * sl + 1]],
            rows_v.at[b, pl.ds(HALF, HALF)], sems[b]).start()

    def wait_gather(b):
        pltpu.make_async_copy(
            we_hbm.at[pl.ds(0, T_PAD)], rows_v.at[b], sems[b]).wait()

    for b in range(NBUF):
        start_gather(b, b)

    def gbody(g, carry):
        for b in range(NBUF):
            s = g * NBUF + b
            wait_gather(b)
            zero = jnp.zeros((16,), jnp.float32)

            def acc_chunk(c, accs, b=b):
                a0, a1, a2, a3 = accs
                r0 = c * 16
                for tt in range(16):
                    r = r0 + tt
                    a0 = a0 + rows_v[b, r, pl.ds(0, 16)]
                    a1 = a1 + rows_v[b, r, pl.ds(16, 16)]
                    a2 = a2 + rows_v[b, r, pl.ds(32, 16)]
                    a3 = a3 + rows_v[b, r, pl.ds(48, 16)]
                return (a0, a1, a2, a3)

            a0, a1, a2, a3 = lax.fori_loop(
                0, T_PAD // 16, acc_chunk, (zero, zero, zero, zero))
            s16 = lax.rem(s, 16)
            hstage[s16, pl.ds(0, 16)] = a0
            hstage[s16, pl.ds(16, 16)] = a1
            hstage[s16, pl.ds(32, 16)] = a2
            hstage[s16, pl.ds(48, 16)] = a3

            @pl.when(s16 == 15)
            def _(s=s):
                blk = pl.multiple_of(seg0 + s - 15, 16)
                pltpu.sync_copy(hstage, out_hbm.at[pl.ds(blk, 16)])

            @pl.when(s + NBUF < SEG_W)
            def _(s=s, b=b):
                start_gather(s + NBUF, b)
        return carry

    lax.fori_loop(0, SEG_W // NBUF, gbody, 0)


_ERF_T = (7.853861353153693e-5, -8.010193625184903e-4, 5.188327685732524e-3,
          -2.685381193529856e-2, 1.128358514861418e-1, -3.761262582423300e-1,
          1.128379165726710e+0)
_ERFC_P = (2.326819970068386e-2, -1.387039388740657e-1, 3.687424674597105e-1,
           -5.824733027278666e-1, 6.210004621745983e-1, -4.944515323274145e-1,
           3.404879937665872e-1, -2.741127028184656e-1, 5.638259427386472e-1)
_ERFC_R = (-1.047766399936249e+1, 1.297719955372516e+1, -7.495518717768503e+0,
           2.921019019210786e+0, -1.015265279202700e+0, 4.218463358204948e-1,
           -2.820767439740514e-1, 5.641895067754075e-1)


def _poly(xv, coeffs):
    p = jnp.zeros_like(xv)
    for c in coeffs:
        p = p * xv + jnp.float32(c)
    return p


def _erfc(xv):
    ax = jnp.abs(xv)
    small = 1.0 - xv * _poly(xv * xv, _ERF_T)
    z = jnp.exp(-xv * xv)
    q = 1.0 / ax
    yq = q * q
    p = jnp.where(ax < 2.0, _poly(yq, _ERFC_P), _poly(yq, _ERFC_R))
    yv = z * q * p
    yv = jnp.where(xv < 0.0, 2.0 - yv, yv)
    return jnp.where(ax > 1.0, yv, small)


def _score_body(x_ref, y2_ref, sx_ref, sy_ref,
                w1_ref, b1_ref, w2_ref, b2_ref,
                r_ref, ystar_ref, nstar_ref):
    f32 = jnp.float32
    xcnt = jnp.sum((x_ref[...] != 0).astype(f32), axis=1, keepdims=True)
    ycnt = jnp.sum((y2_ref[...] != 0).astype(f32), axis=1, keepdims=True)
    hx = sx_ref[...] / jnp.maximum(xcnt, EPS)
    hy = sy_ref[...] / jnp.maximum(ycnt, EPS)

    hxr = jnp.broadcast_to(hx[:, None, :], (B, N, D)).reshape(B * N, D)
    phi = jnp.concatenate([hxr, hy, hxr * hy, hy - hxr], axis=1)
    pre = jnp.dot(phi, w1_ref[...], preferred_element_type=f32) + b1_ref[...]
    sqrt_half = jnp.float32(0.7071067811865476)
    hid = 0.5 * pre * _erfc(-pre * sqrt_half)
    r = jnp.dot(hid, w2_ref[...], preferred_element_type=f32) + b2_ref[...]
    r_ref[...] = r

    r3 = r.reshape(B, N, 1)
    rmax = jnp.max(r3, axis=1, keepdims=True)
    nid = lax.broadcasted_iota(jnp.int32, (B, N, 1), 1)
    cand = jnp.where(r3 == rmax, nid, N)
    nstar = jnp.min(cand, axis=1)
    nstar_ref[...] = nstar
    onehot = (nid == nstar[:, None, :]).astype(y2_ref.dtype)
    ysel = y2_ref[...].reshape(B, N, T) * onehot
    ystar_ref[...] = jnp.sum(ysel, axis=1)


def kernel(x, Y, W_e, W1, b1, W2, b2):
    x = x.astype(jnp.int32)
    Y = Y.astype(jnp.int32)
    y2 = Y.reshape(B * N, T)
    W_ext = jnp.concatenate([W_e, jnp.zeros((8, D), jnp.float32)], axis=0)
    xp = jnp.pad(x, ((0, 0), (0, T_PAD - T)))
    yp = jnp.pad(y2, ((0, 0), (0, T_PAD - T)))
    idx_all = jnp.concatenate([xp, yp], axis=0)
    idx_all = jnp.where(idx_all == 0, W_e.shape[0], idx_all)
    idx_all = idx_all.reshape(SEGS * 2, HALF)

    sums = _emb_sums_kernel()(idx_all, W_ext)
    sx = sums[:B]
    sy = sums[B:]

    r8, ystar, nstar1 = pl.pallas_call(
        _score_body,
        out_shape=[
            jax.ShapeDtypeStruct((B * N, 1), jnp.float32),
            jax.ShapeDtypeStruct((B, T), jnp.int32),
            jax.ShapeDtypeStruct((B, 1), jnp.int32),
        ],
    )(x, y2, sx, sy, W1, b1.reshape(1, DH), W2, b2.reshape(1, 1))

    return (r8.reshape(B, N), ystar, nstar1.reshape(B))

# --- scband reference (transcript-rebuilt; emitter-appended) ---
"""Pipeline reference for scband-best-of-nreranker-77051713290526 (READ-ONLY COPY).

The authoritative reference and input builder live on the scoring server;
editing this copy changes nothing except your own understanding.
"""

import jax, jax.numpy as jnp
import numpy as np

VOCAB = 100000
D = 64
DH = 128
PAD = 0
EPS = 1e-08
B, N, T_X, T_Y = 1024, 8, 200, 200


def setup_inputs(seed: int = 0) -> dict:
    key = jax.random.key(seed)
    ks = jax.random.split(key, 6)
    x = jax.random.randint(ks[0], (B, T_X), 0, VOCAB, dtype=jnp.int64) if jax.config.jax_enable_x64 else jax.random.randint(ks[0], (B, T_X), 0, VOCAB)
    Y = jax.random.randint(ks[1], (B, N, T_Y), 0, VOCAB)
    W_e = jax.random.normal(ks[2], (VOCAB, D), dtype=jnp.float32) * 0.02
    W1 = jax.random.normal(ks[3], (4 * D, DH), dtype=jnp.float32) * (1.0 / np.sqrt(4 * D))
    b1 = jnp.zeros((DH,), dtype=jnp.float32)
    W2 = jax.random.normal(ks[4], (DH, 1), dtype=jnp.float32) * (1.0 / np.sqrt(DH))
    b2 = jnp.zeros((1,), dtype=jnp.float32)
    return {"x": x, "Y": Y, "W_e": W_e, "W1": W1, "b1": b1, "W2": W2, "b2": b2}


def _masked_mean(h, mask):
    w = mask.astype(h.dtype)[..., None]
    denom = jnp.clip((w).sum(axis=-2), EPS, None)
    return (h * w).sum(axis=-2) / denom


def reference(x, Y, W_e, W1, b1, W2, b2):
    Bc, Nc, Tyc = Y.shape
    x_mask = x != PAD
    Y_mask = Y != PAD
    h_x = _masked_mean(jnp.take(W_e, x, axis=0), x_mask)
    Y_flat = Y.reshape(Bc * Nc, Tyc)
    Y_mask_flat = Y_mask.reshape(Bc * Nc, Tyc)
    h_y = _masked_mean(jnp.take(W_e, Y_flat, axis=0), Y_mask_flat)
    h_xe = jnp.broadcast_to(h_x[:, None, :], (Bc, Nc, h_x.shape[-1])).reshape(Bc * Nc, h_x.shape[-1])
    phi = jnp.concatenate([h_xe, h_y, h_xe * h_y, h_y - h_xe], axis=-1)
    hid = jax.nn.gelu(phi @ W1 + b1, approximate=False)
    r = (hid @ W2 + b2).reshape(Bc, Nc)
    n_star = jnp.argmax(r, axis=1)
    y_star = Y[jnp.arange(Bc), n_star]
    return (r, y_star, n_star)

if __name__ == "__main__":
    import jax
    _d = setup_inputs()
    print(jax.jit(kernel)(*tuple(_d.values())))

</pallas_src>

<mosaic_0001>
#map = affine_map<(d0, d1) -> (0, 0)>
module attributes {stable_mosaic.version = 14 : i64} {
  func.func @_emb_sums_body(%arg0: i32, %arg1: i32, %arg2: memref<18432x104xi32, #tpu.memory_space<hbm>>, %arg3: memref<100008x64xf32, #tpu.memory_space<hbm>>, %arg4: memref<9216x64xf32, #tpu.memory_space<hbm>>, %arg5: memref<576x104xi32, #tpu.memory_space<vmem>>, %arg6: memref<4x208x64xf32, #tpu.memory_space<vmem>>, %arg7: memref<16x64xf32, #tpu.memory_space<vmem>>, %arg8: memref<!tpu.dma_semaphore, #tpu.memory_space<semaphore_mem>>, %arg9: memref<!tpu.dma_semaphore, #tpu.memory_space<semaphore_mem>>, %arg10: memref<!tpu.dma_semaphore, #tpu.memory_space<semaphore_mem>>, %arg11: memref<!tpu.dma_semaphore, #tpu.memory_space<semaphore_mem>>) attributes {dimension_semantics = [#tpu.dimension_semantics<core_parallel>, #tpu.dimension_semantics<subcore_parallel>], iteration_bounds = array<i64: 2, 16>, scalar_prefetch = 0 : i64, scratch_operands = 7 : i64, tpu.core_type = #tpu.core_type<sc_vector_subcore>, window_params = [{transform_indices = #map}, {transform_indices = #map}, {transform_indices = #map}]} {
    %mul3A = arith.constant 2 : i32
    %mul3A_0 = arith.muli %arg1, %mul3A : i32
    %add3A = arith.addi %mul3A_0, %arg0 : i32
    %mul3A_1 = arith.constant 288 : i32
    %mul3A_2 = arith.muli %add3A, %mul3A_1 : i32
    %multiple_of3A = tpu.assume_multiple %mul3A_2, 288 : i32
    %mul3A_3 = arith.constant 2 : i32
    %mul3A_4 = arith.muli %multiple_of3A, %mul3A_3 : i32
    "tpu.region"() ({
      %run_scoped3A = tpu.sem_alloc : memref<!tpu.dma_semaphore, #tpu.memory_space<semaphore_mem>>
      %dma_start3A_105 = arith.constant 0 : i32
      %dma_start3A_106 = tpu.memref_slice %arg2[%mul3A_4, %dma_start3A_105] : memref<18432x104xi32, #tpu.memory_space<hbm>> -> memref<576x104xi32, #tpu.memory_space<hbm>>
      %dma_start3A_107 = arith.constant 0 : i32
      %dma_start3A_108 = tpu.memref_slice %arg2[%mul3A_4, %dma_start3A_107] : memref<18432x104xi32, #tpu.memory_space<hbm>> -> memref<576x104xi32, #tpu.memory_space<hbm>>
      tpu.enqueue_dma source(%dma_start3A_108 : memref<576x104xi32, #tpu.memory_space<hbm>>) target(%arg5 : memref<576x104xi32, #tpu.memory_space<vmem>>) target_semaphore(%run_scoped3A : memref<!tpu.dma_semaphore, #tpu.memory_space<semaphore_mem>>)
      %dma_wait3A = arith.constant 0 : i32
      %dma_wait3A_109 = tpu.memref_slice %arg2[%mul3A_4, %dma_wait3A] : memref<18432x104xi32, #tpu.memory_space<hbm>> -> memref<576x104xi32, #tpu.memory_space<hbm>>
      %dma_wait3A_110 = arith.constant 0 : i32
      %dma_wait3A_111 = tpu.memref_slice %arg2[%mul3A_4, %dma_wait3A_110] : memref<18432x104xi32, #tpu.memory_space<hbm>> -> memref<576x104xi32, #tpu.memory_space<hbm>>
      tpu.wait_dma2 semaphore(%run_scoped3A : memref<!tpu.dma_semaphore, #tpu.memory_space<semaphore_mem>>) src(%dma_wait3A_111 : memref<576x104xi32, #tpu.memory_space<hbm>>) dst(%arg5 : memref<576x104xi32, #tpu.memory_space<vmem>>)
      tpu.yield
    }) : () -> ()
    %dma_start3A = arith.constant 0 : i32
    %dma_start3A_5 = arith.constant 0 : i32
    %dma_start3A_6 = arith.constant 0 : i32
    %dma_start3A_7 = arith.constant 0 : i32
    %dma_start3A_8 = tpu.memref_slice %arg6[%dma_start3A_5, %dma_start3A_6, %dma_start3A_7] : memref<4x208x64xf32, #tpu.memory_space<vmem>> -> memref<1x104x64xf32, #tpu.memory_space<vmem>>
    %dma_start3A_9 = tpu.memref_squeeze %dma_start3A_8 : memref<1x104x64xf32, #tpu.memory_space<vmem>> -> memref<104x64xf32, #tpu.memory_space<vmem>>
    %dma_start3A_10 = arith.constant 0 : i32
    %dma_start3A_11 = tpu.memref_slice %arg5[%dma_start3A, %dma_start3A_10] : memref<576x104xi32, #tpu.memory_space<vmem>> -> memref<1x104xi32, #tpu.memory_space<vmem>>
    %dma_start3A_12 = tpu.memref_squeeze %dma_start3A_11 : memref<1x104xi32, #tpu.memory_space<vmem>> -> memref<104xi32, #tpu.memory_space<vmem>>
    %dma_start3A_13 = arith.constant 0 : i32
    %dma_start3A_14 = arith.constant 0 : i32
    %dma_start3A_15 = tpu.memref_slice %arg3[%dma_start3A_13, %dma_start3A_14] : memref<100008x64xf32, #tpu.memory_space<hbm>> -> memref<100008x64xf32, #tpu.memory_space<hbm>>
    tpu.enqueue_indirect_dma source(%dma_start3A_15 : memref<100008x64xf32, #tpu.memory_space<hbm>>) target(%dma_start3A_9 : memref<104x64xf32, #tpu.memory_space<vmem>>) offsets(%dma_start3A_12 : memref<104xi32, #tpu.memory_space<vmem>>) semaphore(%arg8 : memref<!tpu.dma_semaphore, #tpu.memory_space<semaphore_mem>>)
    %dma_start3A_16 = arith.constant 1 : i32
    %dma_start3A_17 = arith.constant 0 : i32
    %dma_start3A_18 = arith.constant 104 : i32
    %dma_start3A_19 = arith.constant 0 : i32
    %dma_start3A_20 = tpu.memref_slice %arg6[%dma_start3A_17, %dma_start3A_18, %dma_start3A_19] : memref<4x208x64xf32, #tpu.memory_space<vmem>> -> memref<1x104x64xf32, #tpu.memory_space<vmem>>
    %dma_start3A_21 = tpu.memref_squeeze %dma_start3A_20 : memref<1x104x64xf32, #tpu.memory_space<vmem>> -> memref<104x64xf32, #tpu.memory_space<vmem>>
    %dma_start3A_22 = arith.constant 0 : i32
    %dma_start3A_23 = tpu.memref_slice %arg5[%dma_start3A_16, %dma_start3A_22] : memref<576x104xi32, #tpu.memory_space<vmem>> -> memref<1x104xi32, #tpu.memory_space<vmem>>
    %dma_start3A_24 = tpu.memref_squeeze %dma_start3A_23 : memref<1x104xi32, #tpu.memory_space<vmem>> -> memref<104xi32, #tpu.memory_space<vmem>>
    %dma_start3A_25 = arith.constant 0 : i32
    %dma_start3A_26 = arith.constant 0 : i32
    %dma_start3A_27 = tpu.memref_slice %arg3[%dma_start3A_25, %dma_start3A_26] : memref<100008x64xf32, #tpu.memory_space<hbm>> -> memref<100008x64xf32, #tpu.memory_space<hbm>>
    tpu.enqueue_indirect_dma source(%dma_start3A_27 : memref<100008x64xf32, #tpu.memory_space<hbm>>) target(%dma_start3A_21 : memref<104x64xf32, #tpu.memory_space<vmem>>) offsets(%dma_start3A_24 : memref<104xi32, #tpu.memory_space<vmem>>) semaphore(%arg8 : memref<!tpu.dma_semaphore, #tpu.memory_space<semaphore_mem>>)
    %dma_start3A_28 = arith.constant 2 : i32
    %dma_start3A_29 = arith.constant 1 : i32
    %dma_start3A_30 = arith.constant 0 : i32
    %dma_start3A_31 = arith.constant 0 : i32
    %dma_start3A_32 = tpu.memref_slice %arg6[%dma_start3A_29, %dma_start3A_30, %dma_start3A_31] : memref<4x208x64xf32, #tpu.memory_space<vmem>> -> memref<1x104x64xf32, #tpu.memory_space<vmem>>
    %dma_start3A_33 = tpu.memref_squeeze %dma_start3A_32 : memref<1x104x64xf32, #tpu.memory_space<vmem>> -> memref<104x64xf32, #tpu.memory_space<vmem>>
    %dma_start3A_34 = arith.constant 0 : i32
    %dma_start3A_35 = tpu.memref_slice %arg5[%dma_start3A_28, %dma_start3A_34] : memref<576x104xi32, #tpu.memory_space<vmem>> -> memref<1x104xi32, #tpu.memory_space<vmem>>
    %dma_start3A_36 = tpu.memref_squeeze %dma_start3A_35 : memref<1x104xi32, #tpu.memory_space<vmem>> -> memref<104xi32, #tpu.memory_space<vmem>>
    %dma_start3A_37 = arith.constant 0 : i32
    %dma_start3A_38 = arith.constant 0 : i32
    %dma_start3A_39 = tpu.memref_slice %arg3[%dma_start3A_37, %dma_start3A_38] : memref<100008x64xf32, #tpu.memory_space<hbm>> -> memref<100008x64xf32, #tpu.memory_space<hbm>>
    tpu.enqueue_indirect_dma source(%dma_start3A_39 : memref<100008x64xf32, #tpu.memory_space<hbm>>) target(%dma_start3A_33 : memref<104x64xf32, #tpu.memory_space<vmem>>) offsets(%dma_start3A_36 : memref<104xi32, #tpu.memory_space<vmem>>) semaphore(%arg9 : memref<!tpu.dma_semaphore, #tpu.memory_space<semaphore_mem>>)
    %dma_start3A_40 = arith.constant 3 : i32
    %dma_start3A_41 = arith.constant 1 : i32
    %dma_start3A_42 = arith.constant 104 : i32
    %dma_start3A_43 = arith.constant 0 : i32
    %dma_start3A_44 = tpu.memref_slice %arg6[%dma_start3A_41, %dma_start3A_42, %dma_start3A_43] : memref<4x208x64xf32, #tpu.memory_space<vmem>> -> memref<1x104x64xf32, #tpu.memory_space<vmem>>
    %dma_start3A_45 = tpu.memref_squeeze %dma_start3A_44 : memref<1x104x64xf32, #tpu.memory_space<vmem>> -> memref<104x64xf32, #tpu.memory_space<vmem>>
    %dma_start3A_46 = arith.constant 0 : i32
    %dma_start3A_47 = tpu.memref_slice %arg5[%dma_start3A_40, %dma_start3A_46] : memref<576x104xi32, #tpu.memory_space<vmem>> -> memref<1x104xi32, #tpu.memory_space<vmem>>
    %dma_start3A_48 = tpu.memref_squeeze %dma_start3A_47 : memref<1x104xi32, #tpu.memory_space<vmem>> -> memref<104xi32, #tpu.memory_space<vmem>>
    %dma_start3A_49 = arith.constant 0 : i32
    %dma_start3A_50 = arith.constant 0 : i32
    %dma_start3A_51 = tpu.memref_slice %arg3[%dma_start3A_49, %dma_start3A_50] : memref<100008x64xf32, #tpu.memory_space<hbm>> -> memref<100008x64xf32, #tpu.memory_space<hbm>>
    tpu.enqueue_indirect_dma source(%dma_start3A_51 : memref<100008x64xf32, #tpu.memory_space<hbm>>) target(%dma_start3A_45 : memref<104x64xf32, #tpu.memory_space<vmem>>) offsets(%dma_start3A_48 : memref<104xi32, #tpu.memory_space<vmem>>) semaphore(%arg9 : memref<!tpu.dma_semaphore, #tpu.memory_space<semaphore_mem>>)
    %dma_start3A_52 = arith.constant 4 : i32
    %dma_start3A_53 = arith.constant 2 : i32
    %dma_start3A_54 = arith.constant 0 : i32
    %dma_start3A_55 = arith.constant 0 : i32
    %dma_start3A_56 = tpu.memref_slice %arg6[%dma_start3A_53, %dma_start3A_54, %dma_start3A_55] : memref<4x208x64xf32, #tpu.memory_space<vmem>> -> memref<1x104x64xf32, #tpu.memory_space<vmem>>
    %dma_start3A_57 = tpu.memref_squeeze %dma_start3A_56 : memref<1x104x64xf32, #tpu.memory_space<vmem>> -> memref<104x64xf32, #tpu.memory_space<vmem>>
    %dma_start3A_58 = arith.constant 0 : i32
    %dma_start3A_59 = tpu.memref_slice %arg5[%dma_start3A_52, %dma_start3A_58] : memref<576x104xi32, #tpu.memory_space<vmem>> -> memref<1x104xi32, #tpu.memory_space<vmem>>
    %dma_start3A_60 = tpu.memref_squeeze %dma_start3A_59 : memref<1x104xi32, #tpu.memory_space<vmem>> -> memref<104xi32, #tpu.memory_space<vmem>>
    %dma_start3A_61 = arith.constant 0 : i32
    %dma_start3A_62 = arith.constant 0 : i32
    %dma_start3A_63 = tpu.memref_slice %arg3[%dma_start3A_61, %dma_start3A_62] : memref<100008x64xf32, #tpu.memory_space<hbm>> -> memref<100008x64xf32, #tpu.memory_space<hbm>>
    tpu.enqueue_indirect_dma source(%dma_start3A_63 : memref<100008x64xf32, #tpu.memory_space<hbm>>) target(%dma_start3A_57 : memref<104x64xf32, #tpu.memory_space<vmem>>) offsets(%dma_start3A_60 : memref<104xi32, #tpu.memory_space<vmem>>) semaphore(%arg10 : memref<!tpu.dma_semaphore, #tpu.memory_space<semaphore_mem>>)
    %dma_start3A_64 = arith.constant 5 : i32
    %dma_start3A_65 = arith.constant 2 : i32
    %dma_start3A_66 = arith.constant 104 : i32
    %dma_start3A_67 = arith.constant 0 : i32
    %dma_start3A_68 = tpu.memref_slice %arg6[%dma_start3A_65, %dma_start3A_66, %dma_start3A_67] : memref<4x208x64xf32, #tpu.memory_space<vmem>> -> memref<1x104x64xf32, #tpu.memory_space<vmem>>
    %dma_start3A_69 = tpu.memref_squeeze %dma_start3A_68 : memref<1x104x64xf32, #tpu.memory_space<vmem>> -> memref<104x64xf32, #tpu.memory_space<vmem>>
    %dma_start3A_70 = arith.constant 0 : i32
    %dma_start3A_71 = tpu.memref_slice %arg5[%dma_start3A_64, %dma_start3A_70] : memref<576x104xi32, #tpu.memory_space<vmem>> -> memref<1x104xi32, #tpu.memory_space<vmem>>
    %dma_start3A_72 = tpu.memref_squeeze %dma_start3A_71 : memref<1x104xi32, #tpu.memory_space<vmem>> -> memref<104xi32, #tpu.memory_space<vmem>>
    %dma_start3A_73 = arith.constant 0 : i32
    %dma_start3A_74 = arith.constant 0 : i32
    %dma_start3A_75 = tpu.memref_slice %arg3[%dma_start3A_73, %dma_start3A_74] : memref<100008x64xf32, #tpu.memory_space<hbm>> -> memref<100008x64xf32, #tpu.memory_space<hbm>>
    tpu.enqueue_indirect_dma source(%dma_start3A_75 : memref<100008x64xf32, #tpu.memory_space<hbm>>) target(%dma_start3A_69 : memref<104x64xf32, #tpu.memory_space<vmem>>) offsets(%dma_start3A_72 : memref<104xi32, #tpu.memory_space<vmem>>) semaphore(%arg10 : memref<!tpu.dma_semaphore, #tpu.memory_space<semaphore_mem>>)
    %dma_start3A_76 = arith.constant 6 : i32
    %dma_start3A_77 = arith.constant 3 : i32
    %dma_start3A_78 = arith.constant 0 : i32
    %dma_start3A_79 = arith.constant 0 : i32
    %dma_start3A_80 = tpu.memref_slice %arg6[%dma_start3A_77, %dma_start3A_78, %dma_start3A_79] : memref<4x208x64xf32, #tpu.memory_space<vmem>> -> memref<1x104x64xf32, #tpu.memory_space<vmem>>
    %dma_start3A_81 = tpu.memref_squeeze %dma_start3A_80 : memref<1x104x64xf32, #tpu.memory_space<vmem>> -> memref<104x64xf32, #tpu.memory_space<vmem>>
    %dma_start3A_82 = arith.constant 0 : i32
    %dma_start3A_83 = tpu.memref_slice %arg5[%dma_start3A_76, %dma_start3A_82] : memref<576x104xi32, #tpu.memory_space<vmem>> -> memref<1x104xi32, #tpu.memory_space<vmem>>
    %dma_start3A_84 = tpu.memref_squeeze %dma_start3A_83 : memref<1x104xi32, #tpu.memory_space<vmem>> -> memref<104xi32, #tpu.memory_space<vmem>>
    %dma_start3A_85 = arith.constant 0 : i32
    %dma_start3A_86 = arith.constant 0 : i32
    %dma_start3A_87 = tpu.memref_slice %arg3[%dma_start3A_85, %dma_start3A_86] : memref<100008x64xf32, #tpu.memory_space<hbm>> -> memref<100008x64xf32, #tpu.memory_space<hbm>>
    tpu.enqueue_indirect_dma source(%dma_start3A_87 : memref<100008x64xf32, #tpu.memory_space<hbm>>) target(%dma_start3A_81 : memref<104x64xf32, #tpu.memory_space<vmem>>) offsets(%dma_start3A_84 : memref<104xi32, #tpu.memory_space<vmem>>) semaphore(%arg11 : memref<!tpu.dma_semaphore, #tpu.memory_space<semaphore_mem>>)
    %dma_start3A_88 = arith.constant 7 : i32
    %dma_start3A_89 = arith.constant 3 : i32
    %dma_start3A_90 = arith.constant 104 : i32
    %dma_start3A_91 = arith.constant 0 : i32
    %dma_start3A_92 = tpu.memref_slice %arg6[%dma_start3A_89, %dma_start3A_90, %dma_start3A_91] : memref<4x208x64xf32, #tpu.memory_space<vmem>> -> memref<1x104x64xf32, #tpu.memory_space<vmem>>
    %dma_start3A_93 = tpu.memref_squeeze %dma_start3A_92 : memref<1x104x64xf32, #tpu.memory_space<vmem>> -> memref<104x64xf32, #tpu.memory_space<vmem>>
    %dma_start3A_94 = arith.constant 0 : i32
    %dma_start3A_95 = tpu.memref_slice %arg5[%dma_start3A_88, %dma_start3A_94] : memref<576x104xi32, #tpu.memory_space<vmem>> -> memref<1x104xi32, #tpu.memory_space<vmem>>
    %dma_start3A_96 = tpu.memref_squeeze %dma_start3A_95 : memref<1x104xi32, #tpu.memory_space<vmem>> -> memref<104xi32, #tpu.memory_space<vmem>>
    %dma_start3A_97 = arith.constant 0 : i32
    %dma_start3A_98 = arith.constant 0 : i32
    %dma_start3A_99 = tpu.memref_slice %arg3[%dma_start3A_97, %dma_start3A_98] : memref<100008x64xf32, #tpu.memory_space<hbm>> -> memref<100008x64xf32, #tpu.memory_space<hbm>>
    tpu.enqueue_indirect_dma source(%dma_start3A_99 : memref<100008x64xf32, #tpu.memory_space<hbm>>) target(%dma_start3A_93 : memref<104x64xf32, #tpu.memory_space<vmem>>) offsets(%dma_start3A_96 : memref<104xi32, #tpu.memory_space<vmem>>) semaphore(%arg11 : memref<!tpu.dma_semaphore, #tpu.memory_space<semaphore_mem>>)
    %scan3A = arith.constant 0 : i32
    %scan3A_100 = arith.constant 0 : i32
    %scan3A_101 = arith.constant 72 : i32
    %scan3A_102 = arith.addi %scan3A_100, %scan3A_101 : i32
    %scan3A_103 = arith.constant 1 : i32
    scf.for %scan3A_105 = %scan3A_100 to %scan3A_102 step %scan3A_103  : i32 {
      %mul3A_106 = arith.constant 4 : i32
      %mul3A_107 = arith.muli %scan3A_105, %mul3A_106 : i32
      %add3A_108 = arith.constant 0 : i32
      %add3A_109 = arith.addi %mul3A_107, %add3A_108 : i32
      %dma_wait3A = arith.constant 0 : i32
      %dma_wait3A_110 = arith.constant 0 : i32
      %dma_wait3A_111 = arith.constant 0 : i32
      %dma_wait3A_112 = tpu.memref_slice %arg6[%dma_wait3A, %dma_wait3A_110, %dma_wait3A_111] : memref<4x208x64xf32, #tpu.memory_space<vmem>> -> memref<1x208x64xf32, #tpu.memory_space<vmem>>
      %dma_wait3A_113 = tpu.memref_squeeze %dma_wait3A_112 : memref<1x208x64xf32, #tpu.memory_space<vmem>> -> memref<208x64xf32, #tpu.memory_space<vmem>>
      %dma_wait3A_114 = arith.constant 0 : i32
      %dma_wait3A_115 = arith.constant 0 : i32
      %dma_wait3A_116 = tpu.memref_slice %arg3[%dma_wait3A_114, %dma_wait3A_115] : memref<100008x64xf32, #tpu.memory_space<hbm>> -> memref<208x64xf32, #tpu.memory_space<hbm>>
      %dma_wait3A_117 = arith.constant 0 : i32
      %dma_wait3A_118 = arith.constant 0 : i32
      %dma_wait3A_119 = tpu.memref_slice %arg6[%dma_wait3A, %dma_wait3A_117, %dma_wait3A_118] : memref<4x208x64xf32, #tpu.memory_space<vmem>> -> memref<1x208x64xf32, #tpu.memory_space<vmem>>
      %dma_wait3A_120 = tpu.memref_squeeze %dma_wait3A_119 : memref<1x208x64xf32, #tpu.memory_space<vmem>> -> memref<208x64xf32, #tpu.memory_space<vmem>>
      %dma_wait3A_121 = arith.constant 0 : i32
      %dma_wait3A_122 = arith.constant 0 : i32
      %dma_wait3A_123 = tpu.memref_slice %arg3[%dma_wait3A_121, %dma_wait3A_122] : memref<100008x64xf32, #tpu.memory_space<hbm>> -> memref<208x64xf32, #tpu.memory_space<hbm>>
      tpu.wait_dma2 semaphore(%arg8 : memref<!tpu.dma_semaphore, #tpu.memory_space<semaphore_mem>>) src(%dma_wait3A_123 : memref<208x64xf32, #tpu.memory_space<hbm>>) dst(%dma_wait3A_120 : memref<208x64xf32, #tpu.memory_space<vmem>>)
      %broadcast_in_dim3A = arith.constant 0.000000e+00 : f32
      %broadcast_in_dim3A_124 = vector.broadcast %broadcast_in_dim3A : f32 to vector<16xf32>
      %scan3A_125 = arith.constant 0 : i32
      %scan3A_126 = arith.constant 13 : i32
      %scan3A_127 = arith.addi %scan3A_125, %scan3A_126 : i32
      %scan3A_128 = arith.constant 1 : i32
      %scan3A_129:4 = scf.for %scan3A_342 = %scan3A_125 to %scan3A_127 step %scan3A_128 iter_args(%scan3A_343 = %broadcast_in_dim3A_124, %scan3A_344 = %broadcast_in_dim3A_124, %scan3A_345 = %broadcast_in_dim3A_124, %scan3A_346 = %broadcast_in_dim3A_124) -> (vector<16xf32>, vector<16xf32>, vector<16xf32>, vector<16xf32>)  : i32 {
        %mul3A_347 = arith.constant 16 : i32
        %mul3A_348 = arith.muli %scan3A_342, %mul3A_347 : i32
        %add3A_349 = arith.constant 0 : i32
        %add3A_350 = arith.addi %mul3A_348, %add3A_349 : i32
        %get3A = arith.constant 0 : i32
        %get3A_351 = arith.index_cast %get3A : i32 to index
        %get3A_352 = arith.index_cast %add3A_350 : i32 to index
        %get3A_353 = arith.constant 0 : index
        %get3A_354 = tpu.vector_load %arg6[%get3A_351, %get3A_352, %get3A_353] {strides = array<i32>} : memref<4x208x64xf32, #tpu.memory_space<vmem>>, vector<1x1x16xf32>,
        %get3A_355 = vector.shape_cast %get3A_354 : vector<1x1x16xf32> to vector<16xf32>
        %add3A_356 = arith.addf %scan3A_343, %get3A_355 : vector<16xf32>
        %get3A_357 = arith.constant 0 : i32
        %get3A_358 = arith.index_cast %get3A_357 : i32 to index
        %get3A_359 = arith.index_cast %add3A_350 : i32 to index
        %get3A_360 = arith.constant 16 : index
        %get3A_361 = tpu.vector_load %arg6[%get3A_358, %get3A_359, %get3A_360] {strides = array<i32>} : memref<4x208x64xf32, #tpu.memory_space<vmem>>, vector<1x1x16xf32>,
        %get3A_362 = vector.shape_cast %get3A_361 : vector<1x1x16xf32> to vector<16xf32>
        %add3A_363 = arith.addf %scan3A_344, %get3A_362 : vector<16xf32>
        %get3A_364 = arith.constant 0 : i32
        %get3A_365 = arith.index_cast %get3A_364 : i32 to index
        %get3A_366 = arith.index_cast %add3A_350 : i32 to index
        %get3A_367 = arith.constant 32 : index
        %get3A_368 = tpu.vector_load %arg6[%get3A_365, %get3A_366, %get3A_367] {strides = array<i32>} : memref<4x208x64xf32, #tpu.memory_space<vmem>>, vector<1x1x16xf32>,
        %get3A_369 = vector.shape_cast %get3A_368 : vector<1x1x16xf32> to vector<16xf32>
        %add3A_370 = arith.addf %scan3A_345, %get3A_369 : vector<16xf32>
        %get3A_371 = arith.constant 0 : i32
        %get3A_372 = arith.index_cast %get3A_371 : i32 to index
        %get3A_373 = arith.index_cast %add3A_350 : i32 to index
        %get3A_374 = arith.constant 48 : index
        %get3A_375 = tpu.vector_load %arg6[%get3A_372, %get3A_373, %get3A_374] {strides = array<i32>} : memref<4x208x64xf32, #tpu.memory_space<vmem>>, vector<1x1x16xf32>,
        %get3A_376 = vector.shape_cast %get3A_375 : vector<1x1x16xf32> to vector<16xf32>
        %add3A_377 = arith.addf %scan3A_346, %get3A_376 : vector<16xf32>
        %add3A_378 = arith.constant 1 : i32
        %add3A_379 = arith.addi %mul3A_348, %add3A_378 : i32
        %get3A_380 = arith.constant 0 : i32
        %get3A_381 = arith.index_cast %get3A_380 : i32 to index
        %get3A_382 = arith.index_cast %add3A_379 : i32 to index
        %get3A_383 = arith.constant 0 : index
        %get3A_384 = tpu.vector_load %arg6[%get3A_381, %get3A_382, %get3A_383] {strides = array<i32>} : memref<4x208x64xf32, #tpu.memory_space<vmem>>, vector<1x1x16xf32>,
        %get3A_385 = vector.shape_cast %get3A_384 : vector<1x1x16xf32> to vector<16xf32>
        %add3A_386 = arith.addf %add3A_356, %get3A_385 : vector<16xf32>
        %get3A_387 = arith.constant 0 : i32
        %get3A_388 = arith.index_cast %get3A_387 : i32 to index
        %get3A_389 = arith.index_cast %add3A_379 : i32 to index
        %get3A_390 = arith.constant 16 : index
        %get3A_391 = tpu.vector_load %arg6[%get3A_388, %get3A_389, %get3A_390] {strides = array<i32>} : memref<4x208x64xf32, #tpu.memory_space<vmem>>, vector<1x1x16xf32>,
        %get3A_392 = vector.shape_cast %get3A_391 : vector<1x1x16xf32> to vector<16xf32>
        %add3A_393 = arith.addf %add3A_363, %get3A_392 : vector<16xf32>
        %get3A_394 = arith.constant 0 : i32
        %get3A_395 = arith.index_cast %get3A_394 : i32 to index
        %get3A_396 = arith.index_cast %add3A_379 : i32 to index
        %get3A_397 = arith.constant 32 : index
        %get3A_398 = tpu.vector_load %arg6[%get3A_395, %get3A_396, %get3A_397] {strides = array<i32>} : memref<4x208x64xf32, #tpu.memory_space<vmem>>, vector<1x1x16xf32>,
        %get3A_399 = vector.shape_cast %get3A_398 : vector<1x1x16xf32> to vector<16xf32>
        %add3A_400 = arith.addf %add3A_370, %get3A_399 : vector<16xf32>
        %get3A_401 = arith.constant 0 : i32
        %get3A_402 = arith.index_cast %get3A_401 : i32 to index
        %get3A_403 = arith.index_cast %add3A_379 : i32 to index
        %get3A_404 = arith.constant 48 : index
        %get3A_405 = tpu.vector_load %arg6[%get3A_402, %get3A_403, %get3A_404] {strides = array<i32>} : memref<4x208x64xf32, #tpu.memory_space<vmem>>, vector<1x1x16xf32>,
        %get3A_406 = vector.shape_cast %get3A_405 : vector<1x1x16xf32> to vector<16xf32>
        %add3A_407 = arith.addf %add3A_377, %get3A_406 : vector<16xf32>
        %add3A_408 = arith.constant 2 : i32
        %add3A_409 = arith.addi %mul3A_348, %add3A_408 : i32
        %get3A_410 = arith.constant 0 : i32
        %get3A_411 = arith.index_cast %get3A_410 : i32 to index
        %get3A_412 = arith.index_cast %add3A_409 : i32 to index
        %get3A_413 = arith.constant 0 : index
        %get3A_414 = tpu.vector_load %arg6[%get3A_411, %get3A_412, %get3A_413] {strides = array<i32>} : memref<4x208x64xf32, #tpu.memory_space<vmem>>, vector<1x1x16xf32>,
        %get3A_415 = vector.shape_cast %get3A_414 : vector<1x1x16xf32> to vector<16xf32>
        %add3A_416 = arith.addf %add3A_386, %get3A_415 : vector<16xf32>
        %get3A_417 = arith.constant 0 : i32
        %get3A_418 = arith.index_cast %get3A_417 : i32 to index
        %get3A_419 = arith.index_cast %add3A_409 : i32 to index
        %get3A_420 = arith.constant 16 : index
        %get3A_421 = tpu.vector_load %arg6[%get3A_418, %get3A_419, %get3A_420] {strides = array<i32>} : memref<4x208x64xf32, #tpu.memory_space<vmem>>, vector<1x1x16xf32>,
        %get3A_422 = vector.shape_cast %get3A_421 : vector<1x1x16xf32> to vector<16xf32>
        %add3A_423 = arith.addf %add3A_393, %get3A_422 : vector<16xf32>
        %get3A_424 = arith.constant 0 : i32
        %get3A_425 = arith.index_cast %get3A_424 : i32 to index
        %get3A_426 = arith.index_cast %add3A_409 : i32 to index
        %get3A_427 = arith.constant 32 : index
        %get3A_428 = tpu.vector_load %arg6[%get3A_425, %get3A_426, %get3A_427] {strides = array<i32>} : memref<4x208x64xf32, #tpu.memory_space<vmem>>, vector<1x1x16xf32>,
        %get3A_429 = vector.shape_cast %get3A_428 : vector<1x1x16xf32> to vector<16xf32>
        %add3A_430 = arith.addf %add3A_400, %get3A_429 : vector<16xf32>
        %get3A_431 = arith.constant 0 : i32
        %get3A_432 = arith.index_cast %get3A_431 : i32 to index
        %get3A_433 = arith.index_cast %add3A_409 : i32 to index
        %get3A_434 = arith.constant 48 : index
        %get3A_435 = tpu.vector_load %arg6[%get3A_432, %get3A_433, %get3A_434] {strides = array<i32>} : memref<4x208x64xf32, #tpu.memory_space<vmem>>, vector<1x1x16xf32>,
        %get3A_436 = vector.shape_cast %get3A_435 : vector<1x1x16xf32> to vector<16xf32>
        %add3A_437 = arith.addf %add3A_407, %get3A_436 : vector<16xf32>
        %add3A_438 = arith.constant 3 : i32
        %add3A_439 = arith.addi %mul3A_348, %add3A_438 : i32
        %get3A_440 = arith.constant 0 : i32
        %get3A_441 = arith.index_cast %get3A_440 : i32 to index
        %get3A_442 = arith.index_cast %add3A_439 : i32 to index
        %get3A_443 = arith.constant 0 : index
        %get3A_444 = tpu.vector_load %arg6[%get3A_441, %get3A_442, %get3A_443] {strides = array<i32>} : memref<4x208x64xf32, #tpu.memory_space<vmem>>, vector<1x1x16xf32>,
        %get3A_445 = vector.shape_cast %get3A_444 : vector<1x1x16xf32> to vector<16xf32>
        %add3A_446 = arith.addf %add3A_416, %get3A_445 : vector<16xf32>
        %get3A_447 = arith.constant 0 : i32
        %get3A_448 = arith.index_cast %get3A_447 : i32 to index
        %get3A_449 = arith.index_cast %add3A_439 : i32 to index
        %get3A_450 = arith.constant 16 : index
        %get3A_451 = tpu.vector_load %arg6[%get3A_448, %get3A_449, %get3A_450] {strides = array<i32>} : memref<4x208x64xf32, #tpu.memory_space<vmem>>, vector<1x1x16xf32>,
        %get3A_452 = vector.shape_cast %get3A_451 : vector<1x1x16xf32> to vector<16xf32>
        %add3A_453 = arith.addf %add3A_423, %get3A_452 : vector<16xf32>
        %get3A_454 = arith.constant 0 : i32
        %get3A_455 = arith.index_cast %get3A_454 : i32 to index
        %get3A_456 = arith.index_cast %add3A_439 : i32 to index
        %get3A_457 = arith.constant 32 : index
        %get3A_458 = tpu.vector_load %arg6[%get3A_455, %get3A_456, %get3A_457] {strides = array<i32>} : memref<4x208x64xf32, #tpu.memory_space<vmem>>, vector<1x1x16xf32>,
        %get3A_459 = vector.shape_cast %get3A_458 : vector<1x1x16xf32> to vector<16xf32>
        %add3A_460 = arith.addf %add3A_430, %get3A_459 : vector<16xf32>
        %get3A_461 = arith.constant 0 : i32
        %get3A_462 = arith.index_cast %get3A_461 : i32 to index
        %get3A_463 = arith.index_cast %add3A_439 : i32 to index
        %get3A_464 = arith.constant 48 : index
        %get3A_465 = tpu.vector_load %arg6[%get3A_462, %get3A_463, %get3A_464] {strides = array<i32>} : memref<4x208x64xf32, #tpu.memory_space<vmem>>, vector<1x1x16xf32>,
        %get3A_466 = vector.shape_cast %get3A_465 : vector<1x1x16xf32> to vector<16xf32>
        %add3A_467 = arith.addf %add3A_437, %get3A_466 : vector<16xf32>
        %add3A_468 = arith.constant 4 : i32
        %add3A_469 = arith.addi %mul3A_348, %add3A_468 : i32
        %get3A_470 = arith.constant 0 : i32
        %get3A_471 = arith.index_cast %get3A_470 : i32 to index
        %get3A_472 = arith.index_cast %add3A_469 : i32 to index
        %get3A_473 = arith.constant 0 : index
        %get3A_474 = tpu.vector_load %arg6[%get3A_471, %get3A_472, %get3A_473] {strides = array<i32>} : memref<4x208x64xf32, #tpu.memory_space<vmem>>, vector<1x1x16xf32>,
        %get3A_475 = vector.shape_cast %get3A_474 : vector<1x1x16xf32> to vector<16xf32>
        %add3A_476 = arith.addf %add3A_446, %get3A_475 : vector<16xf32>
        %get3A_477 = arith.constant 0 : i32
        %get3A_478 = arith.index_cast %get3A_477 : i32 to index
        %get3A_479 = arith.index_cast %add3A_469 : i32 to index
        %get3A_480 = arith.constant 16 : index
        %get3A_481 = tpu.vector_load %arg6[%get3A_478, %get3A_479, %get3A_480] {strides = array<i32>} : memref<4x208x64xf32, #tpu.memory_space<vmem>>, vector<1x1x16xf32>,
        %get3A_482 = vector.shape_cast %get3A_481 : vector<1x1x16xf32> to vector<16xf32>
        %add3A_483 = arith.addf %add3A_453, %get3A_482 : vector<16xf32>
        %get3A_484 = arith.constant 0 : i32
        %get3A_485 = arith.index_cast %get3A_484 : i32 to index
        %get3A_486 = arith.index_cast %add3A_469 : i32 to index
        %get3A_487 = arith.constant 32 : index
        %get3A_488 = tpu.vector_load %arg6[%get3A_485, %get3A_486, %get3A_487] {strides = array<i32>} : memref<4x208x64xf32, #tpu.memory_space<vmem>>, vector<1x1x16xf32>,
        %get3A_489 = vector.shape_cast %get3A_488 : vector<1x1x16xf32> to vector<16xf32>
        %add3A_490 = arith.addf %add3A_460, %get3A_489 : vector<16xf32>
        %get3A_491 = arith.constant 0 : i32
        %get3A_492 = arith.index_cast %get3A_491 : i32 to index
        %get3A_493 = arith.index_cast %add3A_469 : i32 to index
        %get3A_494 = arith.constant 48 : index
        %get3A_495 = tpu.vector_load %arg6[%get3A_492, %get3A_493, %get3A_494] {strides = array<i32>} : memref<4x208x64xf32, #tpu.memory_space<vmem>>, vector<1x1x16xf32>,
        %get3A_496 = vector.shape_cast %get3A_495 : vector<1x1x16xf32> to vector<16xf32>
        %add3A_497 = arith.addf %add3A_467, %get3A_496 : vector<16xf32>
        %add3A_498 = arith.constant 5 : i32
        %add3A_499 = arith.addi %mul3A_348, %add3A_498 : i32
        %get3A_500 = arith.constant 0 : i32
        %get3A_501 = arith.index_cast %get3A_500 : i32 to index
        %get3A_502 = arith.index_cast %add3A_499 : i32 to index
        %get3A_503 = arith.constant 0 : index
        %get3A_504 = tpu.vector_load %arg6[%get3A_501, %get3A_502, %get3A_503] {strides = array<i32>} : memref<4x208x64xf32, #tpu.memory_space<vmem>>, vector<1x1x16xf32>,
        %get3A_505 = vector.shape_cast %get3A_504 : vector<1x1x16xf32> to vector<16xf32>
        %add3A_506 = arith.addf %add3A_476, %get3A_505 : vector<16xf32>
        %get3A_507 = arith.constant 0 : i32
        %get3A_508 = arith.index_cast %get3A_507 : i32 to index
        %get3A_509 = arith.index_cast %add3A_499 : i32 to index
        %get3A_510 = arith.constant 16 : index
        %get3A_511 = tpu.vector_load %arg6[%get3A_508, %get3A_509, %get3A_510] {strides = array<i32>} : memref<4x208x64xf32, #tpu.memory_space<vmem>>, vector<1x1x16xf32>,
        %get3A_512 = vector.shape_cast %get3A_511 : vector<1x1x16xf32> to vector<16xf32>
        %add3A_513 = arith.addf %add3A_483, %get3A_512 : vector<16xf32>
        %get3A_514 = arith.constant 0 : i32
        %get3A_515 = arith.index_cast %get3A_514 : i32 to index
        %get3A_516 = arith.index_cast %add3A_499 : i32 to index
        %get3A_517 = arith.constant 32 : index
        %get3A_518 = tpu.vector_load %arg6[%get3A_515, %get3A_516, %get3A_517] {strides = array<i32>} : memref<4x208x64xf32, #tpu.memory_space<vmem>>, vector<1x1x16xf32>,
        %get3A_519 = vector.shape_cast %get3A_518 : vector<1x1x16xf32> to vector<16xf32>
        %add3A_520 = arith.addf %add3A_490, %get3A_519 : vector<16xf32>
        %get3A_521 = arith.constant 0 : i32
        %get3A_522 = arith.index_cast %get3A_521 : i32 to index
        %get3A_523 = arith.index_cast %add3A_499 : i32 to index
        %get3A_524 = arith.constant 48 : index
        %get3A_525 = tpu.vector_load %arg6[%get3A_522, %get3A_523, %get3A_524] {strides = array<i32>} : memref<4x208x64xf32, #tpu.memory_space<vmem>>, vector<1x1x16xf32>,
        %get3A_526 = vector.shape_cast %get3A_525 : vector<1x1x16xf32> to vector<16xf32>
        %add3A_527 = arith.addf %add3A_497, %get3A_526 : vector<16xf32>
        %add3A_528 = arith.constant 6 : i32
        %add3A_529 = arith.addi %mul3A_348, %add3A_528 : i32
        %get3A_530 = arith.constant 0 : i32
        %get3A_531 = arith.index_cast %get3A_530 : i32 to index
        %get3A_532 = arith.index_cast %add3A_529 : i32 to index
        %get3A_533 = arith.constant 0 : index
        %get3A_534 = tpu.vector_load %arg6[%get3A_531, %get3A_532, %get3A_533] {strides = array<i32>} : memref<4x208x64xf32, #tpu.memory_space<vmem>>, vector<1x1x16xf32>,
        %get3A_535 = vector.shape_cast %get3A_534 : vector<1x1x16xf32> to vector<16xf32>
        %add3A_536 = arith.addf %add3A_506, %get3A_535 : vector<16xf32>
        %get3A_537 = arith.constant 0 : i32
        %get3A_538 = arith.index_cast %get3A_537 : i32 to index
        %get3A_539 = arith.index_cast %add3A_529 : i32 to index
        %get3A_540 = arith.constant 16 : index
        %get3A_541 = tpu.vector_load %arg6[%get3A_538, %get3A_539, %get3A_540] {strides = array<i32>} : memref<4x208x64xf32, #tpu.memory_space<vmem>>, vector<1x1x16xf32>,
        %get3A_542 = vector.shape_cast %get3A_541 : vector<1x1x16xf32> to vector<16xf32>
        %add3A_543 = arith.addf %add3A_513, %get3A_542 : vector<16xf32>
        %get3A_544 = arith.constant 0 : i32
        %get3A_545 = arith.index_cast %get3A_544 : i32 to index
        %get3A_546 = arith.index_cast %add3A_529 : i32 to index
        %get3A_547 = arith.constant 32 : index
        %get3A_548 = tpu.vector_load %arg6[%get3A_545, %get3A_546, %get3A_547] {strides = array<i32>} : memref<4x208x64xf32, #tpu.memory_space<vmem>>, vector<1x1x16xf32>,
        %get3A_549 = vector.shape_cast %get3A_548 : vector<1x1x16xf32> to vector<16xf32>
        %add3A_550 = arith.addf %add3A_520, %get3A_549 : vector<16xf32>
        %get3A_551 = arith.constant 0 : i32
        %get3A_552 = arith.index_cast %get3A_551 : i32 to index
        %get3A_553 = arith.index_cast %add3A_529 : i32 to index
        %get3A_554 = arith.constant 48 : index
        %get3A_555 = tpu.vector_load %arg6[%get3A_552, %get3A_553, %get3A_554] {strides = array<i32>} : memref<4x208x64xf32, #tpu.memory_space<vmem>>, vector<1x1x16xf32>,
        %get3A_556 = vector.shape_cast %get3A_555 : vector<1x1x16xf32> to vector<16xf32>
        %add3A_557 = arith.addf %add3A_527, %get3A_556 : vector<16xf32>
        %add3A_558 = arith.constant 7 : i32
        %add3A_559 = arith.addi %mul3A_348, %add3A_558 : i32
        %get3A_560 = arith.constant 0 : i32
        %get3A_561 = arith.index_cast %get3A_560 : i32 to index
        %get3A_562 = arith.index_cast %add3A_559 : i32 to index
        %get3A_563 = arith.constant 0 : index
        %get3A_564 = tpu.vector_load %arg6[%get3A_561, %get3A_562, %get3A_563] {strides = array<i32>} : memref<4x208x64xf32, #tpu.memory_space<vmem>>, vector<1x1x16xf32>,
        %get3A_565 = vector.shape_cast %get3A_564 : vector<1x1x16xf32> to vector<16xf32>
        %add3A_566 = arith.addf %add3A_536, %get3A_565 : vector<16xf32>
        %get3A_567 = arith.constant 0 : i32
        %get3A_568 = arith.index_cast %get3A_567 : i32 to index
        %get3A_569 = arith.index_cast %add3A_559 : i32 to index
        %get3A_570 = arith.constant 16 : index
        %get3A_571 = tpu.vector_load %arg6[%get3A_568, %get3A_569, %get3A_570] {strides = array<i32>} : memref<4x208x64xf32, #tpu.memory_space<vmem>>, vector<1x1x16xf32>,
        %get3A_572 = vector.shape_cast %get3A_571 : vector<1x1x16xf32> to vector<16xf32>
        %add3A_573 = arith.addf %add3A_543, %get3A_572 : vector<16xf32>
        %get3A_574 = arith.constant 0 : i32
        %get3A_575 = arith.index_cast %get3A_574 : i32 to index
        %get3A_576 = arith.index_cast %add3A_559 : i32 to index
        %get3A_577 = arith.constant 32 : index
        %get3A_578 = tpu.vector_load %arg6[%get3A_575, %get3A_576, %get3A_577] {strides = array<i32>} : memref<4x208x64xf32, #tpu.memory_space<vmem>>, vector<1x1x16xf32>,
        %get3A_579 = vector.shape_cast %get3A_578 : vector<1x1x16xf32> to vector<16xf32>
        %add3A_580 = arith.addf %add3A_550, %get3A_579 : vector<16xf32>
        %get3A_581 = arith.constant 0 : i32
        %get3A_582 = arith.index_cast %get3A_581 : i32 to index
        %get3A_583 = arith.index_cast %add3A_559 : i32 to index
        %get3A_584 = arith.constant 48 : index
        %get3A_585 = tpu.vector_load %arg6[%get3A_582, %get3A_583, %get3A_584] {strides = array<i32>} : memref<4x208x64xf32, #tpu.memory_space<vmem>>, vector<1x1x16xf32>,
        %get3A_586 = vector.shape_cast %get3A_585 : vector<1x1x16xf32> to vector<16xf32>
        %add3A_587 = arith.addf %add3A_557, %get3A_586 : vector<16xf32>
        %add3A_588 = arith.constant 8 : i32
        %add3A_589 = arith.addi %mul3A_348, %add3A_588 : i32
        %get3A_590 = arith.constant 0 : i32
        %get3A_591 = arith.index_cast %get3A_590 : i32 to index
        %get3A_592 = arith.index_cast %add3A_589 : i32 to index
        %get3A_593 = arith.constant 0 : index
        %get3A_594 = tpu.vector_load %arg6[%get3A_591, %get3A_592, %get3A_593] {strides = array<i32>} : memref<4x208x64xf32, #tpu.memory_space<vmem>>, vector<1x1x16xf32>,
        %get3A_595 = vector.shape_cast %get3A_594 : vector<1x1x16xf32> to vector<16xf32>
        %add3A_596 = arith.addf %add3A_566, %get3A_595 : vector<16xf32>
        %get3A_597 = arith.constant 0 : i32
        %get3A_598 = arith.index_cast %get3A_597 : i32 to index
        %get3A_599 = arith.index_cast %add3A_589 : i32 to index
        %get3A_600 = arith.constant 16 : index
        %get3A_601 = tpu.vector_load %arg6[%get3A_598, %get3A_599, %get3A_600] {strides = array<i32>} : memref<4x208x64xf32, #tpu.memory_space<vmem>>, vector<1x1x16xf32>,
        %get3A_602 = vector.shape_cast %get3A_601 : vector<1x1x16xf32> to vector<16xf32>
        %add3A_603 = arith.addf %add3A_573, %get3A_602 : vector<16xf32>
        %get3A_604 = arith.constant 0 : i32
        %get3A_605 = arith.index_cast %get3A_604 : i32 to index
        %get3A_606 = arith.index_cast %add3A_589 : i32 to index
        %get3A_607 = arith.constant 32 : index
        %get3A_608 = tpu.vector_load %arg6[%get3A_605, %get3A_606, %get3A_607] {strides = array<i32>} : memref<4x208x64xf32, #tpu.memory_space<vmem>>, vector<1x1x16xf32>,
        %get3A_609 = vector.shape_cast %get3A_608 : vector<1x1x16xf32> to vector<16xf32>
        %add3A_610 = arith.addf %add3A_580, %get3A_609 : vector<16xf32>
        %get3A_611 = arith.constant 0 : i32
        %get3A_612 = arith.index_cast %get3A_611 : i32 to index
        %get3A_613 = arith.index_cast %add3A_589 : i32 to index
        %get3A_614 = arith.constant 48 : index
        %get3A_615 = tpu.vector_load %arg6[%get3A_612, %get3A_613, %get3A_614] {strides = array<i32>} : memref<4x208x64xf32, #tpu.memory_space<vmem>>, vector<1x1x16xf32>,
        %get3A_616 = vector.shape_cast %get3A_615 : vector<1x1x16xf32> to vector<16xf32>
        %add3A_617 = arith.addf %add3A_587, %get3A_616 : vector<16xf32>
        %add3A_618 = arith.constant 9 : i32
        %add3A_619 = arith.addi %mul3A_348, %add3A_618 : i32
        %get3A_620 = arith.constant 0 : i32
        %get3A_621 = arith.index_cast %get3A_620 : i32 to index
        %get3A_622 = arith.index_cast %add3A_619 : i32 to index
        %get3A_623 = arith.constant 0 : index
        %get3A_624 = tpu.vector_load %arg6[%get3A_621, %get3A_622, %get3A_623] {strides = array<i32>} : memref<4x208x64xf32, #tpu.memory_space<vmem>>, vector<1x1x16xf32>,
        %get3A_625 = vector.shape_cast %get3A_624 : vector<1x1x16xf32> to vector<16xf32>
        %add3A_626 = arith.addf %add3A_596, %get3A_625 : vector<16xf32>
        %get3A_627 = arith.constant 0 : i32
        %get3A_628 = arith.index_cast %get3A_627 : i32 to index
        %get3A_629 = arith.index_cast %add3A_619 : i32 to index
        %get3A_630 = arith.constant 16 : index
        %get3A_631 = tpu.vector_load %arg6[%get3A_628, %get3A_629, %get3A_630] {strides = array<i32>} : memref<4x208x64xf32, #tpu.memory_space<vmem>>, vector<1x1x16xf32>,
        %get3A_632 = vector.shape_cast %get3A_631 : vector<1x1x16xf32> to vector<16xf32>
        %add3A_633 = arith.addf %add3A_603, %get3A_632 : vector<16xf32>
        %get3A_634 = arith.constant 0 : i32
        %get3A_635 = arith.index_cast %get3A_634 : i32 to index
        %get3A_636 = arith.index_cast %add3A_619 : i32 to index
        %get3A_637 = arith.constant 32 : index
        %get3A_638 = tpu.vector_load %arg6[%get3A_635, %get3A_636, %get3A_637] {strides = array<i32>} : memref<4x208x64xf32, #tpu.memory_space<vmem>>, vector<1x1x16xf32>,
        %get3A_639 = vector.shape_cast %get3A_638 : vector<1x1x16xf32> to vector<16xf32>
        %add3A_640 = arith.addf %add3A_610, %get3A_639 : vector<16xf32>
        %get3A_641 = arith.constant 0 : i32
        %get3A_642 = arith.index_cast %get3A_641 : i32 to index
        %get3A_643 = arith.index_cast %add3A_619 : i32 to index
        %get3A_644 = arith.constant 48 : index
        %get3A_645 = tpu.vector_load %arg6[%get3A_642, %get3A_643, %get3A_644] {strides = array<i32>} : memref<4x208x64xf32, #tpu.memory_space<vmem>>, vector<1x1x16xf32>,
        %get3A_646 = vector.shape_cast %get3A_645 : vector<1x1x16xf32> to vector<16xf32>
        %add3A_647 = arith.addf %add3A_617, %get3A_646 : vector<16xf32>
        %add3A_648 = arith.constant 10 : i32
        %add3A_649 = arith.addi %mul3A_348, %add3A_648 : i32
        %get3A_650 = arith.constant 0 : i32
        %get3A_651 = arith.index_cast %get3A_650 : i32 to index
        %get3A_652 = arith.index_cast %add3A_649 : i32 to index
        %get3A_653 = arith.constant 0 : index
        %get3A_654 = tpu.vector_load %arg6[%get3A_651, %get3A_652, %get3A_653] {strides = array<i32>} : memref<4x208x64xf32, #tpu.memory_space<vmem>>, vector<1x1x16xf32>,
        %get3A_655 = vector.shape_cast %get3A_654 : vector<1x1x16xf32> to vector<16xf32>
        %add3A_656 = arith.addf %add3A_626, %get3A_655 : vector<16xf32>
        %get3A_657 = arith.constant 0 : i32
        %get3A_658 = arith.index_cast %get3A_657 : i32 to index
        %get3A_659 = arith.index_cast %add3A_649 : i32 to index
        %get3A_660 = arith.constant 16 : index
        %get3A_661 = tpu.vector_load %arg6[%get3A_658, %get3A_659, %get3A_660] {strides = array<i32>} : memref<4x208x64xf32, #tpu.memory_space<vmem>>, vector<1x1x16xf32>,
        %get3A_662 = vector.shape_cast %get3A_661 : vector<1x1x16xf32> to vector<16xf32>
        %add3A_663 = arith.addf %add3A_633, %get3A_662 : vector<16xf32>
        %get3A_664 = arith.constant 0 : i32
        %get3A_665 = arith.index_cast %get3A_664 : i32 to index
        %get3A_666 = arith.index_cast %add3A_649 : i32 to index
        %get3A_667 = arith.constant 32 : index
        %get3A_668 = tpu.vector_load %arg6[%get3A_665, %get3A_666, %get3A_667] {strides = array<i32>} : memref<4x208x64xf32, #tpu.memory_space<vmem>>, vector<1x1x16xf32>,
        %get3A_669 = vector.shape_cast %get3A_668 : vector<1x1x16xf32> to vector<16xf32>
        %add3A_670 = arith.addf %add3A_640, %get3A_669 : vector<16xf32>
        %get3A_671 = arith.constant 0 : i32
        %get3A_672 = arith.index_cast %get3A_671 : i32 to index
        %get3A_673 = arith.index_cast %add3A_649 : i32 to index
        %get3A_674 = arith.constant 48 : index
        %get3A_675 = tpu.vector_load %arg6[%get3A_672, %get3A_673, %get3A_674] {strides = array<i32>} : memref<4x208x64xf32, #tpu.memory_space<vmem>>, vector<1x1x16xf32>,
        %get3A_676 = vector.shape_cast %get3A_675 : vector<1x1x16xf32> to vector<16xf32>
        %add3A_677 = arith.addf %add3A_647, %get3A_676 : vector<16xf32>
        %add3A_678 = arith.constant 11 : i32
        %add3A_679 = arith.addi %mul3A_348, %add3A_678 : i32
        %get3A_680 = arith.constant 0 : i32
        %get3A_681 = arith.index_cast %get3A_680 : i32 to index
        %get3A_682 = arith.index_cast %add3A_679 : i32 to index
        %get3A_683 = arith.constant 0 : index
        %get3A_684 = tpu.vector_load %arg6[%get3A_681, %get3A_682, %get3A_683] {strides = array<i32>} : memref<4x208x64xf32, #tpu.memory_space<vmem>>, vector<1x1x16xf32>,
        %get3A_685 = vector.shape_cast %get3A_684 : vector<1x1x16xf32> to vector<16xf32>
        %add3A_686 = arith.addf %add3A_656, %get3A_685 : vector<16xf32>
        %get3A_687 = arith.constant 0 : i32
        %get3A_688 = arith.index_cast %get3A_687 : i32 to index
        %get3A_689 = arith.index_cast %add3A_679 : i32 to index
        %get3A_690 = arith.constant 16 : index
        %get3A_691 = tpu.vector_load %arg6[%get3A_688, %get3A_689, %get3A_690] {strides = array<i32>} : memref<4x208x64xf32, #tpu.memory_space<vmem>>, vector<1x1x16xf32>,
        %get3A_692 = vector.shape_cast %get3A_691 : vector<1x1x16xf32> to vector<16xf32>
        %add3A_693 = arith.addf %add3A_663, %get3A_692 : vector<16xf32>
        %get3A_694 = arith.constant 0 : i32
        %get3A_695 = arith.index_cast %get3A_694 : i32 to index
        %get3A_696 = arith.index_cast %add3A_679 : i32 to index
        %get3A_697 = arith.constant 32 : index
        %get3A_698 = tpu.vector_load %arg6[%get3A_695, %get3A_696, %get3A_697] {strides = array<i32>} : memref<4x208x64xf32, #tpu.memory_space<vmem>>, vector<1x1x16xf32>,
        %get3A_699 = vector.shape_cast %get3A_698 : vector<1x1x16xf32> to vector<16xf32>
        %add3A_700 = arith.addf %add3A_670, %get3A_699 : vector<16xf32>
        %get3A_701 = arith.constant 0 : i32
        %get3A_702 = arith.index_cast %get3A_701 : i32 to index
        %get3A_703 = arith.index_cast %add3A_679 : i32 to index
        %get3A_704 = arith.constant 48 : index
        %get3A_705 = tpu.vector_load %arg6[%get3A_702, %get3A_703, %get3A_704] {strides = array<i32>} : memref<4x208x64xf32, #tpu.memory_space<vmem>>, vector<1x1x16xf32>,
        %get3A_706 = vector.shape_cast %get3A_705 : vector<1x1x16xf32> to vector<16xf32>
        %add3A_707 = arith.addf %add3A_677, %get3A_706 : vector<16xf32>
        %add3A_708 = arith.constant 12 : i32
        %add3A_709 = arith.addi %mul3A_348, %add3A_708 : i32
        %get3A_710 = arith.constant 0 : i32
        %get3A_711 = arith.index_cast %get3A_710 : i32 to index
        %get3A_712 = arith.index_cast %add3A_709 : i32 to index
        %get3A_713 = arith.constant 0 : index
        %get3A_714 = tpu.vector_load %arg6[%get3A_711, %get3A_712, %get3A_713] {strides = array<i32>} : memref<4x208x64xf32, #tpu.memory_space<vmem>>, vector<1x1x16xf32>,
        %get3A_715 = vector.shape_cast %get3A_714 : vector<1x1x16xf32> to vector<16xf32>
        %add3A_716 = arith.addf %add3A_686, %get3A_715 : vector<16xf32>
        %get3A_717 = arith.constant 0 : i32
        %get3A_718 = arith.index_cast %get3A_717 : i32 to index
        %get3A_719 = arith.index_cast %add3A_709 : i32 to index
        %get3A_720 = arith.constant 16 : index
        %get3A_721 = tpu.vector_load %arg6[%get3A_718, %get3A_719, %get3A_720] {strides = array<i32>} : memref<4x208x64xf32, #tpu.memory_space<vmem>>, vector<1x1x16xf32>,
        %get3A_722 = vector.shape_cast %get3A_721 : vector<1x1x16xf32> to vector<16xf32>
        %add3A_723 = arith.addf %add3A_693, %get3A_722 : vector<16xf32>
        %get3A_724 = arith.constant 0 : i32
        %get3A_725 = arith.index_cast %get3A_724 : i32 to index
        %get3A_726 = arith.index_cast %add3A_709 : i32 to index
        %get3A_727 = arith.constant 32 : index
        %get3A_728 = tpu.vector_load %arg6[%get3A_725, %get3A_726, %get3A_727] {strides = array<i32>} : memref<4x208x64xf32, #tpu.memory_space<vmem>>, vector<1x1x16xf32>,
        %get3A_729 = vector.shape_cast %get3A_728 : vector<1x1x16xf32> to vector<16xf32>
        %add3A_730 = arith.addf %add3A_700, %get3A_729 : vector<16xf32>
        %get3A_731 = arith.constant 0 : i32
        %get3A_732 = arith.index_cast %get3A_731 : i32 to index
        %get3A_733 = arith.index_cast %add3A_709 : i32 to index
        %get3A_734 = arith.constant 48 : index
        %get3A_735 = tpu.vector_load %arg6[%get3A_732, %get3A_733, %get3A_734] {strides = array<i32>} : memref<4x208x64xf32, #tpu.memory_space<vmem>>, vector<1x1x16xf32>,
        %get3A_736 = vector.shape_cast %get3A_735 : vector<1x1x16xf32> to vector<16xf32>
        %add3A_737 = arith.addf %add3A_707, %get3A_736 : vector<16xf32>
        %add3A_738 = arith.constant 13 : i32
        %add3A_739 = arith.addi %mul3A_348, %add3A_738 : i32
        %get3A_740 = arith.constant 0 : i32
        %get3A_741 = arith.index_cast %get3A_740 : i32 to index
        %get3A_742 = arith.index_cast %add3A_739 : i32 to index
        %get3A_743 = arith.constant 0 : index
        %get3A_744 = tpu.vector_load %arg6[%get3A_741, %get3A_742, %get3A_743] {strides = array<i32>} : memref<4x208x64xf32, #tpu.memory_space<vmem>>, vector<1x1x16xf32>,
        %get3A_745 = vector.shape_cast %get3A_744 : vector<1x1x16xf32> to vector<16xf32>
        %add3A_746 = arith.addf %add3A_716, %get3A_745 : vector<16xf32>
        %get3A_747 = arith.constant 0 : i32
        %get3A_748 = arith.index_cast %get3A_747 : i32 to index
        %get3A_749 = arith.index_cast %add3A_739 : i32 to index
        %get3A_750 = arith.constant 16 : index
        %get3A_751 = tpu.vector_load %arg6[%get3A_748, %get3A_749, %get3A_750] {strides = array<i32>} : memref<4x208x64xf32, #tpu.memory_space<vmem>>, vector<1x1x16xf32>,
        %get3A_752 = vector.shape_cast %get3A_751 : vector<1x1x16xf32> to vector<16xf32>
        %add3A_753 = arith.addf %add3A_723, %get3A_752 : vector<16xf32>
        %get3A_754 = arith.constant 0 : i32
        %get3A_755 = arith.index_cast %get3A_754 : i32 to index
        %get3A_756 = arith.index_cast %add3A_739 : i32 to index
        %get3A_757 = arith.constant 32 : index
        %get3A_758 = tpu.vector_load %arg6[%get3A_755, %get3A_756, %get3A_757] {strides = array<i32>} : memref<4x208x64xf32, #tpu.memory_space<vmem>>, vector<1x1x16xf32>,
        %get3A_759 = vector.shape_cast %get3A_758 : vector<1x1x16xf32> to vector<16xf32>
        %add3A_760 = arith.addf %add3A_730, %get3A_759 : vector<16xf32>
        %get3A_761 = arith.constant 0 : i32
        %get3A_762 = arith.index_cast %get3A_761 : i32 to index
        %get3A_763 = arith.index_cast %add3A_739 : i32 to index
        %get3A_764 = arith.constant 48 : index
        %get3A_765 = tpu.vector_load %arg6[%get3A_762, %get3A_763, %get3A_764] {strides = array<i32>} : memref<4x208x64xf32, #tpu.memory_space<vmem>>, vector<1x1x16xf32>,
        %get3A_766 = vector.shape_cast %get3A_765 : vector<1x1x16xf32> to vector<16xf32>
        %add3A_767 = arith.addf %add3A_737, %get3A_766 : vector<16xf32>
        %add3A_768 = arith.constant 14 : i32
        %add3A_769 = arith.addi %mul3A_348, %add3A_768 : i32
        %get3A_770 = arith.constant 0 : i32
        %get3A_771 = arith.index_cast %get3A_770 : i32 to index
        %get3A_772 = arith.index_cast %add3A_769 : i32 to index
        %get3A_773 = arith.constant 0 : index
        %get3A_774 = tpu.vector_load %arg6[%get3A_771, %get3A_772, %get3A_773] {strides = array<i32>} : memref<4x208x64xf32, #tpu.memory_space<vmem>>, vector<1x1x16xf32>,
        %get3A_775 = vector.shape_cast %get3A_774 : vector<1x1x16xf32> to vector<16xf32>
        %add3A_776 = arith.addf %add3A_746, %get3A_775 : vector<16xf32>
        %get3A_777 = arith.constant 0 : i32
        %get3A_778 = arith.index_cast %get3A_777 : i32 to index
        %get3A_779 = arith.index_cast %add3A_769 : i32 to index
        %get3A_780 = arith.constant 16 : index
        %get3A_781 = tpu.vector_load %arg6[%get3A_778, %get3A_779, %get3A_780] {strides = array<i32>} : memref<4x208x64xf32, #tpu.memory_space<vmem>>, vector<1x1x16xf32>,
        %get3A_782 = vector.shape_cast %get3A_781 : vector<1x1x16xf32> to vector<16xf32>
        %add3A_783 = arith.addf %add3A_753, %get3A_782 : vector<16xf32>
        %get3A_784 = arith.constant 0 : i32
        %get3A_785 = arith.index_cast %get3A_784 : i32 to index
        %get3A_786 = arith.index_cast %add3A_769 : i32 to index
        %get3A_787 = arith.constant 32 : index
        %get3A_788 = tpu.vector_load %arg6[%get3A_785, %get3A_786, %get3A_787] {strides = array<i32>} : memref<4x208x64xf32, #tpu.memory_space<vmem>>, vector<1x1x16xf32>,
        %get3A_789 = vector.shape_cast %get3A_788 : vector<1x1x16xf32> to vector<16xf32>
        %add3A_790 = arith.addf %add3A_760, %get3A_789 : vector<16xf32>
        %get3A_791 = arith.constant 0 : i32
        %get3A_792 = arith.index_cast %get3A_791 : i32 to index
        %get3A_793 = arith.index_cast %add3A_769 : i32 to index
        %get3A_794 = arith.constant 48 : index
        %get3A_795 = tpu.vector_load %arg6[%get3A_792, %get3A_793, %get3A_794] {strides = array<i32>} : memref<4x208x64xf32, #tpu.memory_space<vmem>>, vector<1x1x16xf32>,
        %get3A_796 = vector.shape_cast %get3A_795 : vector<1x1x16xf32> to vector<16xf32>
        %add3A_797 = arith.addf %add3A_767, %get3A_796 : vector<16xf32>
        %add3A_798 = arith.constant 15 : i32
        %add3A_799 = arith.addi %mul3A_348, %add3A_798 : i32
        %get3A_800 = arith.constant 0 : i32
        %get3A_801 = arith.index_cast %get3A_800 : i32 to index
        %get3A_802 = arith.index_cast %add3A_799 : i32 to index
        %get3A_803 = arith.constant 0 : index
        %get3A_804 = tpu.vector_load %arg6[%get3A_801, %get3A_802, %get3A_803] {strides = array<i32>} : memref<4x208x64xf32, #tpu.memory_space<vmem>>, vector<1x1x16xf32>,
        %get3A_805 = vector.shape_cast %get3A_804 : vector<1x1x16xf32> to vector<16xf32>
        %add3A_806 = arith.addf %add3A_776, %get3A_805 : vector<16xf32>
        %get3A_807 = arith.constant 0 : i32
        %get3A_808 = arith.index_cast %get3A_807 : i32 to index
        %get3A_809 = arith.index_cast %add3A_799 : i32 to index
        %get3A_810 = arith.constant 16 : index
        %get3A_811 = tpu.vector_load %arg6[%get3A_808, %get3A_809, %get3A_810] {strides = array<i32>} : memref<4x208x64xf32, #tpu.memory_space<vmem>>, vector<1x1x16xf32>,
        %get3A_812 = vector.shape_cast %get3A_811 : vector<1x1x16xf32> to vector<16xf32>
        %add3A_813 = arith.addf %add3A_783, %get3A_812 : vector<16xf32>
        %get3A_814 = arith.constant 0 : i32
        %get3A_815 = arith.index_cast %get3A_814 : i32 to index
        %get3A_816 = arith.index_cast %add3A_799 : i32 to index
        %get3A_817 = arith.constant 32 : index
        %get3A_818 = tpu.vector_load %arg6[%get3A_815, %get3A_816, %get3A_817] {strides = array<i32>} : memref<4x208x64xf32, #tpu.memory_space<vmem>>, vector<1x1x16xf32>,
        %get3A_819 = vector.shape_cast %get3A_818 : vector<1x1x16xf32> to vector<16xf32>
        %add3A_820 = arith.addf %add3A_790, %get3A_819 : vector<16xf32>
        %get3A_821 = arith.constant 0 : i32
        %get3A_822 = arith.index_cast %get3A_821 : i32 to index
        %get3A_823 = arith.index_cast %add3A_799 : i32 to index
        %get3A_824 = arith.constant 48 : index
        %get3A_825 = tpu.vector_load %arg6[%get3A_822, %get3A_823, %get3A_824] {strides = array<i32>} : memref<4x208x64xf32, #tpu.memory_space<vmem>>, vector<1x1x16xf32>,
        %get3A_826 = vector.shape_cast %get3A_825 : vector<1x1x16xf32> to vector<16xf32>
        %add3A_827 = arith.addf %add3A_797, %get3A_826 : vector<16xf32>
        scf.yield %add3A_806, %add3A_813, %add3A_820, %add3A_827 : vector<16xf32>, vector<16xf32>, vector<16xf32>, vector<16xf32>
      }
      %scan3A_130 = arith.constant 13 : i32
      %rem3A = arith.constant 16 : i32
      %rem3A_131 = arith.remsi %add3A_109, %rem3A : i32
      %swap3A = arith.index_cast %rem3A_131 : i32 to index
      %swap3A_132 = arith.constant 0 : index
      %swap3A_133 = tpu.vector_load %arg7[%swap3A, %swap3A_132] {strides = array<i32>} : memref<16x64xf32, #tpu.memory_space<vmem>>, vector<1x16xf32>,
      %swap3A_134 = vector.shape_cast %swap3A_133 : vector<1x16xf32> to vector<16xf32>
      %swap3A_135 = vector.shape_cast %scan3A_129#0 : vector<16xf32> to vector<1x16xf32>
      tpu.vector_store %arg7[%swap3A, %swap3A_132], %swap3A_135 {strides = array<i32>} : memref<16x64xf32, #tpu.memory_space<vmem>>, vector<1x16xf32>,
      %swap3A_136 = arith.index_cast %rem3A_131 : i32 to index
      %swap3A_137 = arith.constant 16 : index
      %swap3A_138 = tpu.vector_load %arg7[%swap3A_136, %swap3A_137] {strides = array<i32>} : memref<16x64xf32, #tpu.memory_space<vmem>>, vector<1x16xf32>,
      %swap3A_139 = vector.shape_cast %swap3A_138 : vector<1x16xf32> to vector<16xf32>
      %swap3A_140 = vector.shape_cast %scan3A_129#1 : vector<16xf32> to vector<1x16xf32>
      tpu.vector_store %arg7[%swap3A_136, %swap3A_137], %swap3A_140 {strides = array<i32>} : memref<16x64xf32, #tpu.memory_space<vmem>>, vector<1x16xf32>,
      %swap3A_141 = arith.index_cast %rem3A_131 : i32 to index
      %swap3A_142 = arith.constant 32 : index
      %swap3A_143 = tpu.vector_load %arg7[%swap3A_141, %swap3A_142] {strides = array<i32>} : memref<16x64xf32, #tpu.memory_space<vmem>>, vector<1x16xf32>,
      %swap3A_144 = vector.shape_cast %swap3A_143 : vector<1x16xf32> to vector<16xf32>
      %swap3A_145 = vector.shape_cast %scan3A_129#2 : vector<16xf32> to vector<1x16xf32>
      tpu.vector_store %arg7[%swap3A_141, %swap3A_142], %swap3A_145 {strides = array<i32>} : memref<16x64xf32, #tpu.memory_space<vmem>>, vector<1x16xf32>,
      %swap3A_146 = arith.index_cast %rem3A_131 : i32 to index
      %swap3A_147 = arith.constant 48 : index
      %swap3A_148 = tpu.vector_load %arg7[%swap3A_146, %swap3A_147] {strides = array<i32>} : memref<16x64xf32, #tpu.memory_space<vmem>>, vector<1x16xf32>,
      %swap3A_149 = vector.shape_cast %swap3A_148 : vector<1x16xf32> to vector<16xf32>
      %swap3A_150 = vector.shape_cast %scan3A_129#3 : vector<16xf32> to vector<1x16xf32>
      tpu.vector_store %arg7[%swap3A_146, %swap3A_147], %swap3A_150 {strides = array<i32>} : memref<16x64xf32, #tpu.memory_space<vmem>>, vector<1x16xf32>,
      %eq3A = arith.constant 15 : i32
      %eq3A_151 = arith.cmpi eq, %rem3A_131, %eq3A : i32
      %convert_element_type3A = arith.extui %eq3A_151 : i1 to i32
      %cond3A = arith.constant 0 : i32
      %cond3A_152 = arith.cmpi ne, %convert_element_type3A, %cond3A : i32
      scf.if %cond3A_152 {
        %add3A_342 = arith.addi %multiple_of3A, %add3A_109 : i32
        %sub3A = arith.constant 15 : i32
        %sub3A_343 = arith.subi %add3A_342, %sub3A : i32
        %multiple_of3A_344 = tpu.assume_multiple %sub3A_343, 16 : i32
        "tpu.region"() ({
          %run_scoped3A = tpu.sem_alloc : memref<!tpu.dma_semaphore, #tpu.memory_space<semaphore_mem>>
          %dma_start3A_345 = arith.constant 0 : i32
          %dma_start3A_346 = tpu.memref_slice %arg4[%multiple_of3A_344, %dma_start3A_345] : memref<9216x64xf32, #tpu.memory_space<hbm>> -> memref<16x64xf32, #tpu.memory_space<hbm>>
          %dma_start3A_347 = arith.constant 0 : i32
          %dma_start3A_348 = tpu.memref_slice %arg4[%multiple_of3A_344, %dma_start3A_347] : memref<9216x64xf32, #tpu.memory_space<hbm>> -> memref<16x64xf32, #tpu.memory_space<hbm>>
          tpu.enqueue_dma source(%arg7 : memref<16x64xf32, #tpu.memory_space<vmem>>) target(%dma_start3A_348 : memref<16x64xf32, #tpu.memory_space<hbm>>) target_semaphore(%run_scoped3A : memref<!tpu.dma_semaphore, #tpu.memory_space<semaphore_mem>>)
          %dma_wait3A_349 = arith.constant 0 : i32
          %dma_wait3A_350 = tpu.memref_slice %arg4[%multiple_of3A_344, %dma_wait3A_349] : memref<9216x64xf32, #tpu.memory_space<hbm>> -> memref<16x64xf32, #tpu.memory_space<hbm>>
          %dma_wait3A_351 = arith.constant 0 : i32
          %dma_wait3A_352 = tpu.memref_slice %arg4[%multiple_of3A_344, %dma_wait3A_351] : memref<9216x64xf32, #tpu.memory_space<hbm>> -> memref<16x64xf32, #tpu.memory_space<hbm>>
          tpu.wait_dma2 semaphore(%run_scoped3A : memref<!tpu.dma_semaphore, #tpu.memory_space<semaphore_mem>>) src(%arg7 : memref<16x64xf32, #tpu.memory_space<vmem>>) dst(%dma_wait3A_352 : memref<16x64xf32, #tpu.memory_space<hbm>>)
          tpu.yield
        }) : () -> ()
      } else {
      }
      %add3A_153 = arith.constant 4 : i32
      %add3A_154 = arith.addi %add3A_109, %add3A_153 : i32
      %lt3A = arith.constant 288 : i32
      %lt3A_155 = arith.cmpi slt, %add3A_154, %lt3A : i32
      %convert_element_type3A_156 = arith.extui %lt3A_155 : i1 to i32
      %cond3A_157 = arith.constant 0 : i32
      %cond3A_158 = arith.cmpi ne, %convert_element_type3A_156, %cond3A_157 : i32
      scf.if %cond3A_158 {
        %add3A_342 = arith.constant 4 : i32
        %add3A_343 = arith.addi %add3A_109, %add3A_342 : i32
        %mul3A_344 = arith.constant 2 : i32
        %mul3A_345 = arith.muli %mul3A_344, %add3A_343 : i32
        %dma_start3A_346 = arith.constant 0 : i32
        %dma_start3A_347 = arith.constant 0 : i32
        %dma_start3A_348 = arith.constant 0 : i32
        %dma_start3A_349 = tpu.memref_slice %arg6[%dma_start3A_346, %dma_start3A_347, %dma_start3A_348] : memref<4x208x64xf32, #tpu.memory_space<vmem>> -> memref<1x104x64xf32, #tpu.memory_space<vmem>>
        %dma_start3A_350 = tpu.memref_squeeze %dma_start3A_349 : memref<1x104x64xf32, #tpu.memory_space<vmem>> -> memref<104x64xf32, #tpu.memory_space<vmem>>
        %dma_start3A_351 = arith.constant 0 : i32
        %dma_start3A_352 = tpu.memref_slice %arg5[%mul3A_345, %dma_start3A_351] : memref<576x104xi32, #tpu.memory_space<vmem>> -> memref<1x104xi32, #tpu.memory_space<vmem>>
        %dma_start3A_353 = tpu.memref_squeeze %dma_start3A_352 : memref<1x104xi32, #tpu.memory_space<vmem>> -> memref<104xi32, #tpu.memory_space<vmem>>
        %dma_start3A_354 = arith.constant 0 : i32
        %dma_start3A_355 = arith.constant 0 : i32
        %dma_start3A_356 = tpu.memref_slice %arg3[%dma_start3A_354, %dma_start3A_355] : memref<100008x64xf32, #tpu.memory_space<hbm>> -> memref<100008x64xf32, #tpu.memory_space<hbm>>
        tpu.enqueue_indirect_dma source(%dma_start3A_356 : memref<100008x64xf32, #tpu.memory_space<hbm>>) target(%dma_start3A_350 : memref<104x64xf32, #tpu.memory_space<vmem>>) offsets(%dma_start3A_353 : memref<104xi32, #tpu.memory_space<vmem>>) semaphore(%arg8 : memref<!tpu.dma_semaphore, #tpu.memory_space<semaphore_mem>>)
        %mul3A_357 = arith.constant 2 : i32
        %mul3A_358 = arith.muli %mul3A_357, %add3A_343 : i32
        %add3A_359 = arith.constant 1 : i32
        %add3A_360 = arith.addi %mul3A_358, %add3A_359 : i32
        %dma_start3A_361 = arith.constant 0 : i32
        %dma_start3A_362 = arith.constant 104 : i32
        %dma_start3A_363 = arith.constant 0 : i32
        %dma_start3A_364 = tpu.memref_slice %arg6[%dma_start3A_361, %dma_start3A_362, %dma_start3A_363] : memref<4x208x64xf32, #tpu.memory_space<vmem>> -> memref<1x104x64xf32, #tpu.memory_space<vmem>>
        %dma_start3A_365 = tpu.memref_squeeze %dma_start3A_364 : memref<1x104x64xf32, #tpu.memory_space<vmem>> -> memref<104x64xf32, #tpu.memory_space<vmem>>
        %dma_start3A_366 = arith.constant 0 : i32
        %dma_start3A_367 = tpu.memref_slice %arg5[%add3A_360, %dma_start3A_366] : memref<576x104xi32, #tpu.memory_space<vmem>> -> memref<1x104xi32, #tpu.memory_space<vmem>>
        %dma_start3A_368 = tpu.memref_squeeze %dma_start3A_367 : memref<1x104xi32, #tpu.memory_space<vmem>> -> memref<104xi32, #tpu.memory_space<vmem>>
        %dma_start3A_369 = arith.constant 0 : i32
        %dma_start3A_370 = arith.constant 0 : i32
        %dma_start3A_371 = tpu.memref_slice %arg3[%dma_start3A_369, %dma_start3A_370] : memref<100008x64xf32, #tpu.memory_space<hbm>> -> memref<100008x64xf32, #tpu.memory_space<hbm>>
        tpu.enqueue_indirect_dma source(%dma_start3A_371 : memref<100008x64xf32, #tpu.memory_space<hbm>>) target(%dma_start3A_365 : memref<104x64xf32, #tpu.memory_space<vmem>>) offsets(%dma_start3A_368 : memref<104xi32, #tpu.memory_space<vmem>>) semaphore(%arg8 : memref<!tpu.dma_semaphore, #tpu.memory_space<semaphore_mem>>)
      } else {
      }
      %mul3A_159 = arith.constant 4 : i32
      %mul3A_160 = arith.muli %scan3A_105, %mul3A_159 : i32
      %add3A_161 = arith.constant 1 : i32
      %add3A_162 = arith.addi %mul3A_160, %add3A_161 : i32
      %dma_wait3A_163 = arith.constant 1 : i32
      %dma_wait3A_164 = arith.constant 0 : i32
      %dma_wait3A_165 = arith.constant 0 : i32
      %dma_wait3A_166 = tpu.memref_slice %arg6[%dma_wait3A_163, %dma_wait3A_164, %dma_wait3A_165] : memref<4x208x64xf32, #tpu.memory_space<vmem>> -> memref<1x208x64xf32, #tpu.memory_space<vmem>>
      %dma_wait3A_167 = tpu.memref_squeeze %dma_wait3A_166 : memref<1x208x64xf32, #tpu.memory_space<vmem>> -> memref<208x64xf32, #tpu.memory_space<vmem>>
      %dma_wait3A_168 = arith.constant 0 : i32
      %dma_wait3A_169 = arith.constant 0 : i32
      %dma_wait3A_170 = tpu.memref_slice %arg3[%dma_wait3A_168, %dma_wait3A_169] : memref<100008x64xf32, #tpu.memory_space<hbm>> -> memref<208x64xf32, #tpu.memory_space<hbm>>
      %dma_wait3A_171 = arith.constant 0 : i32
      %dma_wait3A_172 = arith.constant 0 : i32
      %dma_wait3A_173 = tpu.memref_slice %arg6[%dma_wait3A_163, %dma_wait3A_171, %dma_wait3A_172] : memref<4x208x64xf32, #tpu.memory_space<vmem>> -> memref<1x208x64xf32, #tpu.memory_space<vmem>>
      %dma_wait3A_174 = tpu.memref_squeeze %dma_wait3A_173 : memref<1x208x64xf32, #tpu.memory_space<vmem>> -> memref<208x64xf32, #tpu.memory_space<vmem>>
      %dma_wait3A_175 = arith.constant 0 : i32
      %dma_wait3A_176 = arith.constant 0 : i32
      %dma_wait3A_177 = tpu.memref_slice %arg3[%dma_wait3A_175, %dma_wait3A_176] : memref<100008x64xf32, #tpu.memory_space<hbm>> -> memref<208x64xf32, #tpu.memory_space<hbm>>
      tpu.wait_dma2 semaphore(%arg9 : memref<!tpu.dma_semaphore, #tpu.memory_space<semaphore_mem>>) src(%dma_wait3A_177 : memref<208x64xf32, #tpu.memory_space<hbm>>) dst(%dma_wait3A_174 : memref<208x64xf32, #tpu.memory_space<vmem>>)
      %broadcast_in_dim3A_178 = arith.constant 0.000000e+00 : f32
      %broadcast_in_dim3A_179 = vector.broadcast %broadcast_in_dim3A_178 : f32 to vector<16xf32>
      %scan3A_180 = arith.constant 0 : i32
      %scan3A_181 = arith.constant 13 : i32
      %scan3A_182 = arith.addi %scan3A_180, %scan3A_181 : i32
      %scan3A_183 = arith.constant 1 : i32
      %scan3A_184:4 = scf.for %scan3A_342 = %scan3A_180 to %scan3A_182 step %scan3A_183 iter_args(%scan3A_343 = %broadcast_in_dim3A_179, %scan3A_344 = %broadcast_in_dim3A_179, %scan3A_345 = %broadcast_in_dim3A_179, %scan3A_346 = %broadcast_in_dim3A_179) -> (vector<16xf32>, vector<16xf32>, vector<16xf32>, vector<16xf32>)  : i32 {
        %mul3A_347 = arith.constant 16 : i32
        %mul3A_348 = arith.muli %scan3A_342, %mul3A_347 : i32
        %add3A_349 = arith.constant 0 : i32
        %add3A_350 = arith.addi %mul3A_348, %add3A_349 : i32
        %get3A = arith.constant 1 : i32
        %get3A_351 = arith.index_cast %get3A : i32 to index
        %get3A_352 = arith.index_cast %add3A_350 : i32 to index
        %get3A_353 = arith.constant 0 : index
        %get3A_354 = tpu.vector_load %arg6[%get3A_351, %get3A_352, %get3A_353] {strides = array<i32>} : memref<4x208x64xf32, #tpu.memory_space<vmem>>, vector<1x1x16xf32>,
        %get3A_355 = vector.shape_cast %get3A_354 : vector<1x1x16xf32> to vector<16xf32>
        %add3A_356 = arith.addf %scan3A_343, %get3A_355 : vector<16xf32>
        %get3A_357 = arith.constant 1 : i32
        %get3A_358 = arith.index_cast %get3A_357 : i32 to index
        %get3A_359 = arith.index_cast %add3A_350 : i32 to index
        %get3A_360 = arith.constant 16 : index
        %get3A_361 = tpu.vector_load %arg6[%get3A_358, %get3A_359, %get3A_360] {strides = array<i32>} : memref<4x208x64xf32, #tpu.memory_space<vmem>>, vector<1x1x16xf32>,
        %get3A_362 = vector.shape_cast %get3A_361 : vector<1x1x16xf32> to vector<16xf32>
        %add3A_363 = arith.addf %scan3A_344, %get3A_362 : vector<16xf32>
        %get3A_364 = arith.constant 1 : i32
        %get3A_365 = arith.index_cast %get3A_364 : i32 to index
        %get3A_366 = arith.index_cast %add3A_350 : i32 to index
        %get3A_367 = arith.constant 32 : index
        %get3A_368 = tpu.vector_load %arg6[%get3A_365, %get3A_366, %get3A_367] {strides = array<i32>} : memref<4x208x64xf32, #tpu.memory_space<vmem>>, vector<1x1x16xf32>,
        %get3A_369 = vector.shape_cast %get3A_368 : vector<1x1x16xf32> to vector<16xf32>
        %add3A_370 = arith.addf %scan3A_345, %get3A_369 : vector<16xf32>
        %get3A_371 = arith.constant 1 : i32
        %get3A_372 = arith.index_cast %get3A_371 : i32 to index
        %get3A_373 = arith.index_cast %add3A_350 : i32 to index
        %get3A_374 = arith.constant 48 : index
        %get3A_375 = tpu.vector_load %arg6[%get3A_372, %get3A_373, %get3A_374] {strides = array<i32>} : memref<4x208x64xf32, #tpu.memory_space<vmem>>, vector<1x1x16xf32>,
        %get3A_376 = vector.shape_cast %get3A_375 : vector<1x1x16xf32> to vector<16xf32>
        %add3A_377 = arith.addf %scan3A_346, %get3A_376 : vector<16xf32>
        %add3A_378 = arith.constant 1 : i32
        %add3A_379 = arith.addi %mul3A_348, %add3A_378 : i32
        %get3A_380 = arith.constant 1 : i32
        %get3A_381 = arith.index_cast %get3A_380 : i32 to index
        %get3A_382 = arith.index_cast %add3A_379 : i32 to index
        %get3A_383 = arith.constant 0 : index
        %get3A_384 = tpu.vector_load %arg6[%get3A_381, %get3A_382, %get3A_383] {strides = array<i32>} : memref<4x208x64xf32, #tpu.memory_space<vmem>>, vector<1x1x16xf32>,
        %get3A_385 = vector.shape_cast %get3A_384 : vector<1x1x16xf32> to vector<16xf32>
        %add3A_386 = arith.addf %add3A_356, %get3A_385 : vector<16xf32>
        %get3A_387 = arith.constant 1 : i32
        %get3A_388 = arith.index_cast %get3A_387 : i32 to index
        %get3A_389 = arith.index_cast %add3A_379 : i32 to index
        %get3A_390 = arith.constant 16 : index
        %get3A_391 = tpu.vector_load %arg6[%get3A_388, %get3A_389, %get3A_390] {strides = array<i32>} : memref<4x208x64xf32, #tpu.memory_space<vmem>>, vector<1x1x16xf32>,
        %get3A_392 = vector.shape_cast %get3A_391 : vector<1x1x16xf32> to vector<16xf32>
        %add3A_393 = arith.addf %add3A_363, %get3A_392 : vector<16xf32>
        %get3A_394 = arith.constant 1 : i32
        %get3A_395 = arith.index_cast %get3A_394 : i32 to index
        %get3A_396 = arith.index_cast %add3A_379 : i32 to index
        %get3A_397 = arith.constant 32 : index
        %get3A_398 = tpu.vector_load %arg6[%get3A_395, %get3A_396, %get3A_397] {strides = array<i32>} : memref<4x208x64xf32, #tpu.memory_space<vmem>>, vector<1x1x16xf32>,
        %get3A_399 = vector.shape_cast %get3A_398 : vector<1x1x16xf32> to vector<16xf32>
        %add3A_400 = arith.addf %add3A_370, %get3A_399 : vector<16xf32>
        %get3A_401 = arith.constant 1 : i32
        %get3A_402 = arith.index_cast %get3A_401 : i32 to index
        %get3A_403 = arith.index_cast %add3A_379 : i32 to index
        %get3A_404 = arith.constant 48 : index
        %get3A_405 = tpu.vector_load %arg6[%get3A_402, %get3A_403, %get3A_404] {strides = array<i32>} : memref<4x208x64xf32, #tpu.memory_space<vmem>>, vector<1x1x16xf32>,
        %get3A_406 = vector.shape_cast %get3A_405 : vector<1x1x16xf32> to vector<16xf32>
        %add3A_407 = arith.addf %add3A_377, %get3A_406 : vector<16xf32>
        %add3A_408 = arith.constant 2 : i32
        %add3A_409 = arith.addi %mul3A_348, %add3A_408 : i32
        %get3A_410 = arith.constant 1 : i32
        %get3A_411 = arith.index_cast %get3A_410 : i32 to index
        %get3A_412 = arith.index_cast %add3A_409 : i32 to index
        %get3A_413 = arith.constant 0 : index
        %get3A_414 = tpu.vector_load %arg6[%get3A_411, %get3A_412, %get3A_413] {strides = array<i32>} : memref<4x208x64xf32, #tpu.memory_space<vmem>>, vector<1x1x16xf32>,
        %get3A_415 = vector.shape_cast %get3A_414 : vector<1x1x16xf32> to vector<16xf32>
        %add3A_416 = arith.addf %add3A_386, %get3A_415 : vector<16xf32>
        %get3A_417 = arith.constant 1 : i32
        %get3A_418 = arith.index_cast %get3A_417 : i32 to index
        %get3A_419 = arith.index_cast %add3A_409 : i32 to index
        %get3A_420 = arith.constant 16 : index
        %get3A_421 = tpu.vector_load %arg6[%get3A_418, %get3A_419, %get3A_420] {strides = array<i32>} : memref<4x208x64xf32, #tpu.memory_space<vmem>>, vector<1x1x16xf32>,
        %get3A_422 = vector.shape_cast %get3A_421 : vector<1x1x16xf32> to vector<16xf32>
        %add3A_423 = arith.addf %add3A_393, %get3A_422 : vector<16xf32>
        %get3A_424 = arith.constant 1 : i32
        %get3A_425 = arith.index_cast %get3A_424 : i32 to index
        %get3A_426 = arith.index_cast %add3A_409 : i32 to index
        %get3A_427 = arith.constant 32 : index
        %get3A_428 = tpu.vector_load %arg6[%get3A_425, %get3A_426, %get3A_427] {strides = array<i32>} : memref<4x208x64xf32, #tpu.memory_space<vmem>>, vector<1x1x16xf32>,
        %get3A_429 = vector.shape_cast %get3A_428 : vector<1x1x16xf32> to vector<16xf32>
        %add3A_430 = arith.addf %add3A_400, %get3A_429 : vector<16xf32>
        %get3A_431 = arith.constant 1 : i32
        %get3A_432 = arith.index_cast %get3A_431 : i32 to index
        %get3A_433 = arith.index_cast %add3A_409 : i32 to index
        %get3A_434 = arith.constant 48 : index
        %get3A_435 = tpu.vector_load %arg6[%get3A_432, %get3A_433, %get3A_434] {strides = array<i32>} : memref<4x208x64xf32, #tpu.memory_space<vmem>>, vector<1x1x16xf32>,
        %get3A_436 = vector.shape_cast %get3A_435 : vector<1x1x16xf32> to vector<16xf32>
        %add3A_437 = arith.addf %add3A_407, %get3A_436 : vector<16xf32>
        %add3A_438 = arith.constant 3 : i32
        %add3A_439 = arith.addi %mul3A_348, %add3A_438 : i32
        %get3A_440 = arith.constant 1 : i32
        %get3A_441 = arith.index_cast %get3A_440 : i32 to index
        %get3A_442 = arith.index_cast %add3A_439 : i32 to index
        %get3A_443 = arith.constant 0 : index
        %get3A_444 = tpu.vector_load %arg6[%get3A_441, %get3A_442, %get3A_443] {strides = array<i32>} : memref<4x208x64xf32, #tpu.memory_space<vmem>>, vector<1x1x16xf32>,
        %get3A_445 = vector.shape_cast %get3A_444 : vector<1x1x16xf32> to vector<16xf32>
        %add3A_446 = arith.addf %add3A_416, %get3A_445 : vector<16xf32>
        %get3A_447 = arith.constant 1 : i32
        %get3A_448 = arith.index_cast %get3A_447 : i32 to index
        %get3A_449 = arith.index_cast %add3A_439 : i32 to index
        %get3A_450 = arith.constant 16 : index
        %get3A_451 = tpu.vector_load %arg6[%get3A_448, %get3A_449, %get3A_450] {strides = array<i32>} : memref<4x208x64xf32, #tpu.memory_space<vmem>>, vector<1x1x16xf32>,
        %get3A_452 = vector.shape_cast %get3A_451 : vector<1x1x16xf32> to vector<16xf32>
        %add3A_453 = arith.addf %add3A_423, %get3A_452 : vector<16xf32>
        %get3A_454 = arith.constant 1 : i32
        %get3A_455 = arith.index_cast %get3A_454 : i32 to index
        %get3A_456 = arith.index_cast %add3A_439 : i32 to index
        %get3A_457 = arith.constant 32 : index
        %get3A_458 = tpu.vector_load %arg6[%get3A_455, %get3A_456, %get3A_457] {strides = array<i32>} : memref<4x208x64xf32, #tpu.memory_space<vmem>>, vector<1x1x16xf32>,
        %get3A_459 = vector.shape_cast %get3A_458 : vector<1x1x16xf32> to vector<16xf32>
        %add3A_460 = arith.addf %add3A_430, %get3A_459 : vector<16xf32>
        %get3A_461 = arith.constant 1 : i32
        %get3A_462 = arith.index_cast %get3A_461 : i32 to index
        %get3A_463 = arith.index_cast %add3A_439 : i32 to index
        %get3A_464 = arith.constant 48 : index
        %get3A_465 = tpu.vector_load %arg6[%get3A_462, %get3A_463, %get3A_464] {strides = array<i32>} : memref<4x208x64xf32, #tpu.memory_space<vmem>>, vector<1x1x16xf32>,
        %get3A_466 = vector.shape_cast %get3A_465 : vector<1x1x16xf32> to vector<16xf32>
        %add3A_467 = arith.addf %add3A_437, %get3A_466 : vector<16xf32>
        %add3A_468 = arith.constant 4 : i32
        %add3A_469 = arith.addi %mul3A_348, %add3A_468 : i32
        %get3A_470 = arith.constant 1 : i32
        %get3A_471 = arith.index_cast %get3A_470 : i32 to index
        %get3A_472 = arith.index_cast %add3A_469 : i32 to index
        %get3A_473 = arith.constant 0 : index
        %get3A_474 = tpu.vector_load %arg6[%get3A_471, %get3A_472, %get3A_473] {strides = array<i32>} : memref<4x208x64xf32, #tpu.memory_space<vmem>>, vector<1x1x16xf32>,
        %get3A_475 = vector.shape_cast %get3A_474 : vector<1x1x16xf32> to vector<16xf32>
        %add3A_476 = arith.addf %add3A_446, %get3A_475 : vector<16xf32>
        %get3A_477 = arith.constant 1 : i32
        %get3A_478 = arith.index_cast %get3A_477 : i32 to index
        %get3A_479 = arith.index_cast %add3A_469 : i32 to index
        %get3A_480 = arith.constant 16 : index
        %get3A_481 = tpu.vector_load %arg6[%get3A_478, %get3A_479, %get3A_480] {strides = array<i32>} : memref<4x208x64xf32, #tpu.memory_space<vmem>>, vector<1x1x16xf32>,
        %get3A_482 = vector.shape_cast %get3A_481 : vector<1x1x16xf32> to vector<16xf32>
        %add3A_483 = arith.addf %add3A_453, %get3A_482 : vector<16xf32>
        %get3A_484 = arith.constant 1 : i32
        %get3A_485 = arith.index_cast %get3A_484 : i32 to index
        %get3A_486 = arith.index_cast %add3A_469 : i32 to index
        %get3A_487 = arith.constant 32 : index
        %get3A_488 = tpu.vector_load %arg6[%get3A_485, %get3A_486, %get3A_487] {strides = array<i32>} : memref<4x208x64xf32, #tpu.memory_space<vmem>>, vector<1x1x16xf32>,
        %get3A_489 = vector.shape_cast %get3A_488 : vector<1x1x16xf32> to vector<16xf32>
        %add3A_490 = arith.addf %add3A_460, %get3A_489 : vector<16xf32>
        %get3A_491 = arith.constant 1 : i32
        %get3A_492 = arith.index_cast %get3A_491 : i32 to index
        %get3A_493 = arith.index_cast %add3A_469 : i32 to index
        %get3A_494 = arith.constant 48 : index
        %get3A_495 = tpu.vector_load %arg6[%get3A_492, %get3A_493, %get3A_494] {strides = array<i32>} : memref<4x208x64xf32, #tpu.memory_space<vmem>>, vector<1x1x16xf32>,
        %get3A_496 = vector.shape_cast %get3A_495 : vector<1x1x16xf32> to vector<16xf32>
        %add3A_497 = arith.addf %add3A_467, %get3A_496 : vector<16xf32>
        %add3A_498 = arith.constant 5 : i32
        %add3A_499 = arith.addi %mul3A_348, %add3A_498 : i32
        %get3A_500 = arith.constant 1 : i32
        %get3A_501 = arith.index_cast %get3A_500 : i32 to index
        %get3A_502 = arith.index_cast %add3A_499 : i32 to index
        %get3A_503 = arith.constant 0 : index
        %get3A_504 = tpu.vector_load %arg6[%get3A_501, %get3A_502, %get3A_503] {strides = array<i32>} : memref<4x208x64xf32, #tpu.memory_space<vmem>>, vector<1x1x16xf32>,
        %get3A_505 = vector.shape_cast %get3A_504 : vector<1x1x16xf32> to vector<16xf32>
        %add3A_506 = arith.addf %add3A_476, %get3A_505 : vector<16xf32>
        %get3A_507 = arith.constant 1 : i32
        %get3A_508 = arith.index_cast %get3A_507 : i32 to index
        %get3A_509 = arith.index_cast %add3A_499 : i32 to index
        %get3A_510 = arith.constant 16 : index
        %get3A_511 = tpu.vector_load %arg6[%get3A_508, %get3A_509, %get3A_510] {strides = array<i32>} : memref<4x208x64xf32, #tpu.memory_space<vmem>>, vector<1x1x16xf32>,
        %get3A_512 = vector.shape_cast %get3A_511 : vector<1x1x16xf32> to vector<16xf32>
        %add3A_513 = arith.addf %add3A_483, %get3A_512 : vector<16xf32>
        %get3A_514 = arith.constant 1 : i32
        %get3A_515 = arith.index_cast %get3A_514 : i32 to index
        %get3A_516 = arith.index_cast %add3A_499 : i32 to index
        %get3A_517 = arith.constant 32 : index
        %get3A_518 = tpu.vector_load %arg6[%get3A_515, %get3A_516, %get3A_517] {strides = array<i32>} : memref<4x208x64xf32, #tpu.memory_space<vmem>>, vector<1x1x16xf32>,
        %get3A_519 = vector.shape_cast %get3A_518 : vector<1x1x16xf32> to vector<16xf32>
        %add3A_520 = arith.addf %add3A_490, %get3A_519 : vector<16xf32>
        %get3A_521 = arith.constant 1 : i32
        %get3A_522 = arith.index_cast %get3A_521 : i32 to index
        %get3A_523 = arith.index_cast %add3A_499 : i32 to index
        %get3A_524 = arith.constant 48 : index
        %get3A_525 = tpu.vector_load %arg6[%get3A_522, %get3A_523, %get3A_524] {strides = array<i32>} : memref<4x208x64xf32, #tpu.memory_space<vmem>>, vector<1x1x16xf32>,
        %get3A_526 = vector.shape_cast %get3A_525 : vector<1x1x16xf32> to vector<16xf32>
        %add3A_527 = arith.addf %add3A_497, %get3A_526 : vector<16xf32>
        %add3A_528 = arith.constant 6 : i32
        %add3A_529 = arith.addi %mul3A_348, %add3A_528 : i32
        %get3A_530 = arith.constant 1 : i32
        %get3A_531 = arith.index_cast %get3A_530 : i32 to index
        %get3A_532 = arith.index_cast %add3A_529 : i32 to index
        %get3A_533 = arith.constant 0 : index
        %get3A_534 = tpu.vector_load %arg6[%get3A_531, %get3A_532, %get3A_533] {strides = array<i32>} : memref<4x208x64xf32, #tpu.memory_space<vmem>>, vector<1x1x16xf32>,
        %get3A_535 = vector.shape_cast %get3A_534 : vector<1x1x16xf32> to vector<16xf32>
        %add3A_536 = arith.addf %add3A_506, %get3A_535 : vector<16xf32>
        %get3A_537 = arith.constant 1 : i32
        %get3A_538 = arith.index_cast %get3A_537 : i32 to index
        %get3A_539 = arith.index_cast %add3A_529 : i32 to index
        %get3A_540 = arith.constant 16 : index
        %get3A_541 = tpu.vector_load %arg6[%get3A_538, %get3A_539, %get3A_540] {strides = array<i32>} : memref<4x208x64xf32, #tpu.memory_space<vmem>>, vector<1x1x16xf32>,
        %get3A_542 = vector.shape_cast %get3A_541 : vector<1x1x16xf32> to vector<16xf32>
        %add3A_543 = arith.addf %add3A_513, %get3A_542 : vector<16xf32>
        %get3A_544 = arith.constant 1 : i32
        %get3A_545 = arith.index_cast %get3A_544 : i32 to index
        %get3A_546 = arith.index_cast %add3A_529 : i32 to index
        %get3A_547 = arith.constant 32 : index
        %get3A_548 = tpu.vector_load %arg6[%get3A_545, %get3A_546, %get3A_547] {strides = array<i32>} : memref<4x208x64xf32, #tpu.memory_space<vmem>>, vector<1x1x16xf32>,
        %get3A_549 = vector.shape_cast %get3A_548 : vector<1x1x16xf32> to vector<16xf32>
        %add3A_550 = arith.addf %add3A_520, %get3A_549 : vector<16xf32>
        %get3A_551 = arith.constant 1 : i32
        %get3A_552 = arith.index_cast %get3A_551 : i32 to index
        %get3A_553 = arith.index_cast %add3A_529 : i32 to index
        %get3A_554 = arith.constant 48 : index
        %get3A_555 = tpu.vector_load %arg6[%get3A_552, %get3A_553, %get3A_554] {strides = array<i32>} : memref<4x208x64xf32, #tpu.memory_space<vmem>>, vector<1x1x16xf32>,
        %get3A_556 = vector.shape_cast %get3A_555 : vector<1x1x16xf32> to vector<16xf32>
        %add3A_557 = arith.addf %add3A_527, %get3A_556 : vector<16xf32>
        %add3A_558 = arith.constant 7 : i32
        %add3A_559 = arith.addi %mul3A_348, %add3A_558 : i32
        %get3A_560 = arith.constant 1 : i32
        %get3A_561 = arith.index_cast %get3A_560 : i32 to index
        %get3A_562 = arith.index_cast %add3A_559 : i32 to index
        %get3A_563 = arith.constant 0 : index
        %get3A_564 = tpu.vector_load %arg6[%get3A_561, %get3A_562, %get3A_563] {strides = array<i32>} : memref<4x208x64xf32, #tpu.memory_space<vmem>>, vector<1x1x16xf32>,
        %get3A_565 = vector.shape_cast %get3A_564 : vector<1x1x16xf32> to vector<16xf32>
        %add3A_566 = arith.addf %add3A_536, %get3A_565 : vector<16xf32>
        %get3A_567 = arith.constant 1 : i32
        %get3A_568 = arith.index_cast %get3A_567 : i32 to index
        %get3A_569 = arith.index_cast %add3A_559 : i32 to index
        %get3A_570 = arith.constant 16 : index
        %get3A_571 = tpu.vector_load %arg6[%get3A_568, %get3A_569, %get3A_570] {strides = array<i32>} : memref<4x208x64xf32, #tpu.memory_space<vmem>>, vector<1x1x16xf32>,
        %get3A_572 = vector.shape_cast %get3A_571 : vector<1x1x16xf32> to vector<16xf32>
        %add3A_573 = arith.addf %add3A_543, %get3A_572 : vector<16xf32>
        %get3A_574 = arith.constant 1 : i32
        %get3A_575 = arith.index_cast %get3A_574 : i32 to index
        %get3A_576 = arith.index_cast %add3A_559 : i32 to index
        %get3A_577 = arith.constant 32 : index
        %get3A_578 = tpu.vector_load %arg6[%get3A_575, %get3A_576, %get3A_577] {strides = array<i32>} : memref<4x208x64xf32, #tpu.memory_space<vmem>>, vector<1x1x16xf32>,
        %get3A_579 = vector.shape_cast %get3A_578 : vector<1x1x16xf32> to vector<16xf32>
        %add3A_580 = arith.addf %add3A_550, %get3A_579 : vector<16xf32>
        %get3A_581 = arith.constant 1 : i32
        %get3A_582 = arith.index_cast %get3A_581 : i32 to index
        %get3A_583 = arith.index_cast %add3A_559 : i32 to index
        %get3A_584 = arith.constant 48 : index
        %get3A_585 = tpu.vector_load %arg6[%get3A_582, %get3A_583, %get3A_584] {strides = array<i32>} : memref<4x208x64xf32, #tpu.memory_space<vmem>>, vector<1x1x16xf32>,
        %get3A_586 = vector.shape_cast %get3A_585 : vector<1x1x16xf32> to vector<16xf32>
        %add3A_587 = arith.addf %add3A_557, %get3A_586 : vector<16xf32>
        %add3A_588 = arith.constant 8 : i32
        %add3A_589 = arith.addi %mul3A_348, %add3A_588 : i32
        %get3A_590 = arith.constant 1 : i32
        %get3A_591 = arith.index_cast %get3A_590 : i32 to index
        %get3A_592 = arith.index_cast %add3A_589 : i32 to index
        %get3A_593 = arith.constant 0 : index
        %get3A_594 = tpu.vector_load %arg6[%get3A_591, %get3A_592, %get3A_593] {strides = array<i32>} : memref<4x208x64xf32, #tpu.memory_space<vmem>>, vector<1x1x16xf32>,
        %get3A_595 = vector.shape_cast %get3A_594 : vector<1x1x16xf32> to vector<16xf32>
        %add3A_596 = arith.addf %add3A_566, %get3A_595 : vector<16xf32>
        %get3A_597 = arith.constant 1 : i32
        %get3A_598 = arith.index_cast %get3A_597 : i32 to index
        %get3A_599 = arith.index_cast %add3A_589 : i32 to index
        %get3A_600 = arith.constant 16 : index
        %get3A_601 = tpu.vector_load %arg6[%get3A_598, %get3A_599, %get3A_600] {strides = array<i32>} : memref<4x208x64xf32, #tpu.memory_space<vmem>>, vector<1x1x16xf32>,
        %get3A_602 = vector.shape_cast %get3A_601 : vector<1x1x16xf32> to vector<16xf32>
        %add3A_603 = arith.addf %add3A_573, %get3A_602 : vector<16xf32>
        %get3A_604 = arith.constant 1 : i32
        %get3A_605 = arith.index_cast %get3A_604 : i32 to index
        %get3A_606 = arith.index_cast %add3A_589 : i32 to index
        %get3A_607 = arith.constant 32 : index
        %get3A_608 = tpu.vector_load %arg6[%get3A_605, %get3A_606, %get3A_607] {strides = array<i32>} : memref<4x208x64xf32, #tpu.memory_space<vmem>>, vector<1x1x16xf32>,
        %get3A_609 = vector.shape_cast %get3A_608 : vector<1x1x16xf32> to vector<16xf32>
        %add3A_610 = arith.addf %add3A_580, %get3A_609 : vector<16xf32>
        %get3A_611 = arith.constant 1 : i32
        %get3A_612 = arith.index_cast %get3A_611 : i32 to index
        %get3A_613 = arith.index_cast %add3A_589 : i32 to index
        %get3A_614 = arith.constant 48 : index
        %get3A_615 = tpu.vector_load %arg6[%get3A_612, %get3A_613, %get3A_614] {strides = array<i32>} : memref<4x208x64xf32, #tpu.memory_space<vmem>>, vector<1x1x16xf32>,
        %get3A_616 = vector.shape_cast %get3A_615 : vector<1x1x16xf32> to vector<16xf32>
        %add3A_617 = arith.addf %add3A_587, %get3A_616 : vector<16xf32>
        %add3A_618 = arith.constant 9 : i32
        %add3A_619 = arith.addi %mul3A_348, %add3A_618 : i32
        %get3A_620 = arith.constant 1 : i32
        %get3A_621 = arith.index_cast %get3A_620 : i32 to index
        %get3A_622 = arith.index_cast %add3A_619 : i32 to index
        %get3A_623 = arith.constant 0 : index
        %get3A_624 = tpu.vector_load %arg6[%get3A_621, %get3A_622, %get3A_623] {strides = array<i32>} : memref<4x208x64xf32, #tpu.memory_space<vmem>>, vector<1x1x16xf32>,
        %get3A_625 = vector.shape_cast %get3A_624 : vector<1x1x16xf32> to vector<16xf32>
        %add3A_626 = arith.addf %add3A_596, %get3A_625 : vector<16xf32>
        %get3A_627 = arith.constant 1 : i32
        %get3A_628 = arith.index_cast %get3A_627 : i32 to index
        %get3A_629 = arith.index_cast %add3A_619 : i32 to index
        %get3A_630 = arith.constant 16 : index
        %get3A_631 = tpu.vector_load %arg6[%get3A_628, %get3A_629, %get3A_630] {strides = array<i32>} : memref<4x208x64xf32, #tpu.memory_space<vmem>>, vector<1x1x16xf32>,
        %get3A_632 = vector.shape_cast %get3A_631 : vector<1x1x16xf32> to vector<16xf32>
        %add3A_633 = arith.addf %add3A_603, %get3A_632 : vector<16xf32>
        %get3A_634 = arith.constant 1 : i32
        %get3A_635 = arith.index_cast %get3A_634 : i32 to index
        %get3A_636 = arith.index_cast %add3A_619 : i32 to index
        %get3A_637 = arith.constant 32 : index
        %get3A_638 = tpu.vector_load %arg6[%get3A_635, %get3A_636, %get3A_637] {strides = array<i32>} : memref<4x208x64xf32, #tpu.memory_space<vmem>>, vector<1x1x16xf32>,
        %get3A_639 = vector.shape_cast %get3A_638 : vector<1x1x16xf32> to vector<16xf32>
        %add3A_640 = arith.addf %add3A_610, %get3A_639 : vector<16xf32>
        %get3A_641 = arith.constant 1 : i32
        %get3A_642 = arith.index_cast %get3A_641 : i32 to index
        %get3A_643 = arith.index_cast %add3A_619 : i32 to index
        %get3A_644 = arith.constant 48 : index
        %get3A_645 = tpu.vector_load %arg6[%get3A_642, %get3A_643, %get3A_644] {strides = array<i32>} : memref<4x208x64xf32, #tpu.memory_space<vmem>>, vector<1x1x16xf32>,
        %get3A_646 = vector.shape_cast %get3A_645 : vector<1x1x16xf32> to vector<16xf32>
        %add3A_647 = arith.addf %add3A_617, %get3A_646 : vector<16xf32>
        %add3A_648 = arith.constant 10 : i32
        %add3A_649 = arith.addi %mul3A_348, %add3A_648 : i32
        %get3A_650 = arith.constant 1 : i32
        %get3A_651 = arith.index_cast %get3A_650 : i32 to index
        %get3A_652 = arith.index_cast %add3A_649 : i32 to index
        %get3A_653 = arith.constant 0 : index
        %get3A_654 = tpu.vector_load %arg6[%get3A_651, %get3A_652, %get3A_653] {strides = array<i32>} : memref<4x208x64xf32, #tpu.memory_space<vmem>>, vector<1x1x16xf32>,
        %get3A_655 = vector.shape_cast %get3A_654 : vector<1x1x16xf32> to vector<16xf32>
        %add3A_656 = arith.addf %add3A_626, %get3A_655 : vector<16xf32>
        %get3A_657 = arith.constant 1 : i32
        %get3A_658 = arith.index_cast %get3A_657 : i32 to index
        %get3A_659 = arith.index_cast %add3A_649 : i32 to index
        %get3A_660 = arith.constant 16 : index
        %get3A_661 = tpu.vector_load %arg6[%get3A_658, %get3A_659, %get3A_660] {strides = array<i32>} : memref<4x208x64xf32, #tpu.memory_space<vmem>>, vector<1x1x16xf32>,
        %get3A_662 = vector.shape_cast %get3A_661 : vector<1x1x16xf32> to vector<16xf32>
        %add3A_663 = arith.addf %add3A_633, %get3A_662 : vector<16xf32>
        %get3A_664 = arith.constant 1 : i32
        %get3A_665 = arith.index_cast %get3A_664 : i32 to index
        %get3A_666 = arith.index_cast %add3A_649 : i32 to index
        %get3A_667 = arith.constant 32 : index
        %get3A_668 = tpu.vector_load %arg6[%get3A_665, %get3A_666, %get3A_667] {strides = array<i32>} : memref<4x208x64xf32, #tpu.memory_space<vmem>>, vector<1x1x16xf32>,
        %get3A_669 = vector.shape_cast %get3A_668 : vector<1x1x16xf32> to vector<16xf32>
        %add3A_670 = arith.addf %add3A_640, %get3A_669 : vector<16xf32>
        %get3A_671 = arith.constant 1 : i32
        %get3A_672 = arith.index_cast %get3A_671 : i32 to index
        %get3A_673 = arith.index_cast %add3A_649 : i32 to index
        %get3A_674 = arith.constant 48 : index
        %get3A_675 = tpu.vector_load %arg6[%get3A_672, %get3A_673, %get3A_674] {strides = array<i32>} : memref<4x208x64xf32, #tpu.memory_space<vmem>>, vector<1x1x16xf32>,
        %get3A_676 = vector.shape_cast %get3A_675 : vector<1x1x16xf32> to vector<16xf32>
        %add3A_677 = arith.addf %add3A_647, %get3A_676 : vector<16xf32>
        %add3A_678 = arith.constant 11 : i32
        %add3A_679 = arith.addi %mul3A_348, %add3A_678 : i32
        %get3A_680 = arith.constant 1 : i32
        %get3A_681 = arith.index_cast %get3A_680 : i32 to index
        %get3A_682 = arith.index_cast %add3A_679 : i32 to index
        %get3A_683 = arith.constant 0 : index
        %get3A_684 = tpu.vector_load %arg6[%get3A_681, %get3A_682, %get3A_683] {strides = array<i32>} : memref<4x208x64xf32, #tpu.memory_space<vmem>>, vector<1x1x16xf32>,
        %get3A_685 = vector.shape_cast %get3A_684 : vector<1x1x16xf32> to vector<16xf32>
        %add3A_686 = arith.addf %add3A_656, %get3A_685 : vector<16xf32>
        %get3A_687 = arith.constant 1 : i32
        %get3A_688 = arith.index_cast %get3A_687 : i32 to index
        %get3A_689 = arith.index_cast %add3A_679 : i32 to index
        %get3A_690 = arith.constant 16 : index
        %get3A_691 = tpu.vector_load %arg6[%get3A_688, %get3A_689, %get3A_690] {strides = array<i32>} : memref<4x208x64xf32, #tpu.memory_space<vmem>>, vector<1x1x16xf32>,
        %get3A_692 = vector.shape_cast %get3A_691 : vector<1x1x16xf32> to vector<16xf32>
        %add3A_693 = arith.addf %add3A_663, %get3A_692 : vector<16xf32>
        %get3A_694 = arith.constant 1 : i32
        %get3A_695 = arith.index_cast %get3A_694 : i32 to index
        %get3A_696 = arith.index_cast %add3A_679 : i32 to index
        %get3A_697 = arith.constant 32 : index
        %get3A_698 = tpu.vector_load %arg6[%get3A_695, %get3A_696, %get3A_697] {strides = array<i32>} : memref<4x208x64xf32, #tpu.memory_space<vmem>>, vector<1x1x16xf32>,
        %get3A_699 = vector.shape_cast %get3A_698 : vector<1x1x16xf32> to vector<16xf32>
        %add3A_700 = arith.addf %add3A_670, %get3A_699 : vector<16xf32>
        %get3A_701 = arith.constant 1 : i32
        %get3A_702 = arith.index_cast %get3A_701 : i32 to index
        %get3A_703 = arith.index_cast %add3A_679 : i32 to index
        %get3A_704 = arith.constant 48 : index
        %get3A_705 = tpu.vector_load %arg6[%get3A_702, %get3A_703, %get3A_704] {strides = array<i32>} : memref<4x208x64xf32, #tpu.memory_space<vmem>>, vector<1x1x16xf32>,
        %get3A_706 = vector.shape_cast %get3A_705 : vector<1x1x16xf32> to vector<16xf32>
        %add3A_707 = arith.addf %add3A_677, %get3A_706 : vector<16xf32>
        %add3A_708 = arith.constant 12 : i32
        %add3A_709 = arith.addi %mul3A_348, %add3A_708 : i32
        %get3A_710 = arith.constant 1 : i32
        %get3A_711 = arith.index_cast %get3A_710 : i32 to index
        %get3A_712 = arith.index_cast %add3A_709 : i32 to index
        %get3A_713 = arith.constant 0 : index
        %get3A_714 = tpu.vector_load %arg6[%get3A_711, %get3A_712, %get3A_713] {strides = array<i32>} : memref<4x208x64xf32, #tpu.memory_space<vmem>>, vector<1x1x16xf32>,
        %get3A_715 = vector.shape_cast %get3A_714 : vector<1x1x16xf32> to vector<16xf32>
        %add3A_716 = arith.addf %add3A_686, %get3A_715 : vector<16xf32>
        %get3A_717 = arith.constant 1 : i32
        %get3A_718 = arith.index_cast %get3A_717 : i32 to index
        %get3A_719 = arith.index_cast %add3A_709 : i32 to index
        %get3A_720 = arith.constant 16 : index
        %get3A_721 = tpu.vector_load %arg6[%get3A_718, %get3A_719, %get3A_720] {strides = array<i32>} : memref<4x208x64xf32, #tpu.memory_space<vmem>>, vector<1x1x16xf32>,
        %get3A_722 = vector.shape_cast %get3A_721 : vector<1x1x16xf32> to vector<16xf32>
        %add3A_723 = arith.addf %add3A_693, %get3A_722 : vector<16xf32>
        %get3A_724 = arith.constant 1 : i32
        %get3A_725 = arith.index_cast %get3A_724 : i32 to index
        %get3A_726 = arith.index_cast %add3A_709 : i32 to index
        %get3A_727 = arith.constant 32 : index
        %get3A_728 = tpu.vector_load %arg6[%get3A_725, %get3A_726, %get3A_727] {strides = array<i32>} : memref<4x208x64xf32, #tpu.memory_space<vmem>>, vector<1x1x16xf32>,
        %get3A_729 = vector.shape_cast %get3A_728 : vector<1x1x16xf32> to vector<16xf32>
        %add3A_730 = arith.addf %add3A_700, %get3A_729 : vector<16xf32>
        %get3A_731 = arith.constant 1 : i32
        %get3A_732 = arith.index_cast %get3A_731 : i32 to index
        %get3A_733 = arith.index_cast %add3A_709 : i32 to index
        %get3A_734 = arith.constant 48 : index
        %get3A_735 = tpu.vector_load %arg6[%get3A_732, %get3A_733, %get3A_734] {strides = array<i32>} : memref<4x208x64xf32, #tpu.memory_space<vmem>>, vector<1x1x16xf32>,
        %get3A_736 = vector.shape_cast %get3A_735 : vector<1x1x16xf32> to vector<16xf32>
        %add3A_737 = arith.addf %add3A_707, %get3A_736 : vector<16xf32>
        %add3A_738 = arith.constant 13 : i32
        %add3A_739 = arith.addi %mul3A_348, %add3A_738 : i32
        %get3A_740 = arith.constant 1 : i32
        %get3A_741 = arith.index_cast %get3A_740 : i32 to index
        %get3A_742 = arith.index_cast %add3A_739 : i32 to index
        %get3A_743 = arith.constant 0 : index
        %get3A_744 = tpu.vector_load %arg6[%get3A_741, %get3A_742, %get3A_743] {strides = array<i32>} : memref<4x208x64xf32, #tpu.memory_space<vmem>>, vector<1x1x16xf32>,
        %get3A_745 = vector.shape_cast %get3A_744 : vector<1x1x16xf32> to vector<16xf32>
        %add3A_746 = arith.addf %add3A_716, %get3A_745 : vector<16xf32>
        %get3A_747 = arith.constant 1 : i32
        %get3A_748 = arith.index_cast %get3A_747 : i32 to index
        %get3A_749 = arith.index_cast %add3A_739 : i32 to index
        %get3A_750 = arith.constant 16 : index
        %get3A_751 = tpu.vector_load %arg6[%get3A_748, %get3A_749, %get3A_750] {strides = array<i32>} : memref<4x208x64xf32, #tpu.memory_space<vmem>>, vector<1x1x16xf32>,
        %get3A_752 = vector.shape_cast %get3A_751 : vector<1x1x16xf32> to vector<16xf32>
        %add3A_753 = arith.addf %add3A_723, %get3A_752 : vector<16xf32>
        %get3A_754 = arith.constant 1 : i32
        %get3A_755 = arith.index_cast %get3A_754 : i32 to index
        %get3A_756 = arith.index_cast %add3A_739 : i32 to index
        %get3A_757 = arith.constant 32 : index
        %get3A_758 = tpu.vector_load %arg6[%get3A_755, %get3A_756, %get3A_757] {strides = array<i32>} : memref<4x208x64xf32, #tpu.memory_space<vmem>>, vector<1x1x16xf32>,
        %get3A_759 = vector.shape_cast %get3A_758 : vector<1x1x16xf32> to vector<16xf32>
        %add3A_760 = arith.addf %add3A_730, %get3A_759 : vector<16xf32>
        %get3A_761 = arith.constant 1 : i32
        %get3A_762 = arith.index_cast %get3A_761 : i32 to index
        %get3A_763 = arith.index_cast %add3A_739 : i32 to index
        %get3A_764 = arith.constant 48 : index
        %get3A_765 = tpu.vector_load %arg6[%get3A_762, %get3A_763, %get3A_764] {strides = array<i32>} : memref<4x208x64xf32, #tpu.memory_space<vmem>>, vector<1x1x16xf32>,
        %get3A_766 = vector.shape_cast %get3A_765 : vector<1x1x16xf32> to vector<16xf32>
        %add3A_767 = arith.addf %add3A_737, %get3A_766 : vector<16xf32>
        %add3A_768 = arith.constant 14 : i32
        %add3A_769 = arith.addi %mul3A_348, %add3A_768 : i32
        %get3A_770 = arith.constant 1 : i32
        %get3A_771 = arith.index_cast %get3A_770 : i32 to index
        %get3A_772 = arith.index_cast %add3A_769 : i32 to index
        %get3A_773 = arith.constant 0 : index
        %get3A_774 = tpu.vector_load %arg6[%get3A_771, %get3A_772, %get3A_773] {strides = array<i32>} : memref<4x208x64xf32, #tpu.memory_space<vmem>>, vector<1x1x16xf32>,
        %get3A_775 = vector.shape_cast %get3A_774 : vector<1x1x16xf32> to vector<16xf32>
        %add3A_776 = arith.addf %add3A_746, %get3A_775 : vector<16xf32>
        %get3A_777 = arith.constant 1 : i32
        %get3A_778 = arith.index_cast %get3A_777 : i32 to index
        %get3A_779 = arith.index_cast %add3A_769 : i32 to index
        %get3A_780 = arith.constant 16 : index
        %get3A_781 = tpu.vector_load %arg6[%get3A_778, %get3A_779, %get3A_780] {strides = array<i32>} : memref<4x208x64xf32, #tpu.memory_space<vmem>>, vector<1x1x16xf32>,
        %get3A_782 = vector.shape_cast %get3A_781 : vector<1x1x16xf32> to vector<16xf32>
        %add3A_783 = arith.addf %add3A_753, %get3A_782 : vector<16xf32>
        %get3A_784 = arith.constant 1 : i32
        %get3A_785 = arith.index_cast %get3A_784 : i32 to index
        %get3A_786 = arith.index_cast %add3A_769 : i32 to index
        %get3A_787 = arith.constant 32 : index
        %get3A_788 = tpu.vector_load %arg6[%get3A_785, %get3A_786, %get3A_787] {strides = array<i32>} : memref<4x208x64xf32, #tpu.memory_space<vmem>>, vector<1x1x16xf32>,
        %get3A_789 = vector.shape_cast %get3A_788 : vector<1x1x16xf32> to vector<16xf32>
        %add3A_790 = arith.addf %add3A_760, %get3A_789 : vector<16xf32>
        %get3A_791 = arith.constant 1 : i32
        %get3A_792 = arith.index_cast %get3A_791 : i32 to index
        %get3A_793 = arith.index_cast %add3A_769 : i32 to index
        %get3A_794 = arith.constant 48 : index
        %get3A_795 = tpu.vector_load %arg6[%get3A_792, %get3A_793, %get3A_794] {strides = array<i32>} : memref<4x208x64xf32, #tpu.memory_space<vmem>>, vector<1x1x16xf32>,
        %get3A_796 = vector.shape_cast %get3A_795 : vector<1x1x16xf32> to vector<16xf32>
        %add3A_797 = arith.addf %add3A_767, %get3A_796 : vector<16xf32>
        %add3A_798 = arith.constant 15 : i32
        %add3A_799 = arith.addi %mul3A_348, %add3A_798 : i32
        %get3A_800 = arith.constant 1 : i32
        %get3A_801 = arith.index_cast %get3A_800 : i32 to index
        %get3A_802 = arith.index_cast %add3A_799 : i32 to index
        %get3A_803 = arith.constant 0 : index
        %get3A_804 = tpu.vector_load %arg6[%get3A_801, %get3A_802, %get3A_803] {strides = array<i32>} : memref<4x208x64xf32, #tpu.memory_space<vmem>>, vector<1x1x16xf32>,
        %get3A_805 = vector.shape_cast %get3A_804 : vector<1x1x16xf32> to vector<16xf32>
        %add3A_806 = arith.addf %add3A_776, %get3A_805 : vector<16xf32>
        %get3A_807 = arith.constant 1 : i32
        %get3A_808 = arith.index_cast %get3A_807 : i32 to index
        %get3A_809 = arith.index_cast %add3A_799 : i32 to index
        %get3A_810 = arith.constant 16 : index
        %get3A_811 = tpu.vector_load %arg6[%get3A_808, %get3A_809, %get3A_810] {strides = array<i32>} : memref<4x208x64xf32, #tpu.memory_space<vmem>>, vector<1x1x16xf32>,
        %get3A_812 = vector.shape_cast %get3A_811 : vector<1x1x16xf32> to vector<16xf32>
        %add3A_813 = arith.addf %add3A_783, %get3A_812 : vector<16xf32>
        %get3A_814 = arith.constant 1 : i32
        %get3A_815 = arith.index_cast %get3A_814 : i32 to index
        %get3A_816 = arith.index_cast %add3A_799 : i32 to index
        %get3A_817 = arith.constant 32 : index
        %get3A_818 = tpu.vector_load %arg6[%get3A_815, %get3A_816, %get3A_817] {strides = array<i32>} : memref<4x208x64xf32, #tpu.memory_space<vmem>>, vector<1x1x16xf32>,
        %get3A_819 = vector.shape_cast %get3A_818 : vector<1x1x16xf32> to vector<16xf32>
        %add3A_820 = arith.addf %add3A_790, %get3A_819 : vector<16xf32>
        %get3A_821 = arith.constant 1 : i32
        %get3A_822 = arith.index_cast %get3A_821 : i32 to index
        %get3A_823 = arith.index_cast %add3A_799 : i32 to index
        %get3A_824 = arith.constant 48 : index
        %get3A_825 = tpu.vector_load %arg6[%get3A_822, %get3A_823, %get3A_824] {strides = array<i32>} : memref<4x208x64xf32, #tpu.memory_space<vmem>>, vector<1x1x16xf32>,
        %get3A_826 = vector.shape_cast %get3A_825 : vector<1x1x16xf32> to vector<16xf32>
        %add3A_827 = arith.addf %add3A_797, %get3A_826 : vector<16xf32>
        scf.yield %add3A_806, %add3A_813, %add3A_820, %add3A_827 : vector<16xf32>, vector<16xf32>, vector<16xf32>, vector<16xf32>
      }
      %scan3A_185 = arith.constant 13 : i32
      %rem3A_186 = arith.constant 16 : i32
      %rem3A_187 = arith.remsi %add3A_162, %rem3A_186 : i32
      %swap3A_188 = arith.index_cast %rem3A_187 : i32 to index
      %swap3A_189 = arith.constant 0 : index
      %swap3A_190 = tpu.vector_load %arg7[%swap3A_188, %swap3A_189] {strides = array<i32>} : memref<16x64xf32, #tpu.memory_space<vmem>>, vector<1x16xf32>,
      %swap3A_191 = vector.shape_cast %swap3A_190 : vector<1x16xf32> to vector<16xf32>
      %swap3A_192 = vector.shape_cast %scan3A_184#0 : vector<16xf32> to vector<1x16xf32>
      tpu.vector_store %arg7[%swap3A_188, %swap3A_189], %swap3A_192 {strides = array<i32>} : memref<16x64xf32, #tpu.memory_space<vmem>>, vector<1x16xf32>,
      %swap3A_193 = arith.index_cast %rem3A_187 : i32 to index
      %swap3A_194 = arith.constant 16 : index
      %swap3A_195 = tpu.vector_load %arg7[%swap3A_193, %swap3A_194] {strides = array<i32>} : memref<16x64xf32, #tpu.memory_space<vmem>>, vector<1x16xf32>,
      %swap3A_196 = vector.shape_cast %swap3A_195 : vector<1x16xf32> to vector<16xf32>
      %swap3A_197 = vector.shape_cast %scan3A_184#1 : vector<16xf32> to vector<1x16xf32>
      tpu.vector_store %arg7[%swap3A_193, %swap3A_194], %swap3A_197 {strides = array<i32>} : memref<16x64xf32, #tpu.memory_space<vmem>>, vector<1x16xf32>,
      %swap3A_198 = arith.index_cast %rem3A_187 : i32 to index
      %swap3A_199 = arith.constant 32 : index
      %swap3A_200 = tpu.vector_load %arg7[%swap3A_198, %swap3A_199] {strides = array<i32>} : memref<16x64xf32, #tpu.memory_space<vmem>>, vector<1x16xf32>,
      %swap3A_201 = vector.shape_cast %swap3A_200 : vector<1x16xf32> to vector<16xf32>
      %swap3A_202 = vector.shape_cast %scan3A_184#2 : vector<16xf32> to vector<1x16xf32>
      tpu.vector_store %arg7[%swap3A_198, %swap3A_199], %swap3A_202 {strides = array<i32>} : memref<16x64xf32, #tpu.memory_space<vmem>>, vector<1x16xf32>,
      %swap3A_203 = arith.index_cast %rem3A_187 : i32 to index
      %swap3A_204 = arith.constant 48 : index
      %swap3A_205 = tpu.vector_load %arg7[%swap3A_203, %swap3A_204] {strides = array<i32>} : memref<16x64xf32, #tpu.memory_space<vmem>>, vector<1x16xf32>,
      %swap3A_206 = vector.shape_cast %swap3A_205 : vector<1x16xf32> to vector<16xf32>
      %swap3A_207 = vector.shape_cast %scan3A_184#3 : vector<16xf32> to vector<1x16xf32>
      tpu.vector_store %arg7[%swap3A_203, %swap3A_204], %swap3A_207 {strides = array<i32>} : memref<16x64xf32, #tpu.memory_space<vmem>>, vector<1x16xf32>,
      %eq3A_208 = arith.constant 15 : i32
      %eq3A_209 = arith.cmpi eq, %rem3A_187, %eq3A_208 : i32
      %convert_element_type3A_210 = arith.extui %eq3A_209 : i1 to i32
      %cond3A_211 = arith.constant 0 : i32
      %cond3A_212 = arith.cmpi ne, %convert_element_type3A_210, %cond3A_211 : i32
      scf.if %cond3A_212 {
        %add3A_342 = arith.addi %multiple_of3A, %add3A_162 : i32
        %sub3A = arith.constant 15 : i32
        %sub3A_343 = arith.subi %add3A_342, %sub3A : i32
        %multiple_of3A_344 = tpu.assume_multiple %sub3A_343, 16 : i32
        "tpu.region"() ({
          %run_scoped3A = tpu.sem_alloc : memref<!tpu.dma_semaphore, #tpu.memory_space<semaphore_mem>>
          %dma_start3A_345 = arith.constant 0 : i32
          %dma_start3A_346 = tpu.memref_slice %arg4[%multiple_of3A_344, %dma_start3A_345] : memref<9216x64xf32, #tpu.memory_space<hbm>> -> memref<16x64xf32, #tpu.memory_space<hbm>>
          %dma_start3A_347 = arith.constant 0 : i32
          %dma_start3A_348 = tpu.memref_slice %arg4[%multiple_of3A_344, %dma_start3A_347] : memref<9216x64xf32, #tpu.memory_space<hbm>> -> memref<16x64xf32, #tpu.memory_space<hbm>>
          tpu.enqueue_dma source(%arg7 : memref<16x64xf32, #tpu.memory_space<vmem>>) target(%dma_start3A_348 : memref<16x64xf32, #tpu.memory_space<hbm>>) target_semaphore(%run_scoped3A : memref<!tpu.dma_semaphore, #tpu.memory_space<semaphore_mem>>)
          %dma_wait3A_349 = arith.constant 0 : i32
          %dma_wait3A_350 = tpu.memref_slice %arg4[%multiple_of3A_344, %dma_wait3A_349] : memref<9216x64xf32, #tpu.memory_space<hbm>> -> memref<16x64xf32, #tpu.memory_space<hbm>>
          %dma_wait3A_351 = arith.constant 0 : i32
          %dma_wait3A_352 = tpu.memref_slice %arg4[%multiple_of3A_344, %dma_wait3A_351] : memref<9216x64xf32, #tpu.memory_space<hbm>> -> memref<16x64xf32, #tpu.memory_space<hbm>>
          tpu.wait_dma2 semaphore(%run_scoped3A : memref<!tpu.dma_semaphore, #tpu.memory_space<semaphore_mem>>) src(%arg7 : memref<16x64xf32, #tpu.memory_space<vmem>>) dst(%dma_wait3A_352 : memref<16x64xf32, #tpu.memory_space<hbm>>)
          tpu.yield
        }) : () -> ()
      } else {
      }
      %add3A_213 = arith.constant 4 : i32
      %add3A_214 = arith.addi %add3A_162, %add3A_213 : i32
      %lt3A_215 = arith.constant 288 : i32
      %lt3A_216 = arith.cmpi slt, %add3A_214, %lt3A_215 : i32
      %convert_element_type3A_217 = arith.extui %lt3A_216 : i1 to i32
      %cond3A_218 = arith.constant 0 : i32
      %cond3A_219 = arith.cmpi ne, %convert_element_type3A_217, %cond3A_218 : i32
      scf.if %cond3A_219 {
        %add3A_342 = arith.constant 4 : i32
        %add3A_343 = arith.addi %add3A_162, %add3A_342 : i32
        %mul3A_344 = arith.constant 2 : i32
        %mul3A_345 = arith.muli %mul3A_344, %add3A_343 : i32
        %dma_start3A_346 = arith.constant 1 : i32
        %dma_start3A_347 = arith.constant 0 : i32
        %dma_start3A_348 = arith.constant 0 : i32
        %dma_start3A_349 = tpu.memref_slice %arg6[%dma_start3A_346, %dma_start3A_347, %dma_start3A_348] : memref<4x208x64xf32, #tpu.memory_space<vmem>> -> memref<1x104x64xf32, #tpu.memory_space<vmem>>
        %dma_start3A_350 = tpu.memref_squeeze %dma_start3A_349 : memref<1x104x64xf32, #tpu.memory_space<vmem>> -> memref<104x64xf32, #tpu.memory_space<vmem>>
        %dma_start3A_351 = arith.constant 0 : i32
        %dma_start3A_352 = tpu.memref_slice %arg5[%mul3A_345, %dma_start3A_351] : memref<576x104xi32, #tpu.memory_space<vmem>> -> memref<1x104xi32, #tpu.memory_space<vmem>>
        %dma_start3A_353 = tpu.memref_squeeze %dma_start3A_352 : memref<1x104xi32, #tpu.memory_space<vmem>> -> memref<104xi32, #tpu.memory_space<vmem>>
        %dma_start3A_354 = arith.constant 0 : i32
        %dma_start3A_355 = arith.constant 0 : i32
        %dma_start3A_356 = tpu.memref_slice %arg3[%dma_start3A_354, %dma_start3A_355] : memref<100008x64xf32, #tpu.memory_space<hbm>> -> memref<100008x64xf32, #tpu.memory_space<hbm>>
        tpu.enqueue_indirect_dma source(%dma_start3A_356 : memref<100008x64xf32, #tpu.memory_space<hbm>>) target(%dma_start3A_350 : memref<104x64xf32, #tpu.memory_space<vmem>>) offsets(%dma_start3A_353 : memref<104xi32, #tpu.memory_space<vmem>>) semaphore(%arg9 : memref<!tpu.dma_semaphore, #tpu.memory_space<semaphore_mem>>)
        %mul3A_357 = arith.constant 2 : i32
        %mul3A_358 = arith.muli %mul3A_357, %add3A_343 : i32
        %add3A_359 = arith.constant 1 : i32
        %add3A_360 = arith.addi %mul3A_358, %add3A_359 : i32
        %dma_start3A_361 = arith.constant 1 : i32
        %dma_start3A_362 = arith.constant 104 : i32
        %dma_start3A_363 = arith.constant 0 : i32
        %dma_start3A_364 = tpu.memref_slice %arg6[%dma_start3A_361, %dma_start3A_362, %dma_start3A_363] : memref<4x208x64xf32, #tpu.memory_space<vmem>> -> memref<1x104x64xf32, #tpu.memory_space<vmem>>
        %dma_start3A_365 = tpu.memref_squeeze %dma_start3A_364 : memref<1x104x64xf32, #tpu.memory_space<vmem>> -> memref<104x64xf32, #tpu.memory_space<vmem>>
        %dma_start3A_366 = arith.constant 0 : i32
        %dma_start3A_367 = tpu.memref_slice %arg5[%add3A_360, %dma_start3A_366] : memref<576x104xi32, #tpu.memory_space<vmem>> -> memref<1x104xi32, #tpu.memory_space<vmem>>
        %dma_start3A_368 = tpu.memref_squeeze %dma_start3A_367 : memref<1x104xi32, #tpu.memory_space<vmem>> -> memref<104xi32, #tpu.memory_space<vmem>>
        %dma_start3A_369 = arith.constant 0 : i32
        %dma_start3A_370 = arith.constant 0 : i32
        %dma_start3A_371 = tpu.memref_slice %arg3[%dma_start3A_369, %dma_start3A_370] : memref<100008x64xf32, #tpu.memory_space<hbm>> -> memref<100008x64xf32, #tpu.memory_space<hbm>>
        tpu.enqueue_indirect_dma source(%dma_start3A_371 : memref<100008x64xf32, #tpu.memory_space<hbm>>) target(%dma_start3A_365 : memref<104x64xf32, #tpu.memory_space<vmem>>) offsets(%dma_start3A_368 : memref<104xi32, #tpu.memory_space<vmem>>) semaphore(%arg9 : memref<!tpu.dma_semaphore, #tpu.memory_space<semaphore_mem>>)
      } else {
      }
      %mul3A_220 = arith.constant 4 : i32
      %mul3A_221 = arith.muli %scan3A_105, %mul3A_220 : i32
      %add3A_222 = arith.constant 2 : i32
      %add3A_223 = arith.addi %mul3A_221, %add3A_222 : i32
      %dma_wait3A_224 = arith.constant 2 : i32
      %dma_wait3A_225 = arith.constant 0 : i32
      %dma_wait3A_226 = arith.constant 0 : i32
      %dma_wait3A_227 = tpu.memref_slice %arg6[%dma_wait3A_224, %dma_wait3A_225, %dma_wait3A_226] : memref<4x208x64xf32, #tpu.memory_space<vmem>> -> memref<1x208x64xf32, #tpu.memory_space<vmem>>
      %dma_wait3A_228 = tpu.memref_squeeze %dma_wait3A_227 : memref<1x208x64xf32, #tpu.memory_space<vmem>> -> memref<208x64xf32, #tpu.memory_space<vmem>>
      %dma_wait3A_229 = arith.constant 0 : i32
      %dma_wait3A_230 = arith.constant 0 : i32
      %dma_wait3A_231 = tpu.memref_slice %arg3[%dma_wait3A_229, %dma_wait3A_230] : memref<100008x64xf32, #tpu.memory_space<hbm>> -> memref<208x64xf32, #tpu.memory_space<hbm>>
      %dma_wait3A_232 = arith.constant 0 : i32
      %dma_wait3A_233 = arith.constant 0 : i32
      %dma_wait3A_234 = tpu.memref_slice %arg6[%dma_wait3A_224, %dma_wait3A_232, %dma_wait3A_233] : memref<4x208x64xf32, #tpu.memory_space<vmem>> -> memref<1x208x64xf32, #tpu.memory_space<vmem>>
      %dma_wait3A_235 = tpu.memref_squeeze %dma_wait3A_234 : memref<1x208x64xf32, #tpu.memory_space<vmem>> -> memref<208x64xf32, #tpu.memory_space<vmem>>
      %dma_wait3A_236 = arith.constant 0 : i32
      %dma_wait3A_237 = arith.constant 0 : i32
      %dma_wait3A_238 = tpu.memref_slice %arg3[%dma_wait3A_236, %dma_wait3A_237] : memref<100008x64xf32, #tpu.memory_space<hbm>> -> memref<208x64xf32, #tpu.memory_space<hbm>>
      tpu.wait_dma2 semaphore(%arg10 : memref<!tpu.dma_semaphore, #tpu.memory_space<semaphore_mem>>) src(%dma_wait3A_238 : memref<208x64xf32, #tpu.memory_space<hbm>>) dst(%dma_wait3A_235 : memref<208x64xf32, #tpu.memory_space<vmem>>)
      %broadcast_in_dim3A_239 = arith.constant 0.000000e+00 : f32
      %broadcast_in_dim3A_240 = vector.broadcast %broadcast_in_dim3A_239 : f32 to vector<16xf32>
      %scan3A_241 = arith.constant 0 : i32
      %scan3A_242 = arith.constant 13 : i32
      %scan3A_243 = arith.addi %scan3A_241, %scan3A_242 : i32
      %scan3A_244 = arith.constant 1 : i32
      %scan3A_245:4 = scf.for %scan3A_342 = %scan3A_241 to %scan3A_243 step %scan3A_244 iter_args(%scan3A_343 = %broadcast_in_dim3A_240, %scan3A_344 = %broadcast_in_dim3A_240, %scan3A_345 = %broadcast_in_dim3A_240, %scan3A_346 = %broadcast_in_dim3A_240) -> (vector<16xf32>, vector<16xf32>, vector<16xf32>, vector<16xf32>)  : i32 {
        %mul3A_347 = arith.constant 16 : i32
        %mul3A_348 = arith.muli %scan3A_342, %mul3A_347 : i32
        %add3A_349 = arith.constant 0 : i32
        %add3A_350 = arith.addi %mul3A_348, %add3A_349 : i32
        %get3A = arith.constant 2 : i32
        %get3A_351 = arith.index_cast %get3A : i32 to index
        %get3A_352 = arith.index_cast %add3A_350 : i32 to index
        %get3A_353 = arith.constant 0 : index
        %get3A_354 = tpu.vector_load %arg6[%get3A_351, %get3A_352, %get3A_353] {strides = array<i32>} : memref<4x208x64xf32, #tpu.memory_space<vmem>>, vector<1x1x16xf32>,
        %get3A_355 = vector.shape_cast %get3A_354 : vector<1x1x16xf32> to vector<16xf32>
        %add3A_356 = arith.addf %scan3A_343, %get3A_355 : vector<16xf32>
        %get3A_357 = arith.constant 2 : i32
        %get3A_358 = arith.index_cast %get3A_357 : i32 to index
        %get3A_359 = arith.index_cast %add3A_350 : i32 to index
        %get3A_360 = arith.constant 16 : index
        %get3A_361 = tpu.vector_load %arg6[%get3A_358, %get3A_359, %get3A_360] {strides = array<i32>} : memref<4x208x64xf32, #tpu.memory_space<vmem>>, vector<1x1x16xf32>,
        %get3A_362 = vector.shape_cast %get3A_361 : vector<1x1x16xf32> to vector<16xf32>
        %add3A_363 = arith.addf %scan3A_344, %get3A_362 : vector<16xf32>
        %get3A_364 = arith.constant 2 : i32
        %get3A_365 = arith.index_cast %get3A_364 : i32 to index
        %get3A_366 = arith.index_cast %add3A_350 : i32 to index
        %get3A_367 = arith.constant 32 : index
        %get3A_368 = tpu.vector_load %arg6[%get3A_365, %get3A_366, %get3A_367] {strides = array<i32>} : memref<4x208x64xf32, #tpu.memory_space<vmem>>, vector<1x1x16xf32>,
        %get3A_369 = vector.shape_cast %get3A_368 : vector<1x1x16xf32> to vector<16xf32>
        %add3A_370 = arith.addf %scan3A_345, %get3A_369 : vector<16xf32>
        %get3A_371 = arith.constant 2 : i32
        %get3A_372 = arith.index_cast %get3A_371 : i32 to index
        %get3A_373 = arith.index_cast %add3A_350 : i32 to index
        %get3A_374 = arith.constant 48 : index
        %get3A_375 = tpu.vector_load %arg6[%get3A_372, %get3A_373, %get3A_374] {strides = array<i32>} : memref<4x208x64xf32, #tpu.memory_space<vmem>>, vector<1x1x16xf32>,
        %get3A_376 = vector.shape_cast %get3A_375 : vector<1x1x16xf32> to vector<16xf32>
        %add3A_377 = arith.addf %scan3A_346, %get3A_376 : vector<16xf32>
        %add3A_378 = arith.constant 1 : i32
        %add3A_379 = arith.addi %mul3A_348, %add3A_378 : i32
        %get3A_380 = arith.constant 2 : i32
        %get3A_381 = arith.index_cast %get3A_380 : i32 to index
        %get3A_382 = arith.index_cast %add3A_379 : i32 to index
        %get3A_383 = arith.constant 0 : index
        %get3A_384 = tpu.vector_load %arg6[%get3A_381, %get3A_382, %get3A_383] {strides = array<i32>} : memref<4x208x64xf32, #tpu.memory_space<vmem>>, vector<1x1x16xf32>,
        %get3A_385 = vector.shape_cast %get3A_384 : vector<1x1x16xf32> to vector<16xf32>
        %add3A_386 = arith.addf %add3A_356, %get3A_385 : vector<16xf32>
        %get3A_387 = arith.constant 2 : i32
        %get3A_388 = arith.index_cast %get3A_387 : i32 to index
        %get3A_389 = arith.index_cast %add3A_379 : i32 to index
        %get3A_390 = arith.constant 16 : index
        %get3A_391 = tpu.vector_load %arg6[%get3A_388, %get3A_389, %get3A_390] {strides = array<i32>} : memref<4x208x64xf32, #tpu.memory_space<vmem>>, vector<1x1x16xf32>,
        %get3A_392 = vector.shape_cast %get3A_391 : vector<1x1x16xf32> to vector<16xf32>
        %add3A_393 = arith.addf %add3A_363, %get3A_392 : vector<16xf32>
        %get3A_394 = arith.constant 2 : i32
        %get3A_395 = arith.index_cast %get3A_394 : i32 to index
        %get3A_396 = arith.index_cast %add3A_379 : i32 to index
        %get3A_397 = arith.constant 32 : index
        %get3A_398 = tpu.vector_load %arg6[%get3A_395, %get3A_396, %get3A_397] {strides = array<i32>} : memref<4x208x64xf32, #tpu.memory_space<vmem>>, vector<1x1x16xf32>,
        %get3A_399 = vector.shape_cast %get3A_398 : vector<1x1x16xf32> to vector<16xf32>
        %add3A_400 = arith.addf %add3A_370, %get3A_399 : vector<16xf32>
        %get3A_401 = arith.constant 2 : i32
        %get3A_402 = arith.index_cast %get3A_401 : i32 to index
        %get3A_403 = arith.index_cast %add3A_379 : i32 to index
        %get3A_404 = arith.constant 48 : index
        %get3A_405 = tpu.vector_load %arg6[%get3A_402, %get3A_403, %get3A_404] {strides = array<i32>} : memref<4x208x64xf32, #tpu.memory_space<vmem>>, vector<1x1x16xf32>,
        %get3A_406 = vector.shape_cast %get3A_405 : vector<1x1x16xf32> to vector<16xf32>
        %add3A_407 = arith.addf %add3A_377, %get3A_406 : vector<16xf32>
        %add3A_408 = arith.constant 2 : i32
        %add3A_409 = arith.addi %mul3A_348, %add3A_408 : i32
        %get3A_410 = arith.constant 2 : i32
        %get3A_411 = arith.index_cast %get3A_410 : i32 to index
        %get3A_412 = arith.index_cast %add3A_409 : i32 to index
        %get3A_413 = arith.constant 0 : index
        %get3A_414 = tpu.vector_load %arg6[%get3A_411, %get3A_412, %get3A_413] {strides = array<i32>} : memref<4x208x64xf32, #tpu.memory_space<vmem>>, vector<1x1x16xf32>,
        %get3A_415 = vector.shape_cast %get3A_414 : vector<1x1x16xf32> to vector<16xf32>
        %add3A_416 = arith.addf %add3A_386, %get3A_415 : vector<16xf32>
        %get3A_417 = arith.constant 2 : i32
        %get3A_418 = arith.index_cast %get3A_417 : i32 to index
        %get3A_419 = arith.index_cast %add3A_409 : i32 to index
        %get3A_420 = arith.constant 16 : index
        %get3A_421 = tpu.vector_load %arg6[%get3A_418, %get3A_419, %get3A_420] {strides = array<i32>} : memref<4x208x64xf32, #tpu.memory_space<vmem>>, vector<1x1x16xf32>,
        %get3A_422 = vector.shape_cast %get3A_421 : vector<1x1x16xf32> to vector<16xf32>
        %add3A_423 = arith.addf %add3A_393, %get3A_422 : vector<16xf32>
        %get3A_424 = arith.constant 2 : i32
        %get3A_425 = arith.index_cast %get3A_424 : i32 to index
        %get3A_426 = arith.index_cast %add3A_409 : i32 to index
        %get3A_427 = arith.constant 32 : index
        %get3A_428 = tpu.vector_load %arg6[%get3A_425, %get3A_426, %get3A_427] {strides = array<i32>} : memref<4x208x64xf32, #tpu.memory_space<vmem>>, vector<1x1x16xf32>,
        %get3A_429 = vector.shape_cast %get3A_428 : vector<1x1x16xf32> to vector<16xf32>
        %add3A_430 = arith.addf %add3A_400, %get3A_429 : vector<16xf32>
        %get3A_431 = arith.constant 2 : i32
        %get3A_432 = arith.index_cast %get3A_431 : i32 to index
        %get3A_433 = arith.index_cast %add3A_409 : i32 to index
        %get3A_434 = arith.constant 48 : index
        %get3A_435 = tpu.vector_load %arg6[%get3A_432, %get3A_433, %get3A_434] {strides = array<i32>} : memref<4x208x64xf32, #tpu.memory_space<vmem>>, vector<1x1x16xf32>,
        %get3A_436 = vector.shape_cast %get3A_435 : vector<1x1x16xf32> to vector<16xf32>
        %add3A_437 = arith.addf %add3A_407, %get3A_436 : vector<16xf32>
        %add3A_438 = arith.constant 3 : i32
        %add3A_439 = arith.addi %mul3A_348, %add3A_438 : i32
        %get3A_440 = arith.constant 2 : i32
        %get3A_441 = arith.index_cast %get3A_440 : i32 to index
        %get3A_442 = arith.index_cast %add3A_439 : i32 to index
        %get3A_443 = arith.constant 0 : index
        %get3A_444 = tpu.vector_load %arg6[%get3A_441, %get3A_442, %get3A_443] {strides = array<i32>} : memref<4x208x64xf32, #tpu.memory_space<vmem>>, vector<1x1x16xf32>,
        %get3A_445 = vector.shape_cast %get3A_444 : vector<1x1x16xf32> to vector<16xf32>
        %add3A_446 = arith.addf %add3A_416, %get3A_445 : vector<16xf32>
        %get3A_447 = arith.constant 2 : i32
        %get3A_448 = arith.index_cast %get3A_447 : i32 to index
        %get3A_449 = arith.index_cast %add3A_439 : i32 to index
        %get3A_450 = arith.constant 16 : index
        %get3A_451 = tpu.vector_load %arg6[%get3A_448, %get3A_449, %get3A_450] {strides = array<i32>} : memref<4x208x64xf32, #tpu.memory_space<vmem>>, vector<1x1x16xf32>,
        %get3A_452 = vector.shape_cast %get3A_451 : vector<1x1x16xf32> to vector<16xf32>
        %add3A_453 = arith.addf %add3A_423, %get3A_452 : vector<16xf32>
        %get3A_454 = arith.constant 2 : i32
        %get3A_455 = arith.index_cast %get3A_454 : i32 to index
        %get3A_456 = arith.index_cast %add3A_439 : i32 to index
        %get3A_457 = arith.constant 32 : index
        %get3A_458 = tpu.vector_load %arg6[%get3A_455, %get3A_456, %get3A_457] {strides = array<i32>} : memref<4x208x64xf32, #tpu.memory_space<vmem>>, vector<1x1x16xf32>,
        %get3A_459 = vector.shape_cast %get3A_458 : vector<1x1x16xf32> to vector<16xf32>
        %add3A_460 = arith.addf %add3A_430, %get3A_459 : vector<16xf32>
        %get3A_461 = arith.constant 2 : i32
        %get3A_462 = arith.index_cast %get3A_461 : i32 to index
        %get3A_463 = arith.index_cast %add3A_439 : i32 to index
        %get3A_464 = arith.constant 48 : index
        %get3A_465 = tpu.vector_load %arg6[%get3A_462, %get3A_463, %get3A_464] {strides = array<i32>} : memref<4x208x64xf32, #tpu.memory_space<vmem>>, vector<1x1x16xf32>,
        %get3A_466 = vector.shape_cast %get3A_465 : vector<1x1x16xf32> to vector<16xf32>
        %add3A_467 = arith.addf %add3A_437, %get3A_466 : vector<16xf32>
        %add3A_468 = arith.constant 4 : i32
        %add3A_469 = arith.addi %mul3A_348, %add3A_468 : i32
        %get3A_470 = arith.constant 2 : i32
        %get3A_471 = arith.index_cast %get3A_470 : i32 to index
        %get3A_472 = arith.index_cast %add3A_469 : i32 to index
        %get3A_473 = arith.constant 0 : index
        %get3A_474 = tpu.vector_load %arg6[%get3A_471, %get3A_472, %get3A_473] {strides = array<i32>} : memref<4x208x64xf32, #tpu.memory_space<vmem>>, vector<1x1x16xf32>,
        %get3A_475 = vector.shape_cast %get3A_474 : vector<1x1x16xf32> to vector<16xf32>
        %add3A_476 = arith.addf %add3A_446, %get3A_475 : vector<16xf32>
        %get3A_477 = arith.constant 2 : i32
        %get3A_478 = arith.index_cast %get3A_477 : i32 to index
        %get3A_479 = arith.index_cast %add3A_469 : i32 to index
        %get3A_480 = arith.constant 16 : index
        %get3A_481 = tpu.vector_load %arg6[%get3A_478, %get3A_479, %get3A_480] {strides = array<i32>} : memref<4x208x64xf32, #tpu.memory_space<vmem>>, vector<1x1x16xf32>,
        %get3A_482 = vector.shape_cast %get3A_481 : vector<1x1x16xf32> to vector<16xf32>
        %add3A_483 = arith.addf %add3A_453, %get3A_482 : vector<16xf32>
        %get3A_484 = arith.constant 2 : i32
        %get3A_485 = arith.index_cast %get3A_484 : i32 to index
        %get3A_486 = arith.index_cast %add3A_469 : i32 to index
        %get3A_487 = arith.constant 32 : index
        %get3A_488 = tpu.vector_load %arg6[%get3A_485, %get3A_486, %get3A_487] {strides = array<i32>} : memref<4x208x64xf32, #tpu.memory_space<vmem>>, vector<1x1x16xf32>,
        %get3A_489 = vector.shape_cast %get3A_488 : vector<1x1x16xf32> to vector<16xf32>
        %add3A_490 = arith.addf %add3A_460, %get3A_489 : vector<16xf32>
        %get3A_491 = arith.constant 2 : i32
        %get3A_492 = arith.index_cast %get3A_491 : i32 to index
        %get3A_493 = arith.index_cast %add3A_469 : i32 to index
        %get3A_494 = arith.constant 48 : index
        %get3A_495 = tpu.vector_load %arg6[%get3A_492, %get3A_493, %get3A_494] {strides = array<i32>} : memref<4x208x64xf32, #tpu.memory_space<vmem>>, vector<1x1x16xf32>,
        %get3A_496 = vector.shape_cast %get3A_495 : vector<1x1x16xf32> to vector<16xf32>
        %add3A_497 = arith.addf %add3A_467, %get3A_496 : vector<16xf32>
        %add3A_498 = arith.constant 5 : i32
        %add3A_499 = arith.addi %mul3A_348, %add3A_498 : i32
        %get3A_500 = arith.constant 2 : i32
        %get3A_501 = arith.index_cast %get3A_500 : i32 to index
        %get3A_502 = arith.index_cast %add3A_499 : i32 to index
        %get3A_503 = arith.constant 0 : index
        %get3A_504 = tpu.vector_load %arg6[%get3A_501, %get3A_502, %get3A_503] {strides = array<i32>} : memref<4x208x64xf32, #tpu.memory_space<vmem>>, vector<1x1x16xf32>,
        %get3A_505 = vector.shape_cast %get3A_504 : vector<1x1x16xf32> to vector<16xf32>
        %add3A_506 = arith.addf %add3A_476, %get3A_505 : vector<16xf32>
        %get3A_507 = arith.constant 2 : i32
        %get3A_508 = arith.index_cast %get3A_507 : i32 to index
        %get3A_509 = arith.index_cast %add3A_499 : i32 to index
        %get3A_510 = arith.constant 16 : index
        %get3A_511 = tpu.vector_load %arg6[%get3A_508, %get3A_509, %get3A_510] {strides = array<i32>} : memref<4x208x64xf32, #tpu.memory_space<vmem>>, vector<1x1x16xf32>,
        %get3A_512 = vector.shape_cast %get3A_511 : vector<1x1x16xf32> to vector<16xf32>
        %add3A_513 = arith.addf %add3A_483, %get3A_512 : vector<16xf32>
        %get3A_514 = arith.constant 2 : i32
        %get3A_515 = arith.index_cast %get3A_514 : i32 to index
        %get3A_516 = arith.index_cast %add3A_499 : i32 to index
        %get3A_517 = arith.constant 32 : index
        %get3A_518 = tpu.vector_load %arg6[%get3A_515, %get3A_516, %get3A_517] {strides = array<i32>} : memref<4x208x64xf32, #tpu.memory_space<vmem>>, vector<1x1x16xf32>,
        %get3A_519 = vector.shape_cast %get3A_518 : vector<1x1x16xf32> to vector<16xf32>
        %add3A_520 = arith.addf %add3A_490, %get3A_519 : vector<16xf32>
        %get3A_521 = arith.constant 2 : i32
        %get3A_522 = arith.index_cast %get3A_521 : i32 to index
        %get3A_523 = arith.index_cast %add3A_499 : i32 to index
        %get3A_524 = arith.constant 48 : index
        %get3A_525 = tpu.vector_load %arg6[%get3A_522, %get3A_523, %get3A_524] {strides = array<i32>} : memref<4x208x64xf32, #tpu.memory_space<vmem>>, vector<1x1x16xf32>,
        %get3A_526 = vector.shape_cast %get3A_525 : vector<1x1x16xf32> to vector<16xf32>
        %add3A_527 = arith.addf %add3A_497, %get3A_526 : vector<16xf32>
        %add3A_528 = arith.constant 6 : i32
        %add3A_529 = arith.addi %mul3A_348, %add3A_528 : i32
        %get3A_530 = arith.constant 2 : i32
        %get3A_531 = arith.index_cast %get3A_530 : i32 to index
        %get3A_532 = arith.index_cast %add3A_529 : i32 to index
        %get3A_533 = arith.constant 0 : index
        %get3A_534 = tpu.vector_load %arg6[%get3A_531, %get3A_532, %get3A_533] {strides = array<i32>} : memref<4x208x64xf32, #tpu.memory_space<vmem>>, vector<1x1x16xf32>,
        %get3A_535 = vector.shape_cast %get3A_534 : vector<1x1x16xf32> to vector<16xf32>
        %add3A_536 = arith.addf %add3A_506, %get3A_535 : vector<16xf32>
        %get3A_537 = arith.constant 2 : i32
        %get3A_538 = arith.index_cast %get3A_537 : i32 to index
        %get3A_539 = arith.index_cast %add3A_529 : i32 to index
        %get3A_540 = arith.constant 16 : index
        %get3A_541 = tpu.vector_load %arg6[%get3A_538, %get3A_539, %get3A_540] {strides = array<i32>} : memref<4x208x64xf32, #tpu.memory_space<vmem>>, vector<1x1x16xf32>,
        %get3A_542 = vector.shape_cast %get3A_541 : vector<1x1x16xf32> to vector<16xf32>
        %add3A_543 = arith.addf %add3A_513, %get3A_542 : vector<16xf32>
        %get3A_544 = arith.constant 2 : i32
        %get3A_545 = arith.index_cast %get3A_544 : i32 to index
        %get3A_546 = arith.index_cast %add3A_529 : i32 to index
        %get3A_547 = arith.constant 32 : index
        %get3A_548 = tpu.vector_load %arg6[%get3A_545, %get3A_546, %get3A_547] {strides = array<i32>} : memref<4x208x64xf32, #tpu.memory_space<vmem>>, vector<1x1x16xf32>,
        %get3A_549 = vector.shape_cast %get3A_548 : vector<1x1x16xf32> to vector<16xf32>
        %add3A_550 = arith.addf %add3A_520, %get3A_549 : vector<16xf32>
        %get3A_551 = arith.constant 2 : i32
        %get3A_552 = arith.index_cast %get3A_551 : i32 to index
        %get3A_553 = arith.index_cast %add3A_529 : i32 to index
        %get3A_554 = arith.constant 48 : index
        %get3A_555 = tpu.vector_load %arg6[%get3A_552, %get3A_553, %get3A_554] {strides = array<i32>} : memref<4x208x64xf32, #tpu.memory_space<vmem>>, vector<1x1x16xf32>,
        %get3A_556 = vector.shape_cast %get3A_555 : vector<1x1x16xf32> to vector<16xf32>
        %add3A_557 = arith.addf %add3A_527, %get3A_556 : vector<16xf32>
        %add3A_558 = arith.constant 7 : i32
        %add3A_559 = arith.addi %mul3A_348, %add3A_558 : i32
        %get3A_560 = arith.constant 2 : i32
        %get3A_561 = arith.index_cast %get3A_560 : i32 to index
        %get3A_562 = arith.index_cast %add3A_559 : i32 to index
        %get3A_563 = arith.constant 0 : index
        %get3A_564 = tpu.vector_load %arg6[%get3A_561, %get3A_562, %get3A_563] {strides = array<i32>} : memref<4x208x64xf32, #tpu.memory_space<vmem>>, vector<1x1x16xf32>,
        %get3A_565 = vector.shape_cast %get3A_564 : vector<1x1x16xf32> to vector<16xf32>
        %add3A_566 = arith.addf %add3A_536, %get3A_565 : vector<16xf32>
        %get3A_567 = arith.constant 2 : i32
        %get3A_568 = arith.index_cast %get3A_567 : i32 to index
        %get3A_569 = arith.index_cast %add3A_559 : i32 to index
        %get3A_570 = arith.constant 16 : index
        %get3A_571 = tpu.vector_load %arg6[%get3A_568, %get3A_569, %get3A_570] {strides = array<i32>} : memref<4x208x64xf32, #tpu.memory_space<vmem>>, vector<1x1x16xf32>,
        %get3A_572 = vector.shape_cast %get3A_571 : vector<1x1x16xf32> to vector<16xf32>
        %add3A_573 = arith.addf %add3A_543, %get3A_572 : vector<16xf32>
        %get3A_574 = arith.constant 2 : i32
        %get3A_575 = arith.index_cast %get3A_574 : i32 to index
        %get3A_576 = arith.index_cast %add3A_559 : i32 to index
        %get3A_577 = arith.constant 32 : index
        %get3A_578 = tpu.vector_load %arg6[%get3A_575, %get3A_576, %get3A_577] {strides = array<i32>} : memref<4x208x64xf32, #tpu.memory_space<vmem>>, vector<1x1x16xf32>,
        %get3A_579 = vector.shape_cast %get3A_578 : vector<1x1x16xf32> to vector<16xf32>
        %add3A_580 = arith.addf %add3A_550, %get3A_579 : vector<16xf32>
        %get3A_581 = arith.constant 2 : i32
        %get3A_582 = arith.index_cast %get3A_581 : i32 to index
        %get3A_583 = arith.index_cast %add3A_559 : i32 to index
        %get3A_584 = arith.constant 48 : index
        %get3A_585 = tpu.vector_load %arg6[%get3A_582, %get3A_583, %get3A_584] {strides = array<i32>} : memref<4x208x64xf32, #tpu.memory_space<vmem>>, vector<1x1x16xf32>,
        %get3A_586 = vector.shape_cast %get3A_585 : vector<1x1x16xf32> to vector<16xf32>
        %add3A_587 = arith.addf %add3A_557, %get3A_586 : vector<16xf32>
        %add3A_588 = arith.constant 8 : i32
        %add3A_589 = arith.addi %mul3A_348, %add3A_588 : i32
        %get3A_590 = arith.constant 2 : i32
        %get3A_591 = arith.index_cast %get3A_590 : i32 to index
        %get3A_592 = arith.index_cast %add3A_589 : i32 to index
        %get3A_593 = arith.constant 0 : index
        %get3A_594 = tpu.vector_load %arg6[%get3A_591, %get3A_592, %get3A_593] {strides = array<i32>} : memref<4x208x64xf32, #tpu.memory_space<vmem>>, vector<1x1x16xf32>,
        %get3A_595 = vector.shape_cast %get3A_594 : vector<1x1x16xf32> to vector<16xf32>
        %add3A_596 = arith.addf %add3A_566, %get3A_595 : vector<16xf32>
        %get3A_597 = arith.constant 2 : i32
        %get3A_598 = arith.index_cast %get3A_597 : i32 to index
        %get3A_599 = arith.index_cast %add3A_589 : i32 to index
        %get3A_600 = arith.constant 16 : index
        %get3A_601 = tpu.vector_load %arg6[%get3A_598, %get3A_599, %get3A_600] {strides = array<i32>} : memref<4x208x64xf32, #tpu.memory_space<vmem>>, vector<1x1x16xf32>,
        %get3A_602 = vector.shape_cast %get3A_601 : vector<1x1x16xf32> to vector<16xf32>
        %add3A_603 = arith.addf %add3A_573, %get3A_602 : vector<16xf32>
        %get3A_604 = arith.constant 2 : i32
        %get3A_605 = arith.index_cast %get3A_604 : i32 to index
        %get3A_606 = arith.index_cast %add3A_589 : i32 to index
        %get3A_607 = arith.constant 32 : index
        %get3A_608 = tpu.vector_load %arg6[%get3A_605, %get3A_606, %get3A_607] {strides = array<i32>} : memref<4x208x64xf32, #tpu.memory_space<vmem>>, vector<1x1x16xf32>,
        %get3A_609 = vector.shape_cast %get3A_608 : vector<1x1x16xf32> to vector<16xf32>
        %add3A_610 = arith.addf %add3A_580, %get3A_609 : vector<16xf32>
        %get3A_611 = arith.constant 2 : i32
        %get3A_612 = arith.index_cast %get3A_611 : i32 to index
        %get3A_613 = arith.index_cast %add3A_589 : i32 to index
        %get3A_614 = arith.constant 48 : index
        %get3A_615 = tpu.vector_load %arg6[%get3A_612, %get3A_613, %get3A_614] {strides = array<i32>} : memref<4x208x64xf32, #tpu.memory_space<vmem>>, vector<1x1x16xf32>,
        %get3A_616 = vector.shape_cast %get3A_615 : vector<1x1x16xf32> to vector<16xf32>
        %add3A_617 = arith.addf %add3A_587, %get3A_616 : vector<16xf32>
        %add3A_618 = arith.constant 9 : i32
        %add3A_619 = arith.addi %mul3A_348, %add3A_618 : i32
        %get3A_620 = arith.constant 2 : i32
        %get3A_621 = arith.index_cast %get3A_620 : i32 to index
        %get3A_622 = arith.index_cast %add3A_619 : i32 to index
        %get3A_623 = arith.constant 0 : index
        %get3A_624 = tpu.vector_load %arg6[%get3A_621, %get3A_622, %get3A_623] {strides = array<i32>} : memref<4x208x64xf32, #tpu.memory_space<vmem>>, vector<1x1x16xf32>,
        %get3A_625 = vector.shape_cast %get3A_624 : vector<1x1x16xf32> to vector<16xf32>
        %add3A_626 = arith.addf %add3A_596, %get3A_625 : vector<16xf32>
        %get3A_627 = arith.constant 2 : i32
        %get3A_628 = arith.index_cast %get3A_627 : i32 to index
        %get3A_629 = arith.index_cast %add3A_619 : i32 to index
        %get3A_630 = arith.constant 16 : index
        %get3A_631 = tpu.vector_load %arg6[%get3A_628, %get3A_629, %get3A_630] {strides = array<i32>} : memref<4x208x64xf32, #tpu.memory_space<vmem>>, vector<1x1x16xf32>,
        %get3A_632 = vector.shape_cast %get3A_631 : vector<1x1x16xf32> to vector<16xf32>
        %add3A_633 = arith.addf %add3A_603, %get3A_632 : vector<16xf32>
        %get3A_634 = arith.constant 2 : i32
        %get3A_635 = arith.index_cast %get3A_634 : i32 to index
        %get3A_636 = arith.index_cast %add3A_619 : i32 to index
        %get3A_637 = arith.constant 32 : index
        %get3A_638 = tpu.vector_load %arg6[%get3A_635, %get3A_636, %get3A_637] {strides = array<i32>} : memref<4x208x64xf32, #tpu.memory_space<vmem>>, vector<1x1x16xf32>,
        %get3A_639 = vector.shape_cast %get3A_638 : vector<1x1x16xf32> to vector<16xf32>
        %add3A_640 = arith.addf %add3A_610, %get3A_639 : vector<16xf32>
        %get3A_641 = arith.constant 2 : i32
        %get3A_642 = arith.index_cast %get3A_641 : i32 to index
        %get3A_643 = arith.index_cast %add3A_619 : i32 to index
        %get3A_644 = arith.constant 48 : index
        %get3A_645 = tpu.vector_load %arg6[%get3A_642, %get3A_643, %get3A_644] {strides = array<i32>} : memref<4x208x64xf32, #tpu.memory_space<vmem>>, vector<1x1x16xf32>,
        %get3A_646 = vector.shape_cast %get3A_645 : vector<1x1x16xf32> to vector<16xf32>
        %add3A_647 = arith.addf %add3A_617, %get3A_646 : vector<16xf32>
        %add3A_648 = arith.constant 10 : i32
        %add3A_649 = arith.addi %mul3A_348, %add3A_648 : i32
        %get3A_650 = arith.constant 2 : i32
        %get3A_651 = arith.index_cast %get3A_650 : i32 to index
        %get3A_652 = arith.index_cast %add3A_649 : i32 to index
        %get3A_653 = arith.constant 0 : index
        %get3A_654 = tpu.vector_load %arg6[%get3A_651, %get3A_652, %get3A_653] {strides = array<i32>} : memref<4x208x64xf32, #tpu.memory_space<vmem>>, vector<1x1x16xf32>,
        %get3A_655 = vector.shape_cast %get3A_654 : vector<1x1x16xf32> to vector<16xf32>
        %add3A_656 = arith.addf %add3A_626, %get3A_655 : vector<16xf32>
        %get3A_657 = arith.constant 2 : i32
        %get3A_658 = arith.index_cast %get3A_657 : i32 to index
        %get3A_659 = arith.index_cast %add3A_649 : i32 to index
        %get3A_660 = arith.constant 16 : index
        %get3A_661 = tpu.vector_load %arg6[%get3A_658, %get3A_659, %get3A_660] {strides = array<i32>} : memref<4x208x64xf32, #tpu.memory_space<vmem>>, vector<1x1x16xf32>,
        %get3A_662 = vector.shape_cast %get3A_661 : vector<1x1x16xf32> to vector<16xf32>
        %add3A_663 = arith.addf %add3A_633, %get3A_662 : vector<16xf32>
        %get3A_664 = arith.constant 2 : i32
        %get3A_665 = arith.index_cast %get3A_664 : i32 to index
        %get3A_666 = arith.index_cast %add3A_649 : i32 to index
        %get3A_667 = arith.constant 32 : index
        %get3A_668 = tpu.vector_load %arg6[%get3A_665, %get3A_666, %get3A_667] {strides = array<i32>} : memref<4x208x64xf32, #tpu.memory_space<vmem>>, vector<1x1x16xf32>,
        %get3A_669 = vector.shape_cast %get3A_668 : vector<1x1x16xf32> to vector<16xf32>
        %add3A_670 = arith.addf %add3A_640, %get3A_669 : vector<16xf32>
        %get3A_671 = arith.constant 2 : i32
        %get3A_672 = arith.index_cast %get3A_671 : i32 to index
        %get3A_673 = arith.index_cast %add3A_649 : i32 to index
        %get3A_674 = arith.constant 48 : index
        %get3A_675 = tpu.vector_load %arg6[%get3A_672, %get3A_673, %get3A_674] {strides = array<i32>} : memref<4x208x64xf32, #tpu.memory_space<vmem>>, vector<1x1x16xf32>,
        %get3A_676 = vector.shape_cast %get3A_675 : vector<1x1x16xf32> to vector<16xf32>
        %add3A_677 = arith.addf %add3A_647, %get3A_676 : vector<16xf32>
        %add3A_678 = arith.constant 11 : i32
        %add3A_679 = arith.addi %mul3A_348, %add3A_678 : i32
        %get3A_680 = arith.constant 2 : i32
        %get3A_681 = arith.index_cast %get3A_680 : i32 to index
        %get3A_682 = arith.index_cast %add3A_679 : i32 to index
        %get3A_683 = arith.constant 0 : index
        %get3A_684 = tpu.vector_load %arg6[%get3A_681, %get3A_682, %get3A_683] {strides = array<i32>} : memref<4x208x64xf32, #tpu.memory_space<vmem>>, vector<1x1x16xf32>,
        %get3A_685 = vector.shape_cast %get3A_684 : vector<1x1x16xf32> to vector<16xf32>
        %add3A_686 = arith.addf %add3A_656, %get3A_685 : vector<16xf32>
        %get3A_687 = arith.constant 2 : i32
        %get3A_688 = arith.index_cast %get3A_687 : i32 to index
        %get3A_689 = arith.index_cast %add3A_679 : i32 to index
        %get3A_690 = arith.constant 16 : index
        %get3A_691 = tpu.vector_load %arg6[%get3A_688, %get3A_689, %get3A_690] {strides = array<i32>} : memref<4x208x64xf32, #tpu.memory_space<vmem>>, vector<1x1x16xf32>,
        %get3A_692 = vector.shape_cast %get3A_691 : vector<1x1x16xf32> to vector<16xf32>
        %add3A_693 = arith.addf %add3A_663, %get3A_692 : vector<16xf32>
        %get3A_694 = arith.constant 2 : i32
        %get3A_695 = arith.index_cast %get3A_694 : i32 to index
        %get3A_696 = arith.index_cast %add3A_679 : i32 to index
        %get3A_697 = arith.constant 32 : index
        %get3A_698 = tpu.vector_load %arg6[%get3A_695, %get3A_696, %get3A_697] {strides = array<i32>} : memref<4x208x64xf32, #tpu.memory_space<vmem>>, vector<1x1x16xf32>,
        %get3A_699 = vector.shape_cast %get3A_698 : vector<1x1x16xf32> to vector<16xf32>
        %add3A_700 = arith.addf %add3A_670, %get3A_699 : vector<16xf32>
        %get3A_701 = arith.constant 2 : i32
        %get3A_702 = arith.index_cast %get3A_701 : i32 to index
        %get3A_703 = arith.index_cast %add3A_679 : i32 to index
        %get3A_704 = arith.constant 48 : index
        %get3A_705 = tpu.vector_load %arg6[%get3A_702, %get3A_703, %get3A_704] {strides = array<i32>} : memref<4x208x64xf32, #tpu.memory_space<vmem>>, vector<1x1x16xf32>,
        %get3A_706 = vector.shape_cast %get3A_705 : vector<1x1x16xf32> to vector<16xf32>
        %add3A_707 = arith.addf %add3A_677, %get3A_706 : vector<16xf32>
        %add3A_708 = arith.constant 12 : i32
        %add3A_709 = arith.addi %mul3A_348, %add3A_708 : i32
        %get3A_710 = arith.constant 2 : i32
        %get3A_711 = arith.index_cast %get3A_710 : i32 to index
        %get3A_712 = arith.index_cast %add3A_709 : i32 to index
        %get3A_713 = arith.constant 0 : index
        %get3A_714 = tpu.vector_load %arg6[%get3A_711, %get3A_712, %get3A_713] {strides = array<i32>} : memref<4x208x64xf32, #tpu.memory_space<vmem>>, vector<1x1x16xf32>,
        %get3A_715 = vector.shape_cast %get3A_714 : vector<1x1x16xf32> to vector<16xf32>
        %add3A_716 = arith.addf %add3A_686, %get3A_715 : vector<16xf32>
        %get3A_717 = arith.constant 2 : i32
        %get3A_718 = arith.index_cast %get3A_717 : i32 to index
        %get3A_719 = arith.index_cast %add3A_709 : i32 to index
        %get3A_720 = arith.constant 16 : index
        %get3A_721 = tpu.vector_load %arg6[%get3A_718, %get3A_719, %get3A_720] {strides = array<i32>} : memref<4x208x64xf32, #tpu.memory_space<vmem>>, vector<1x1x16xf32>,
        %get3A_722 = vector.shape_cast %get3A_721 : vector<1x1x16xf32> to vector<16xf32>
        %add3A_723 = arith.addf %add3A_693, %get3A_722 : vector<16xf32>
        %get3A_724 = arith.constant 2 : i32
        %get3A_725 = arith.index_cast %get3A_724 : i32 to index
        %get3A_726 = arith.index_cast %add3A_709 : i32 to index
        %get3A_727 = arith.constant 32 : index
        %get3A_728 = tpu.vector_load %arg6[%get3A_725, %get3A_726, %get3A_727] {strides = array<i32>} : memref<4x208x64xf32, #tpu.memory_space<vmem>>, vector<1x1x16xf32>,
        %get3A_729 = vector.shape_cast %get3A_728 : vector<1x1x16xf32> to vector<16xf32>
        %add3A_730 = arith.addf %add3A_700, %get3A_729 : vector<16xf32>
        %get3A_731 = arith.constant 2 : i32
        %get3A_732 = arith.index_cast %get3A_731 : i32 to index
        %get3A_733 = arith.index_cast %add3A_709 : i32 to index
        %get3A_734 = arith.constant 48 : index
        %get3A_735 = tpu.vector_load %arg6[%get3A_732, %get3A_733, %get3A_734] {strides = array<i32>} : memref<4x208x64xf32, #tpu.memory_space<vmem>>, vector<1x1x16xf32>,
        %get3A_736 = vector.shape_cast %get3A_735 : vector<1x1x16xf32> to vector<16xf32>
        %add3A_737 = arith.addf %add3A_707, %get3A_736 : vector<16xf32>
        %add3A_738 = arith.constant 13 : i32
        %add3A_739 = arith.addi %mul3A_348, %add3A_738 : i32
        %get3A_740 = arith.constant 2 : i32
        %get3A_741 = arith.index_cast %get3A_740 : i32 to index
        %get3A_742 = arith.index_cast %add3A_739 : i32 to index
        %get3A_743 = arith.constant 0 : index
        %get3A_744 = tpu.vector_load %arg6[%get3A_741, %get3A_742, %get3A_743] {strides = array<i32>} : memref<4x208x64xf32, #tpu.memory_space<vmem>>, vector<1x1x16xf32>,
        %get3A_745 = vector.shape_cast %get3A_744 : vector<1x1x16xf32> to vector<16xf32>
        %add3A_746 = arith.addf %add3A_716, %get3A_745 : vector<16xf32>
        %get3A_747 = arith.constant 2 : i32
        %get3A_748 = arith.index_cast %get3A_747 : i32 to index
        %get3A_749 = arith.index_cast %add3A_739 : i32 to index
        %get3A_750 = arith.constant 16 : index
        %get3A_751 = tpu.vector_load %arg6[%get3A_748, %get3A_749, %get3A_750] {strides = array<i32>} : memref<4x208x64xf32, #tpu.memory_space<vmem>>, vector<1x1x16xf32>,
        %get3A_752 = vector.shape_cast %get3A_751 : vector<1x1x16xf32> to vector<16xf32>
        %add3A_753 = arith.addf %add3A_723, %get3A_752 : vector<16xf32>
        %get3A_754 = arith.constant 2 : i32
        %get3A_755 = arith.index_cast %get3A_754 : i32 to index
        %get3A_756 = arith.index_cast %add3A_739 : i32 to index
        %get3A_757 = arith.constant 32 : index
        %get3A_758 = tpu.vector_load %arg6[%get3A_755, %get3A_756, %get3A_757] {strides = array<i32>} : memref<4x208x64xf32, #tpu.memory_space<vmem>>, vector<1x1x16xf32>,
        %get3A_759 = vector.shape_cast %get3A_758 : vector<1x1x16xf32> to vector<16xf32>
        %add3A_760 = arith.addf %add3A_730, %get3A_759 : vector<16xf32>
        %get3A_761 = arith.constant 2 : i32
        %get3A_762 = arith.index_cast %get3A_761 : i32 to index
        %get3A_763 = arith.index_cast %add3A_739 : i32 to index
        %get3A_764 = arith.constant 48 : index
        %get3A_765 = tpu.vector_load %arg6[%get3A_762, %get3A_763, %get3A_764] {strides = array<i32>} : memref<4x208x64xf32, #tpu.memory_space<vmem>>, vector<1x1x16xf32>,
        %get3A_766 = vector.shape_cast %get3A_765 : vector<1x1x16xf32> to vector<16xf32>
        %add3A_767 = arith.addf %add3A_737, %get3A_766 : vector<16xf32>
        %add3A_768 = arith.constant 14 : i32
        %add3A_769 = arith.addi %mul3A_348, %add3A_768 : i32
        %get3A_770 = arith.constant 2 : i32
        %get3A_771 = arith.index_cast %get3A_770 : i32 to index
        %get3A_772 = arith.index_cast %add3A_769 : i32 to index
        %get3A_773 = arith.constant 0 : index
        %get3A_774 = tpu.vector_load %arg6[%get3A_771, %get3A_772, %get3A_773] {strides = array<i32>} : memref<4x208x64xf32, #tpu.memory_space<vmem>>, vector<1x1x16xf32>,
        %get3A_775 = vector.shape_cast %get3A_774 : vector<1x1x16xf32> to vector<16xf32>
        %add3A_776 = arith.addf %add3A_746, %get3A_775 : vector<16xf32>
        %get3A_777 = arith.constant 2 : i32
        %get3A_778 = arith.index_cast %get3A_777 : i32 to index
        %get3A_779 = arith.index_cast %add3A_769 : i32 to index
        %get3A_780 = arith.constant 16 : index
        %get3A_781 = tpu.vector_load %arg6[%get3A_778, %get3A_779, %get3A_780] {strides = array<i32>} : memref<4x208x64xf32, #tpu.memory_space<vmem>>, vector<1x1x16xf32>,
        %get3A_782 = vector.shape_cast %get3A_781 : vector<1x1x16xf32> to vector<16xf32>
        %add3A_783 = arith.addf %add3A_753, %get3A_782 : vector<16xf32>
        %get3A_784 = arith.constant 2 : i32
        %get3A_785 = arith.index_cast %get3A_784 : i32 to index
        %get3A_786 = arith.index_cast %add3A_769 : i32 to index
        %get3A_787 = arith.constant 32 : index
        %get3A_788 = tpu.vector_load %arg6[%get3A_785, %get3A_786, %get3A_787] {strides = array<i32>} : memref<4x208x64xf32, #tpu.memory_space<vmem>>, vector<1x1x16xf32>,
        %get3A_789 = vector.shape_cast %get3A_788 : vector<1x1x16xf32> to vector<16xf32>
        %add3A_790 = arith.addf %add3A_760, %get3A_789 : vector<16xf32>
        %get3A_791 = arith.constant 2 : i32
        %get3A_792 = arith.index_cast %get3A_791 : i32 to index
        %get3A_793 = arith.index_cast %add3A_769 : i32 to index
        %get3A_794 = arith.constant 48 : index
        %get3A_795 = tpu.vector_load %arg6[%get3A_792, %get3A_793, %get3A_794] {strides = array<i32>} : memref<4x208x64xf32, #tpu.memory_space<vmem>>, vector<1x1x16xf32>,
        %get3A_796 = vector.shape_cast %get3A_795 : vector<1x1x16xf32> to vector<16xf32>
        %add3A_797 = arith.addf %add3A_767, %get3A_796 : vector<16xf32>
        %add3A_798 = arith.constant 15 : i32
        %add3A_799 = arith.addi %mul3A_348, %add3A_798 : i32
        %get3A_800 = arith.constant 2 : i32
        %get3A_801 = arith.index_cast %get3A_800 : i32 to index
        %get3A_802 = arith.index_cast %add3A_799 : i32 to index
        %get3A_803 = arith.constant 0 : index
        %get3A_804 = tpu.vector_load %arg6[%get3A_801, %get3A_802, %get3A_803] {strides = array<i32>} : memref<4x208x64xf32, #tpu.memory_space<vmem>>, vector<1x1x16xf32>,
        %get3A_805 = vector.shape_cast %get3A_804 : vector<1x1x16xf32> to vector<16xf32>
        %add3A_806 = arith.addf %add3A_776, %get3A_805 : vector<16xf32>
        %get3A_807 = arith.constant 2 : i32
        %get3A_808 = arith.index_cast %get3A_807 : i32 to index
        %get3A_809 = arith.index_cast %add3A_799 : i32 to index
        %get3A_810 = arith.constant 16 : index
        %get3A_811 = tpu.vector_load %arg6[%get3A_808, %get3A_809, %get3A_810] {strides = array<i32>} : memref<4x208x64xf32, #tpu.memory_space<vmem>>, vector<1x1x16xf32>,
        %get3A_812 = vector.shape_cast %get3A_811 : vector<1x1x16xf32> to vector<16xf32>
        %add3A_813 = arith.addf %add3A_783, %get3A_812 : vector<16xf32>
        %get3A_814 = arith.constant 2 : i32
        %get3A_815 = arith.index_cast %get3A_814 : i32 to index
        %get3A_816 = arith.index_cast %add3A_799 : i32 to index
        %get3A_817 = arith.constant 32 : index
        %get3A_818 = tpu.vector_load %arg6[%get3A_815, %get3A_816, %get3A_817] {strides = array<i32>} : memref<4x208x64xf32, #tpu.memory_space<vmem>>, vector<1x1x16xf32>,
        %get3A_819 = vector.shape_cast %get3A_818 : vector<1x1x16xf32> to vector<16xf32>
        %add3A_820 = arith.addf %add3A_790, %get3A_819 : vector<16xf32>
        %get3A_821 = arith.constant 2 : i32
        %get3A_822 = arith.index_cast %get3A_821 : i32 to index
        %get3A_823 = arith.index_cast %add3A_799 : i32 to index
        %get3A_824 = arith.constant 48 : index
        %get3A_825 = tpu.vector_load %arg6[%get3A_822, %get3A_823, %get3A_824] {strides = array<i32>} : memref<4x208x64xf32, #tpu.memory_space<vmem>>, vector<1x1x16xf32>,
        %get3A_826 = vector.shape_cast %get3A_825 : vector<1x1x16xf32> to vector<16xf32>
        %add3A_827 = arith.addf %add3A_797, %get3A_826 : vector<16xf32>
        scf.yield %add3A_806, %add3A_813, %add3A_820, %add3A_827 : vector<16xf32>, vector<16xf32>, vector<16xf32>, vector<16xf32>
      }
      %scan3A_246 = arith.constant 13 : i32
      %rem3A_247 = arith.constant 16 : i32
      %rem3A_248 = arith.remsi %add3A_223, %rem3A_247 : i32
      %swap3A_249 = arith.index_cast %rem3A_248 : i32 to index
      %swap3A_250 = arith.constant 0 : index
      %swap3A_251 = tpu.vector_load %arg7[%swap3A_249, %swap3A_250] {strides = array<i32>} : memref<16x64xf32, #tpu.memory_space<vmem>>, vector<1x16xf32>,
      %swap3A_252 = vector.shape_cast %swap3A_251 : vector<1x16xf32> to vector<16xf32>
      %swap3A_253 = vector.shape_cast %scan3A_245#0 : vector<16xf32> to vector<1x16xf32>
      tpu.vector_store %arg7[%swap3A_249, %swap3A_250], %swap3A_253 {strides = array<i32>} : memref<16x64xf32, #tpu.memory_space<vmem>>, vector<1x16xf32>,
      %swap3A_254 = arith.index_cast %rem3A_248 : i32 to index
      %swap3A_255 = arith.constant 16 : index
      %swap3A_256 = tpu.vector_load %arg7[%swap3A_254, %swap3A_255] {strides = array<i32>} : memref<16x64xf32, #tpu.memory_space<vmem>>, vector<1x16xf32>,
      %swap3A_257 = vector.shape_cast %swap3A_256 : vector<1x16xf32> to vector<16xf32>
      %swap3A_258 = vector.shape_cast %scan3A_245#1 : vector<16xf32> to vector<1x16xf32>
      tpu.vector_store %arg7[%swap3A_254, %swap3A_255], %swap3A_258 {strides = array<i32>} : memref<16x64xf32, #tpu.memory_space<vmem>>, vector<1x16xf32>,
      %swap3A_259 = arith.index_cast %rem3A_248 : i32 to index
      %swap3A_260 = arith.constant 32 : index
      %swap3A_261 = tpu.vector_load %arg7[%swap3A_259, %swap3A_260] {strides = array<i32>} : memref<16x64xf32, #tpu.memory_space<vmem>>, vector<1x16xf32>,
      %swap3A_262 = vector.shape_cast %swap3A_261 : vector<1x16xf32> to vector<16xf32>
      %swap3A_263 = vector.shape_cast %scan3A_245#2 : vector<16xf32> to vector<1x16xf32>
      tpu.vector_store %arg7[%swap3A_259, %swap3A_260], %swap3A_263 {strides = array<i32>} : memref<16x64xf32, #tpu.memory_space<vmem>>, vector<1x16xf32>,
      %swap3A_264 = arith.index_cast %rem3A_248 : i32 to index
      %swap3A_265 = arith.constant 48 : index
      %swap3A_266 = tpu.vector_load %arg7[%swap3A_264, %swap3A_265] {strides = array<i32>} : memref<16x64xf32, #tpu.memory_space<vmem>>, vector<1x16xf32>,
      %swap3A_267 = vector.shape_cast %swap3A_266 : vector<1x16xf32> to vector<16xf32>
      %swap3A_268 = vector.shape_cast %scan3A_245#3 : vector<16xf32> to vector<1x16xf32>
      tpu.vector_store %arg7[%swap3A_264, %swap3A_265], %swap3A_268 {strides = array<i32>} : memref<16x64xf32, #tpu.memory_space<vmem>>, vector<1x16xf32>,
      %eq3A_269 = arith.constant 15 : i32
      %eq3A_270 = arith.cmpi eq, %rem3A_248, %eq3A_269 : i32
      %convert_element_type3A_271 = arith.extui %eq3A_270 : i1 to i32
      %cond3A_272 = arith.constant 0 : i32
      %cond3A_273 = arith.cmpi ne, %convert_element_type3A_271, %cond3A_272 : i32
      scf.if %cond3A_273 {
        %add3A_342 = arith.addi %multiple_of3A, %add3A_223 : i32
        %sub3A = arith.constant 15 : i32
        %sub3A_343 = arith.subi %add3A_342, %sub3A : i32
        %multiple_of3A_344 = tpu.assume_multiple %sub3A_343, 16 : i32
        "tpu.region"() ({
          %run_scoped3A = tpu.sem_alloc : memref<!tpu.dma_semaphore, #tpu.memory_space<semaphore_mem>>
          %dma_start3A_345 = arith.constant 0 : i32
          %dma_start3A_346 = tpu.memref_slice %arg4[%multiple_of3A_344, %dma_start3A_345] : memref<9216x64xf32, #tpu.memory_space<hbm>> -> memref<16x64xf32, #tpu.memory_space<hbm>>
          %dma_start3A_347 = arith.constant 0 : i32
          %dma_start3A_348 = tpu.memref_slice %arg4[%multiple_of3A_344, %dma_start3A_347] : memref<9216x64xf32, #tpu.memory_space<hbm>> -> memref<16x64xf32, #tpu.memory_space<hbm>>
          tpu.enqueue_dma source(%arg7 : memref<16x64xf32, #tpu.memory_space<vmem>>) target(%dma_start3A_348 : memref<16x64xf32, #tpu.memory_space<hbm>>) target_semaphore(%run_scoped3A : memref<!tpu.dma_semaphore, #tpu.memory_space<semaphore_mem>>)
          %dma_wait3A_349 = arith.constant 0 : i32
          %dma_wait3A_350 = tpu.memref_slice %arg4[%multiple_of3A_344, %dma_wait3A_349] : memref<9216x64xf32, #tpu.memory_space<hbm>> -> memref<16x64xf32, #tpu.memory_space<hbm>>
          %dma_wait3A_351 = arith.constant 0 : i32
          %dma_wait3A_352 = tpu.memref_slice %arg4[%multiple_of3A_344, %dma_wait3A_351] : memref<9216x64xf32, #tpu.memory_space<hbm>> -> memref<16x64xf32, #tpu.memory_space<hbm>>
          tpu.wait_dma2 semaphore(%run_scoped3A : memref<!tpu.dma_semaphore, #tpu.memory_space<semaphore_mem>>) src(%arg7 : memref<16x64xf32, #tpu.memory_space<vmem>>) dst(%dma_wait3A_352 : memref<16x64xf32, #tpu.memory_space<hbm>>)
          tpu.yield
        }) : () -> ()
      } else {
      }
      %add3A_274 = arith.constant 4 : i32
      %add3A_275 = arith.addi %add3A_223, %add3A_274 : i32
      %lt3A_276 = arith.constant 288 : i32
      %lt3A_277 = arith.cmpi slt, %add3A_275, %lt3A_276 : i32
      %convert_element_type3A_278 = arith.extui %lt3A_277 : i1 to i32
      %cond3A_279 = arith.constant 0 : i32
      %cond3A_280 = arith.cmpi ne, %convert_element_type3A_278, %cond3A_279 : i32
      scf.if %cond3A_280 {
        %add3A_342 = arith.constant 4 : i32
        %add3A_343 = arith.addi %add3A_223, %add3A_342 : i32
        %mul3A_344 = arith.constant 2 : i32
        %mul3A_345 = arith.muli %mul3A_344, %add3A_343 : i32
        %dma_start3A_346 = arith.constant 2 : i32
        %dma_start3A_347 = arith.constant 0 : i32
        %dma_start3A_348 = arith.constant 0 : i32
        %dma_start3A_349 = tpu.memref_slice %arg6[%dma_start3A_346, %dma_start3A_347, %dma_start3A_348] : memref<4x208x64xf32, #tpu.memory_space<vmem>> -> memref<1x104x64xf32, #tpu.memory_space<vmem>>
        %dma_start3A_350 = tpu.memref_squeeze %dma_start3A_349 : memref<1x104x64xf32, #tpu.memory_space<vmem>> -> memref<104x64xf32, #tpu.memory_space<vmem>>
        %dma_start3A_351 = arith.constant 0 : i32
        %dma_start3A_352 = tpu.memref_slice %arg5[%mul3A_345, %dma_start3A_351] : memref<576x104xi32, #tpu.memory_space<vmem>> -> memref<1x104xi32, #tpu.memory_space<vmem>>
        %dma_start3A_353 = tpu.memref_squeeze %dma_start3A_352 : memref<1x104xi32, #tpu.memory_space<vmem>> -> memref<104xi32, #tpu.memory_space<vmem>>
        %dma_start3A_354 = arith.constant 0 : i32
        %dma_start3A_355 = arith.constant 0 : i32
        %dma_start3A_356 = tpu.memref_slice %arg3[%dma_start3A_354, %dma_start3A_355] : memref<100008x64xf32, #tpu.memory_space<hbm>> -> memref<100008x64xf32, #tpu.memory_space<hbm>>
        tpu.enqueue_indirect_dma source(%dma_start3A_356 : memref<100008x64xf32, #tpu.memory_space<hbm>>) target(%dma_start3A_350 : memref<104x64xf32, #tpu.memory_space<vmem>>) offsets(%dma_start3A_353 : memref<104xi32, #tpu.memory_space<vmem>>) semaphore(%arg10 : memref<!tpu.dma_semaphore, #tpu.memory_space<semaphore_mem>>)
        %mul3A_357 = arith.constant 2 : i32
        %mul3A_358 = arith.muli %mul3A_357, %add3A_343 : i32
        %add3A_359 = arith.constant 1 : i32
        %add3A_360 = arith.addi %mul3A_358, %add3A_359 : i32
        %dma_start3A_361 = arith.constant 2 : i32
        %dma_start3A_362 = arith.constant 104 : i32
        %dma_start3A_363 = arith.constant 0 : i32
        %dma_start3A_364 = tpu.memref_slice %arg6[%dma_start3A_361, %dma_start3A_362, %dma_start3A_363] : memref<4x208x64xf32, #tpu.memory_space<vmem>> -> memref<1x104x64xf32, #tpu.memory_space<vmem>>
        %dma_start3A_365 = tpu.memref_squeeze %dma_start3A_364 : memref<1x104x64xf32, #tpu.memory_space<vmem>> -> memref<104x64xf32, #tpu.memory_space<vmem>>
        %dma_start3A_366 = arith.constant 0 : i32
        %dma_start3A_367 = tpu.memref_slice %arg5[%add3A_360, %dma_start3A_366] : memref<576x104xi32, #tpu.memory_space<vmem>> -> memref<1x104xi32, #tpu.memory_space<vmem>>
        %dma_start3A_368 = tpu.memref_squeeze %dma_start3A_367 : memref<1x104xi32, #tpu.memory_space<vmem>> -> memref<104xi32, #tpu.memory_space<vmem>>
        %dma_start3A_369 = arith.constant 0 : i32
        %dma_start3A_370 = arith.constant 0 : i32
        %dma_start3A_371 = tpu.memref_slice %arg3[%dma_start3A_369, %dma_start3A_370] : memref<100008x64xf32, #tpu.memory_space<hbm>> -> memref<100008x64xf32, #tpu.memory_space<hbm>>
        tpu.enqueue_indirect_dma source(%dma_start3A_371 : memref<100008x64xf32, #tpu.memory_space<hbm>>) target(%dma_start3A_365 : memref<104x64xf32, #tpu.memory_space<vmem>>) offsets(%dma_start3A_368 : memref<104xi32, #tpu.memory_space<vmem>>) semaphore(%arg10 : memref<!tpu.dma_semaphore, #tpu.memory_space<semaphore_mem>>)
      } else {
      }
      %mul3A_281 = arith.constant 4 : i32
      %mul3A_282 = arith.muli %scan3A_105, %mul3A_281 : i32
      %add3A_283 = arith.constant 3 : i32
      %add3A_284 = arith.addi %mul3A_282, %add3A_283 : i32
      %dma_wait3A_285 = arith.constant 3 : i32
      %dma_wait3A_286 = arith.constant 0 : i32
      %dma_wait3A_287 = arith.constant 0 : i32
      %dma_wait3A_288 = tpu.memref_slice %arg6[%dma_wait3A_285, %dma_wait3A_286, %dma_wait3A_287] : memref<4x208x64xf32, #tpu.memory_space<vmem>> -> memref<1x208x64xf32, #tpu.memory_space<vmem>>
      %dma_wait3A_289 = tpu.memref_squeeze %dma_wait3A_288 : memref<1x208x64xf32, #tpu.memory_space<vmem>> -> memref<208x64xf32, #tpu.memory_space<vmem>>
      %dma_wait3A_290 = arith.constant 0 : i32
      %dma_wait3A_291 = arith.constant 0 : i32
      %dma_wait3A_292 = tpu.memref_slice %arg3[%dma_wait3A_290, %dma_wait3A_291] : memref<100008x64xf32, #tpu.memory_space<hbm>> -> memref<208x64xf32, #tpu.memory_space<hbm>>
      %dma_wait3A_293 = arith.constant 0 : i32
      %dma_wait3A_294 = arith.constant 0 : i32
      %dma_wait3A_295 = tpu.memref_slice %arg6[%dma_wait3A_285, %dma_wait3A_293, %dma_wait3A_294] : memref<4x208x64xf32, #tpu.memory_space<vmem>> -> memref<1x208x64xf32, #tpu.memory_space<vmem>>
      %dma_wait3A_296 = tpu.memref_squeeze %dma_wait3A_295 : memref<1x208x64xf32, #tpu.memory_space<vmem>> -> memref<208x64xf32, #tpu.memory_space<vmem>>
      %dma_wait3A_297 = arith.constant 0 : i32
      %dma_wait3A_298 = arith.constant 0 : i32
      %dma_wait3A_299 = tpu.memref_slice %arg3[%dma_wait3A_297, %dma_wait3A_298] : memref<100008x64xf32, #tpu.memory_space<hbm>> -> memref<208x64xf32, #tpu.memory_space<hbm>>
      tpu.wait_dma2 semaphore(%arg11 : memref<!tpu.dma_semaphore, #tpu.memory_space<semaphore_mem>>) src(%dma_wait3A_299 : memref<208x64xf32, #tpu.memory_space<hbm>>) dst(%dma_wait3A_296 : memref<208x64xf32, #tpu.memory_space<vmem>>)
      %broadcast_in_dim3A_300 = arith.constant 0.000000e+00 : f32
      %broadcast_in_dim3A_301 = vector.broadcast %broadcast_in_dim3A_300 : f32 to vector<16xf32>
      %scan3A_302 = arith.constant 0 : i32
      %scan3A_303 = arith.constant 13 : i32
      %scan3A_304 = arith.addi %scan3A_302, %scan3A_303 : i32
      %scan3A_305 = arith.constant 1 : i32
      %scan3A_306:4 = scf.for %scan3A_342 = %scan3A_302 to %scan3A_304 step %scan3A_305 iter_args(%scan3A_343 = %broadcast_in_dim3A_301, %scan3A_344 = %broadcast_in_dim3A_301, %scan3A_345 = %broadcast_in_dim3A_301, %scan3A_346 = %broadcast_in_dim3A_301) -> (vector<16xf32>, vector<16xf32>, vector<16xf32>, vector<16xf32>)  : i32 {
        %mul3A_347 = arith.constant 16 : i32
        %mul3A_348 = arith.muli %scan3A_342, %mul3A_347 : i32
        %add3A_349 = arith.constant 0 : i32
        %add3A_350 = arith.addi %mul3A_348, %add3A_349 : i32
        %get3A = arith.constant 3 : i32
        %get3A_351 = arith.index_cast %get3A : i32 to index
        %get3A_352 = arith.index_cast %add3A_350 : i32 to index
        %get3A_353 = arith.constant 0 : index
        %get3A_354 = tpu.vector_load %arg6[%get3A_351, %get3A_352, %get3A_353] {strides = array<i32>} : memref<4x208x64xf32, #tpu.memory_space<vmem>>, vector<1x1x16xf32>,
        %get3A_355 = vector.shape_cast %get3A_354 : vector<1x1x16xf32> to vector<16xf32>
        %add3A_356 = arith.addf %scan3A_343, %get3A_355 : vector<16xf32>
        %get3A_357 = arith.constant 3 : i32
        %get3A_358 = arith.index_cast %get3A_357 : i32 to index
        %get3A_359 = arith.index_cast %add3A_350 : i32 to index
        %get3A_360 = arith.constant 16 : index
        %get3A_361 = tpu.vector_load %arg6[%get3A_358, %get3A_359, %get3A_360] {strides = array<i32>} : memref<4x208x64xf32, #tpu.memory_space<vmem>>, vector<1x1x16xf32>,
        %get3A_362 = vector.shape_cast %get3A_361 : vector<1x1x16xf32> to vector<16xf32>
        %add3A_363 = arith.addf %scan3A_344, %get3A_362 : vector<16xf32>
        %get3A_364 = arith.constant 3 : i32
        %get3A_365 = arith.index_cast %get3A_364 : i32 to index
        %get3A_366 = arith.index_cast %add3A_350 : i32 to index
        %get3A_367 = arith.constant 32 : index
        %get3A_368 = tpu.vector_load %arg6[%get3A_365, %get3A_366, %get3A_367] {strides = array<i32>} : memref<4x208x64xf32, #tpu.memory_space<vmem>>, vector<1x1x16xf32>,
        %get3A_369 = vector.shape_cast %get3A_368 : vector<1x1x16xf32> to vector<16xf32>
        %add3A_370 = arith.addf %scan3A_345, %get3A_369 : vector<16xf32>
        %get3A_371 = arith.constant 3 : i32
        %get3A_372 = arith.index_cast %get3A_371 : i32 to index
        %get3A_373 = arith.index_cast %add3A_350 : i32 to index
        %get3A_374 = arith.constant 48 : index
        %get3A_375 = tpu.vector_load %arg6[%get3A_372, %get3A_373, %get3A_374] {strides = array<i32>} : memref<4x208x64xf32, #tpu.memory_space<vmem>>, vector<1x1x16xf32>,
        %get3A_376 = vector.shape_cast %get3A_375 : vector<1x1x16xf32> to vector<16xf32>
        %add3A_377 = arith.addf %scan3A_346, %get3A_376 : vector<16xf32>
        %add3A_378 = arith.constant 1 : i32
        %add3A_379 = arith.addi %mul3A_348, %add3A_378 : i32
        %get3A_380 = arith.constant 3 : i32
        %get3A_381 = arith.index_cast %get3A_380 : i32 to index
        %get3A_382 = arith.index_cast %add3A_379 : i32 to index
        %get3A_383 = arith.constant 0 : index
        %get3A_384 = tpu.vector_load %arg6[%get3A_381, %get3A_382, %get3A_383] {strides = array<i32>} : memref<4x208x64xf32, #tpu.memory_space<vmem>>, vector<1x1x16xf32>,
        %get3A_385 = vector.shape_cast %get3A_384 : vector<1x1x16xf32> to vector<16xf32>
        %add3A_386 = arith.addf %add3A_356, %get3A_385 : vector<16xf32>
        %get3A_387 = arith.constant 3 : i32
        %get3A_388 = arith.index_cast %get3A_387 : i32 to index
        %get3A_389 = arith.index_cast %add3A_379 : i32 to index
        %get3A_390 = arith.constant 16 : index
        %get3A_391 = tpu.vector_load %arg6[%get3A_388, %get3A_389, %get3A_390] {strides = array<i32>} : memref<4x208x64xf32, #tpu.memory_space<vmem>>, vector<1x1x16xf32>,
        %get3A_392 = vector.shape_cast %get3A_391 : vector<1x1x16xf32> to vector<16xf32>
        %add3A_393 = arith.addf %add3A_363, %get3A_392 : vector<16xf32>
        %get3A_394 = arith.constant 3 : i32
        %get3A_395 = arith.index_cast %get3A_394 : i32 to index
        %get3A_396 = arith.index_cast %add3A_379 : i32 to index
        %get3A_397 = arith.constant 32 : index
        %get3A_398 = tpu.vector_load %arg6[%get3A_395, %get3A_396, %get3A_397] {strides = array<i32>} : memref<4x208x64xf32, #tpu.memory_space<vmem>>, vector<1x1x16xf32>,
        %get3A_399 = vector.shape_cast %get3A_398 : vector<1x1x16xf32> to vector<16xf32>
        %add3A_400 = arith.addf %add3A_370, %get3A_399 : vector<16xf32>
        %get3A_401 = arith.constant 3 : i32
        %get3A_402 = arith.index_cast %get3A_401 : i32 to index
        %get3A_403 = arith.index_cast %add3A_379 : i32 to index
        %get3A_404 = arith.constant 48 : index
        %get3A_405 = tpu.vector_load %arg6[%get3A_402, %get3A_403, %get3A_404] {strides = array<i32>} : memref<4x208x64xf32, #tpu.memory_space<vmem>>, vector<1x1x16xf32>,
        %get3A_406 = vector.shape_cast %get3A_405 : vector<1x1x16xf32> to vector<16xf32>
        %add3A_407 = arith.addf %add3A_377, %get3A_406 : vector<16xf32>
        %add3A_408 = arith.constant 2 : i32
        %add3A_409 = arith.addi %mul3A_348, %add3A_408 : i32
        %get3A_410 = arith.constant 3 : i32
        %get3A_411 = arith.index_cast %get3A_410 : i32 to index
        %get3A_412 = arith.index_cast %add3A_409 : i32 to index
        %get3A_413 = arith.constant 0 : index
        %get3A_414 = tpu.vector_load %arg6[%get3A_411, %get3A_412, %get3A_413] {strides = array<i32>} : memref<4x208x64xf32, #tpu.memory_space<vmem>>, vector<1x1x16xf32>,
        %get3A_415 = vector.shape_cast %get3A_414 : vector<1x1x16xf32> to vector<16xf32>
        %add3A_416 = arith.addf %add3A_386, %get3A_415 : vector<16xf32>
        %get3A_417 = arith.constant 3 : i32
        %get3A_418 = arith.index_cast %get3A_417 : i32 to index
        %get3A_419 = arith.index_cast %add3A_409 : i32 to index
        %get3A_420 = arith.constant 16 : index
        %get3A_421 = tpu.vector_load %arg6[%get3A_418, %get3A_419, %get3A_420] {strides = array<i32>} : memref<4x208x64xf32, #tpu.memory_space<vmem>>, vector<1x1x16xf32>,
        %get3A_422 = vector.shape_cast %get3A_421 : vector<1x1x16xf32> to vector<16xf32>
        %add3A_423 = arith.addf %add3A_393, %get3A_422 : vector<16xf32>
        %get3A_424 = arith.constant 3 : i32
        %get3A_425 = arith.index_cast %get3A_424 : i32 to index
        %get3A_426 = arith.index_cast %add3A_409 : i32 to index
        %get3A_427 = arith.constant 32 : index
        %get3A_428 = tpu.vector_load %arg6[%get3A_425, %get3A_426, %get3A_427] {strides = array<i32>} : memref<4x208x64xf32, #tpu.memory_space<vmem>>, vector<1x1x16xf32>,
        %get3A_429 = vector.shape_cast %get3A_428 : vector<1x1x16xf32> to vector<16xf32>
        %add3A_430 = arith.addf %add3A_400, %get3A_429 : vector<16xf32>
        %get3A_431 = arith.constant 3 : i32
        %get3A_432 = arith.index_cast %get3A_431 : i32 to index
        %get3A_433 = arith.index_cast %add3A_409 : i32 to index
        %get3A_434 = arith.constant 48 : index
        %get3A_435 = tpu.vector_load %arg6[%get3A_432, %get3A_433, %get3A_434] {strides = array<i32>} : memref<4x208x64xf32, #tpu.memory_space<vmem>>, vector<1x1x16xf32>,
        %get3A_436 = vector.shape_cast %get3A_435 : vector<1x1x16xf32> to vector<16xf32>
        %add3A_437 = arith.addf %add3A_407, %get3A_436 : vector<16xf32>
        %add3A_438 = arith.constant 3 : i32
        %add3A_439 = arith.addi %mul3A_348, %add3A_438 : i32
        %get3A_440 = arith.constant 3 : i32
        %get3A_441 = arith.index_cast %get3A_440 : i32 to index
        %get3A_442 = arith.index_cast %add3A_439 : i32 to index
        %get3A_443 = arith.constant 0 : index
        %get3A_444 = tpu.vector_load %arg6[%get3A_441, %get3A_442, %get3A_443] {strides = array<i32>} : memref<4x208x64xf32, #tpu.memory_space<vmem>>, vector<1x1x16xf32>,
        %get3A_445 = vector.shape_cast %get3A_444 : vector<1x1x16xf32> to vector<16xf32>
        %add3A_446 = arith.addf %add3A_416, %get3A_445 : vector<16xf32>
        %get3A_447 = arith.constant 3 : i32
        %get3A_448 = arith.index_cast %get3A_447 : i32 to index
        %get3A_449 = arith.index_cast %add3A_439 : i32 to index
        %get3A_450 = arith.constant 16 : index
        %get3A_451 = tpu.vector_load %arg6[%get3A_448, %get3A_449, %get3A_450] {strides = array<i32>} : memref<4x208x64xf32, #tpu.memory_space<vmem>>, vector<1x1x16xf32>,
        %get3A_452 = vector.shape_cast %get3A_451 : vector<1x1x16xf32> to vector<16xf32>
        %add3A_453 = arith.addf %add3A_423, %get3A_452 : vector<16xf32>
        %get3A_454 = arith.constant 3 : i32
        %get3A_455 = arith.index_cast %get3A_454 : i32 to index
        %get3A_456 = arith.index_cast %add3A_439 : i32 to index
        %get3A_457 = arith.constant 32 : index
        %get3A_458 = tpu.vector_load %arg6[%get3A_455, %get3A_456, %get3A_457] {strides = array<i32>} : memref<4x208x64xf32, #tpu.memory_space<vmem>>, vector<1x1x16xf32>,
        %get3A_459 = vector.shape_cast %get3A_458 : vector<1x1x16xf32> to vector<16xf32>
        %add3A_460 = arith.addf %add3A_430, %get3A_459 : vector<16xf32>
        %get3A_461 = arith.constant 3 : i32
        %get3A_462 = arith.index_cast %get3A_461 : i32 to index
        %get3A_463 = arith.index_cast %add3A_439 : i32 to index
        %get3A_464 = arith.constant 48 : index
        %get3A_465 = tpu.vector_load %arg6[%get3A_462, %get3A_463, %get3A_464] {strides = array<i32>} : memref<4x208x64xf32, #tpu.memory_space<vmem>>, vector<1x1x16xf32>,
        %get3A_466 = vector.shape_cast %get3A_465 : vector<1x1x16xf32> to vector<16xf32>
        %add3A_467 = arith.addf %add3A_437, %get3A_466 : vector<16xf32>
        %add3A_468 = arith.constant 4 : i32
        %add3A_469 = arith.addi %mul3A_348, %add3A_468 : i32
        %get3A_470 = arith.constant 3 : i32
        %get3A_471 = arith.index_cast %get3A_470 : i32 to index
        %get3A_472 = arith.index_cast %add3A_469 : i32 to index
        %get3A_473 = arith.constant 0 : index
        %get3A_474 = tpu.vector_load %arg6[%get3A_471, %get3A_472, %get3A_473] {strides = array<i32>} : memref<4x208x64xf32, #tpu.memory_space<vmem>>, vector<1x1x16xf32>,
        %get3A_475 = vector.shape_cast %get3A_474 : vector<1x1x16xf32> to vector<16xf32>
        %add3A_476 = arith.addf %add3A_446, %get3A_475 : vector<16xf32>
        %get3A_477 = arith.constant 3 : i32
        %get3A_478 = arith.index_cast %get3A_477 : i32 to index
        %get3A_479 = arith.index_cast %add3A_469 : i32 to index
        %get3A_480 = arith.constant 16 : index
        %get3A_481 = tpu.vector_load %arg6[%get3A_478, %get3A_479, %get3A_480] {strides = array<i32>} : memref<4x208x64xf32, #tpu.memory_space<vmem>>, vector<1x1x16xf32>,
        %get3A_482 = vector.shape_cast %get3A_481 : vector<1x1x16xf32> to vector<16xf32>
        %add3A_483 = arith.addf %add3A_453, %get3A_482 : vector<16xf32>
        %get3A_484 = arith.constant 3 : i32
        %get3A_485 = arith.index_cast %get3A_484 : i32 to index
        %get3A_486 = arith.index_cast %add3A_469 : i32 to index
        %get3A_487 = arith.constant 32 : index
        %get3A_488 = tpu.vector_load %arg6[%get3A_485, %get3A_486, %get3A_487] {strides = array<i32>} : memref<4x208x64xf32, #tpu.memory_space<vmem>>, vector<1x1x16xf32>,
        %get3A_489 = vector.shape_cast %get3A_488 : vector<1x1x16xf32> to vector<16xf32>
        %add3A_490 = arith.addf %add3A_460, %get3A_489 : vector<16xf32>
        %get3A_491 = arith.constant 3 : i32
        %get3A_492 = arith.index_cast %get3A_491 : i32 to index
        %get3A_493 = arith.index_cast %add3A_469 : i32 to index
        %get3A_494 = arith.constant 48 : index
        %get3A_495 = tpu.vector_load %arg6[%get3A_492, %get3A_493, %get3A_494] {strides = array<i32>} : memref<4x208x64xf32, #tpu.memory_space<vmem>>, vector<1x1x16xf32>,
        %get3A_496 = vector.shape_cast %get3A_495 : vector<1x1x16xf32> to vector<16xf32>
        %add3A_497 = arith.addf %add3A_467, %get3A_496 : vector<16xf32>
        %add3A_498 = arith.constant 5 : i32
        %add3A_499 = arith.addi %mul3A_348, %add3A_498 : i32
        %get3A_500 = arith.constant 3 : i32
        %get3A_501 = arith.index_cast %get3A_500 : i32 to index
        %get3A_502 = arith.index_cast %add3A_499 : i32 to index
        %get3A_503 = arith.constant 0 : index
        %get3A_504 = tpu.vector_load %arg6[%get3A_501, %get3A_502, %get3A_503] {strides = array<i32>} : memref<4x208x64xf32, #tpu.memory_space<vmem>>, vector<1x1x16xf32>,
        %get3A_505 = vector.shape_cast %get3A_504 : vector<1x1x16xf32> to vector<16xf32>
        %add3A_506 = arith.addf %add3A_476, %get3A_505 : vector<16xf32>
        %get3A_507 = arith.constant 3 : i32
        %get3A_508 = arith.index_cast %get3A_507 : i32 to index
        %get3A_509 = arith.index_cast %add3A_499 : i32 to index
        %get3A_510 = arith.constant 16 : index
        %get3A_511 = tpu.vector_load %arg6[%get3A_508, %get3A_509, %get3A_510] {strides = array<i32>} : memref<4x208x64xf32, #tpu.memory_space<vmem>>, vector<1x1x16xf32>,
        %get3A_512 = vector.shape_cast %get3A_511 : vector<1x1x16xf32> to vector<16xf32>
        %add3A_513 = arith.addf %add3A_483, %get3A_512 : vector<16xf32>
        %get3A_514 = arith.constant 3 : i32
        %get3A_515 = arith.index_cast %get3A_514 : i32 to index
        %get3A_516 = arith.index_cast %add3A_499 : i32 to index
        %get3A_517 = arith.constant 32 : index
        %get3A_518 = tpu.vector_load %arg6[%get3A_515, %get3A_516, %get3A_517] {strides = array<i32>} : memref<4x208x64xf32, #tpu.memory_space<vmem>>, vector<1x1x16xf32>,
        %get3A_519 = vector.shape_cast %get3A_518 : vector<1x1x16xf32> to vector<16xf32>
        %add3A_520 = arith.addf %add3A_490, %get3A_519 : vector<16xf32>
        %get3A_521 = arith.constant 3 : i32
        %get3A_522 = arith.index_cast %get3A_521 : i32 to index
        %get3A_523 = arith.index_cast %add3A_499 : i32 to index
        %get3A_524 = arith.constant 48 : index
        %get3A_525 = tpu.vector_load %arg6[%get3A_522, %get3A_523, %get3A_524] {strides = array<i32>} : memref<4x208x64xf32, #tpu.memory_space<vmem>>, vector<1x1x16xf32>,
        %get3A_526 = vector.shape_cast %get3A_525 : vector<1x1x16xf32> to vector<16xf32>
        %add3A_527 = arith.addf %add3A_497, %get3A_526 : vector<16xf32>
        %add3A_528 = arith.constant 6 : i32
        %add3A_529 = arith.addi %mul3A_348, %add3A_528 : i32
        %get3A_530 = arith.constant 3 : i32
        %get3A_531 = arith.index_cast %get3A_530 : i32 to index
        %get3A_532 = arith.index_cast %add3A_529 : i32 to index
        %get3A_533 = arith.constant 0 : index
        %get3A_534 = tpu.vector_load %arg6[%get3A_531, %get3A_532, %get3A_533] {strides = array<i32>} : memref<4x208x64xf32, #tpu.memory_space<vmem>>, vector<1x1x16xf32>,
        %get3A_535 = vector.shape_cast %get3A_534 : vector<1x1x16xf32> to vector<16xf32>
        %add3A_536 = arith.addf %add3A_506, %get3A_535 : vector<16xf32>
        %get3A_537 = arith.constant 3 : i32
        %get3A_538 = arith.index_cast %get3A_537 : i32 to index
        %get3A_539 = arith.index_cast %add3A_529 : i32 to index
        %get3A_540 = arith.constant 16 : index
        %get3A_541 = tpu.vector_load %arg6[%get3A_538, %get3A_539, %get3A_540] {strides = array<i32>} : memref<4x208x64xf32, #tpu.memory_space<vmem>>, vector<1x1x16xf32>,
        %get3A_542 = vector.shape_cast %get3A_541 : vector<1x1x16xf32> to vector<16xf32>
        %add3A_543 = arith.addf %add3A_513, %get3A_542 : vector<16xf32>
        %get3A_544 = arith.constant 3 : i32
        %get3A_545 = arith.index_cast %get3A_544 : i32 to index
        %get3A_546 = arith.index_cast %add3A_529 : i32 to index
        %get3A_547 = arith.constant 32 : index
        %get3A_548 = tpu.vector_load %arg6[%get3A_545, %get3A_546, %get3A_547] {strides = array<i32>} : memref<4x208x64xf32, #tpu.memory_space<vmem>>, vector<1x1x16xf32>,
        %get3A_549 = vector.shape_cast %get3A_548 : vector<1x1x16xf32> to vector<16xf32>
        %add3A_550 = arith.addf %add3A_520, %get3A_549 : vector<16xf32>
        %get3A_551 = arith.constant 3 : i32
        %get3A_552 = arith.index_cast %get3A_551 : i32 to index
        %get3A_553 = arith.index_cast %add3A_529 : i32 to index
        %get3A_554 = arith.constant 48 : index
        %get3A_555 = tpu.vector_load %arg6[%get3A_552, %get3A_553, %get3A_554] {strides = array<i32>} : memref<4x208x64xf32, #tpu.memory_space<vmem>>, vector<1x1x16xf32>,
        %get3A_556 = vector.shape_cast %get3A_555 : vector<1x1x16xf32> to vector<16xf32>
        %add3A_557 = arith.addf %add3A_527, %get3A_556 : vector<16xf32>
        %add3A_558 = arith.constant 7 : i32
        %add3A_559 = arith.addi %mul3A_348, %add3A_558 : i32
        %get3A_560 = arith.constant 3 : i32
        %get3A_561 = arith.index_cast %get3A_560 : i32 to index
        %get3A_562 = arith.index_cast %add3A_559 : i32 to index
        %get3A_563 = arith.constant 0 : index
        %get3A_564 = tpu.vector_load %arg6[%get3A_561, %get3A_562, %get3A_563] {strides = array<i32>} : memref<4x208x64xf32, #tpu.memory_space<vmem>>, vector<1x1x16xf32>,
        %get3A_565 = vector.shape_cast %get3A_564 : vector<1x1x16xf32> to vector<16xf32>
        %add3A_566 = arith.addf %add3A_536, %get3A_565 : vector<16xf32>
        %get3A_567 = arith.constant 3 : i32
        %get3A_568 = arith.index_cast %get3A_567 : i32 to index
        %get3A_569 = arith.index_cast %add3A_559 : i32 to index
        %get3A_570 = arith.constant 16 : index
        %get3A_571 = tpu.vector_load %arg6[%get3A_568, %get3A_569, %get3A_570] {strides = array<i32>} : memref<4x208x64xf32, #tpu.memory_space<vmem>>, vector<1x1x16xf32>,
        %get3A_572 = vector.shape_cast %get3A_571 : vector<1x1x16xf32> to vector<16xf32>
        %add3A_573 = arith.addf %add3A_543, %get3A_572 : vector<16xf32>
        %get3A_574 = arith.constant 3 : i32
        %get3A_575 = arith.index_cast %get3A_574 : i32 to index
        %get3A_576 = arith.index_cast %add3A_559 : i32 to index
        %get3A_577 = arith.constant 32 : index
        %get3A_578 = tpu.vector_load %arg6[%get3A_575, %get3A_576, %get3A_577] {strides = array<i32>} : memref<4x208x64xf32, #tpu.memory_space<vmem>>, vector<1x1x16xf32>,
        %get3A_579 = vector.shape_cast %get3A_578 : vector<1x1x16xf32> to vector<16xf32>
        %add3A_580 = arith.addf %add3A_550, %get3A_579 : vector<16xf32>
        %get3A_581 = arith.constant 3 : i32
        %get3A_582 = arith.index_cast %get3A_581 : i32 to index
        %get3A_583 = arith.index_cast %add3A_559 : i32 to index
        %get3A_584 = arith.constant 48 : index
        %get3A_585 = tpu.vector_load %arg6[%get3A_582, %get3A_583, %get3A_584] {strides = array<i32>} : memref<4x208x64xf32, #tpu.memory_space<vmem>>, vector<1x1x16xf32>,
        %get3A_586 = vector.shape_cast %get3A_585 : vector<1x1x16xf32> to vector<16xf32>
        %add3A_587 = arith.addf %add3A_557, %get3A_586 : vector<16xf32>
        %add3A_588 = arith.constant 8 : i32
        %add3A_589 = arith.addi %mul3A_348, %add3A_588 : i32
        %get3A_590 = arith.constant 3 : i32
        %get3A_591 = arith.index_cast %get3A_590 : i32 to index
        %get3A_592 = arith.index_cast %add3A_589 : i32 to index
        %get3A_593 = arith.constant 0 : index
        %get3A_594 = tpu.vector_load %arg6[%get3A_591, %get3A_592, %get3A_593] {strides = array<i32>} : memref<4x208x64xf32, #tpu.memory_space<vmem>>, vector<1x1x16xf32>,
        %get3A_595 = vector.shape_cast %get3A_594 : vector<1x1x16xf32> to vector<16xf32>
        %add3A_596 = arith.addf %add3A_566, %get3A_595 : vector<16xf32>
        %get3A_597 = arith.constant 3 : i32
        %get3A_598 = arith.index_cast %get3A_597 : i32 to index
        %get3A_599 = arith.index_cast %add3A_589 : i32 to index
        %get3A_600 = arith.constant 16 : index
        %get3A_601 = tpu.vector_load %arg6[%get3A_598, %get3A_599, %get3A_600] {strides = array<i32>} : memref<4x208x64xf32, #tpu.memory_space<vmem>>, vector<1x1x16xf32>,
        %get3A_602 = vector.shape_cast %get3A_601 : vector<1x1x16xf32> to vector<16xf32>
        %add3A_603 = arith.addf %add3A_573, %get3A_602 : vector<16xf32>
        %get3A_604 = arith.constant 3 : i32
        %get3A_605 = arith.index_cast %get3A_604 : i32 to index
        %get3A_606 = arith.index_cast %add3A_589 : i32 to index
        %get3A_607 = arith.constant 32 : index
        %get3A_608 = tpu.vector_load %arg6[%get3A_605, %get3A_606, %get3A_607] {strides = array<i32>} : memref<4x208x64xf32, #tpu.memory_space<vmem>>, vector<1x1x16xf32>,
        %get3A_609 = vector.shape_cast %get3A_608 : vector<1x1x16xf32> to vector<16xf32>
        %add3A_610 = arith.addf %add3A_580, %get3A_609 : vector<16xf32>
        %get3A_611 = arith.constant 3 : i32
        %get3A_612 = arith.index_cast %get3A_611 : i32 to index
        %get3A_613 = arith.index_cast %add3A_589 : i32 to index
        %get3A_614 = arith.constant 48 : index
        %get3A_615 = tpu.vector_load %arg6[%get3A_612, %get3A_613, %get3A_614] {strides = array<i32>} : memref<4x208x64xf32, #tpu.memory_space<vmem>>, vector<1x1x16xf32>,
        %get3A_616 = vector.shape_cast %get3A_615 : vector<1x1x16xf32> to vector<16xf32>
        %add3A_617 = arith.addf %add3A_587, %get3A_616 : vector<16xf32>
        %add3A_618 = arith.constant 9 : i32
        %add3A_619 = arith.addi %mul3A_348, %add3A_618 : i32
        %get3A_620 = arith.constant 3 : i32
        %get3A_621 = arith.index_cast %get3A_620 : i32 to index
        %get3A_622 = arith.index_cast %add3A_619 : i32 to index
        %get3A_623 = arith.constant 0 : index
        %get3A_624 = tpu.vector_load %arg6[%get3A_621, %get3A_622, %get3A_623] {strides = array<i32>} : memref<4x208x64xf32, #tpu.memory_space<vmem>>, vector<1x1x16xf32>,
        %get3A_625 = vector.shape_cast %get3A_624 : vector<1x1x16xf32> to vector<16xf32>
        %add3A_626 = arith.addf %add3A_596, %get3A_625 : vector<16xf32>
        %get3A_627 = arith.constant 3 : i32
        %get3A_628 = arith.index_cast %get3A_627 : i32 to index
        %get3A_629 = arith.index_cast %add3A_619 : i32 to index
        %get3A_630 = arith.constant 16 : index
        %get3A_631 = tpu.vector_load %arg6[%get3A_628, %get3A_629, %get3A_630] {strides = array<i32>} : memref<4x208x64xf32, #tpu.memory_space<vmem>>, vector<1x1x16xf32>,
        %get3A_632 = vector.shape_cast %get3A_631 : vector<1x1x16xf32> to vector<16xf32>
        %add3A_633 = arith.addf %add3A_603, %get3A_632 : vector<16xf32>
        %get3A_634 = arith.constant 3 : i32
        %get3A_635 = arith.index_cast %get3A_634 : i32 to index
        %get3A_636 = arith.index_cast %add3A_619 : i32 to index
        %get3A_637 = arith.constant 32 : index
        %get3A_638 = tpu.vector_load %arg6[%get3A_635, %get3A_636, %get3A_637] {strides = array<i32>} : memref<4x208x64xf32, #tpu.memory_space<vmem>>, vector<1x1x16xf32>,
        %get3A_639 = vector.shape_cast %get3A_638 : vector<1x1x16xf32> to vector<16xf32>
        %add3A_640 = arith.addf %add3A_610, %get3A_639 : vector<16xf32>
        %get3A_641 = arith.constant 3 : i32
        %get3A_642 = arith.index_cast %get3A_641 : i32 to index
        %get3A_643 = arith.index_cast %add3A_619 : i32 to index
        %get3A_644 = arith.constant 48 : index
        %get3A_645 = tpu.vector_load %arg6[%get3A_642, %get3A_643, %get3A_644] {strides = array<i32>} : memref<4x208x64xf32, #tpu.memory_space<vmem>>, vector<1x1x16xf32>,
        %get3A_646 = vector.shape_cast %get3A_645 : vector<1x1x16xf32> to vector<16xf32>
        %add3A_647 = arith.addf %add3A_617, %get3A_646 : vector<16xf32>
        %add3A_648 = arith.constant 10 : i32
        %add3A_649 = arith.addi %mul3A_348, %add3A_648 : i32
        %get3A_650 = arith.constant 3 : i32
        %get3A_651 = arith.index_cast %get3A_650 : i32 to index
        %get3A_652 = arith.index_cast %add3A_649 : i32 to index
        %get3A_653 = arith.constant 0 : index
        %get3A_654 = tpu.vector_load %arg6[%get3A_651, %get3A_652, %get3A_653] {strides = array<i32>} : memref<4x208x64xf32, #tpu.memory_space<vmem>>, vector<1x1x16xf32>,
        %get3A_655 = vector.shape_cast %get3A_654 : vector<1x1x16xf32> to vector<16xf32>
        %add3A_656 = arith.addf %add3A_626, %get3A_655 : vector<16xf32>
        %get3A_657 = arith.constant 3 : i32
        %get3A_658 = arith.index_cast %get3A_657 : i32 to index
        %get3A_659 = arith.index_cast %add3A_649 : i32 to index
        %get3A_660 = arith.constant 16 : index
        %get3A_661 = tpu.vector_load %arg6[%get3A_658, %get3A_659, %get3A_660] {strides = array<i32>} : memref<4x208x64xf32, #tpu.memory_space<vmem>>, vector<1x1x16xf32>,
        %get3A_662 = vector.shape_cast %get3A_661 : vector<1x1x16xf32> to vector<16xf32>
        %add3A_663 = arith.addf %add3A_633, %get3A_662 : vector<16xf32>
        %get3A_664 = arith.constant 3 : i32
        %get3A_665 = arith.index_cast %get3A_664 : i32 to index
        %get3A_666 = arith.index_cast %add3A_649 : i32 to index
        %get3A_667 = arith.constant 32 : index
        %get3A_668 = tpu.vector_load %arg6[%get3A_665, %get3A_666, %get3A_667] {strides = array<i32>} : memref<4x208x64xf32, #tpu.memory_space<vmem>>, vector<1x1x16xf32>,
        %get3A_669 = vector.shape_cast %get3A_668 : vector<1x1x16xf32> to vector<16xf32>
        %add3A_670 = arith.addf %add3A_640, %get3A_669 : vector<16xf32>
        %get3A_671 = arith.constant 3 : i32
        %get3A_672 = arith.index_cast %get3A_671 : i32 to index
        %get3A_673 = arith.index_cast %add3A_649 : i32 to index
        %get3A_674 = arith.constant 48 : index
        %get3A_675 = tpu.vector_load %arg6[%get3A_672, %get3A_673, %get3A_674] {strides = array<i32>} : memref<4x208x64xf32, #tpu.memory_space<vmem>>, vector<1x1x16xf32>,
        %get3A_676 = vector.shape_cast %get3A_675 : vector<1x1x16xf32> to vector<16xf32>
        %add3A_677 = arith.addf %add3A_647, %get3A_676 : vector<16xf32>
        %add3A_678 = arith.constant 11 : i32
        %add3A_679 = arith.addi %mul3A_348, %add3A_678 : i32
        %get3A_680 = arith.constant 3 : i32
        %get3A_681 = arith.index_cast %get3A_680 : i32 to index
        %get3A_682 = arith.index_cast %add3A_679 : i32 to index
        %get3A_683 = arith.constant 0 : index
        %get3A_684 = tpu.vector_load %arg6[%get3A_681, %get3A_682, %get3A_683] {strides = array<i32>} : memref<4x208x64xf32, #tpu.memory_space<vmem>>, vector<1x1x16xf32>,
        %get3A_685 = vector.shape_cast %get3A_684 : vector<1x1x16xf32> to vector<16xf32>
        %add3A_686 = arith.addf %add3A_656, %get3A_685 : vector<16xf32>
        %get3A_687 = arith.constant 3 : i32
        %get3A_688 = arith.index_cast %get3A_687 : i32 to index
        %get3A_689 = arith.index_cast %add3A_679 : i32 to index
        %get3A_690 = arith.constant 16 : index
        %get3A_691 = tpu.vector_load %arg6[%get3A_688, %get3A_689, %get3A_690] {strides = array<i32>} : memref<4x208x64xf32, #tpu.memory_space<vmem>>, vector<1x1x16xf32>,
        %get3A_692 = vector.shape_cast %get3A_691 : vector<1x1x16xf32> to vector<16xf32>
        %add3A_693 = arith.addf %add3A_663, %get3A_692 : vector<16xf32>
        %get3A_694 = arith.constant 3 : i32
        %get3A_695 = arith.index_cast %get3A_694 : i32 to index
        %get3A_696 = arith.index_cast %add3A_679 : i32 to index
        %get3A_697 = arith.constant 32 : index
        %get3A_698 = tpu.vector_load %arg6[%get3A_695, %get3A_696, %get3A_697] {strides = array<i32>} : memref<4x208x64xf32, #tpu.memory_space<vmem>>, vector<1x1x16xf32>,
        %get3A_699 = vector.shape_cast %get3A_698 : vector<1x1x16xf32> to vector<16xf32>
        %add3A_700 = arith.addf %add3A_670, %get3A_699 : vector<16xf32>
        %get3A_701 = arith.constant 3 : i32
        %get3A_702 = arith.index_cast %get3A_701 : i32 to index
        %get3A_703 = arith.index_cast %add3A_679 : i32 to index
        %get3A_704 = arith.constant 48 : index
        %get3A_705 = tpu.vector_load %arg6[%get3A_702, %get3A_703, %get3A_704] {strides = array<i32>} : memref<4x208x64xf32, #tpu.memory_space<vmem>>, vector<1x1x16xf32>,
        %get3A_706 = vector.shape_cast %get3A_705 : vector<1x1x16xf32> to vector<16xf32>
        %add3A_707 = arith.addf %add3A_677, %get3A_706 : vector<16xf32>
        %add3A_708 = arith.constant 12 : i32
        %add3A_709 = arith.addi %mul3A_348, %add3A_708 : i32
        %get3A_710 = arith.constant 3 : i32
        %get3A_711 = arith.index_cast %get3A_710 : i32 to index
        %get3A_712 = arith.index_cast %add3A_709 : i32 to index
        %get3A_713 = arith.constant 0 : index
        %get3A_714 = tpu.vector_load %arg6[%get3A_711, %get3A_712, %get3A_713] {strides = array<i32>} : memref<4x208x64xf32, #tpu.memory_space<vmem>>, vector<1x1x16xf32>,
        %get3A_715 = vector.shape_cast %get3A_714 : vector<1x1x16xf32> to vector<16xf32>
        %add3A_716 = arith.addf %add3A_686, %get3A_715 : vector<16xf32>
        %get3A_717 = arith.constant 3 : i32
        %get3A_718 = arith.index_cast %get3A_717 : i32 to index
        %get3A_719 = arith.index_cast %add3A_709 : i32 to index
        %get3A_720 = arith.constant 16 : index
        %get3A_721 = tpu.vector_load %arg6[%get3A_718, %get3A_719, %get3A_720] {strides = array<i32>} : memref<4x208x64xf32, #tpu.memory_space<vmem>>, vector<1x1x16xf32>,
        %get3A_722 = vector.shape_cast %get3A_721 : vector<1x1x16xf32> to vector<16xf32>
        %add3A_723 = arith.addf %add3A_693, %get3A_722 : vector<16xf32>
        %get3A_724 = arith.constant 3 : i32
        %get3A_725 = arith.index_cast %get3A_724 : i32 to index
        %get3A_726 = arith.index_cast %add3A_709 : i32 to index
        %get3A_727 = arith.constant 32 : index
        %get3A_728 = tpu.vector_load %arg6[%get3A_725, %get3A_726, %get3A_727] {strides = array<i32>} : memref<4x208x64xf32, #tpu.memory_space<vmem>>, vector<1x1x16xf32>,
        %get3A_729 = vector.shape_cast %get3A_728 : vector<1x1x16xf32> to vector<16xf32>
        %add3A_730 = arith.addf %add3A_700, %get3A_729 : vector<16xf32>
        %get3A_731 = arith.constant 3 : i32
        %get3A_732 = arith.index_cast %get3A_731 : i32 to index
        %get3A_733 = arith.index_cast %add3A_709 : i32 to index
        %get3A_734 = arith.constant 48 : index
        %get3A_735 = tpu.vector_load %arg6[%get3A_732, %get3A_733, %get3A_734] {strides = array<i32>} : memref<4x208x64xf32, #tpu.memory_space<vmem>>, vector<1x1x16xf32>,
        %get3A_736 = vector.shape_cast %get3A_735 : vector<1x1x16xf32> to vector<16xf32>
        %add3A_737 = arith.addf %add3A_707, %get3A_736 : vector<16xf32>
        %add3A_738 = arith.constant 13 : i32
        %add3A_739 = arith.addi %mul3A_348, %add3A_738 : i32
        %get3A_740 = arith.constant 3 : i32
        %get3A_741 = arith.index_cast %get3A_740 : i32 to index
        %get3A_742 = arith.index_cast %add3A_739 : i32 to index
        %get3A_743 = arith.constant 0 : index
        %get3A_744 = tpu.vector_load %arg6[%get3A_741, %get3A_742, %get3A_743] {strides = array<i32>} : memref<4x208x64xf32, #tpu.memory_space<vmem>>, vector<1x1x16xf32>,
        %get3A_745 = vector.shape_cast %get3A_744 : vector<1x1x16xf32> to vector<16xf32>
        %add3A_746 = arith.addf %add3A_716, %get3A_745 : vector<16xf32>
        %get3A_747 = arith.constant 3 : i32
        %get3A_748 = arith.index_cast %get3A_747 : i32 to index
        %get3A_749 = arith.index_cast %add3A_739 : i32 to index
        %get3A_750 = arith.constant 16 : index
        %get3A_751 = tpu.vector_load %arg6[%get3A_748, %get3A_749, %get3A_750] {strides = array<i32>} : memref<4x208x64xf32, #tpu.memory_space<vmem>>, vector<1x1x16xf32>,
        %get3A_752 = vector.shape_cast %get3A_751 : vector<1x1x16xf32> to vector<16xf32>
        %add3A_753 = arith.addf %add3A_723, %get3A_752 : vector<16xf32>
        %get3A_754 = arith.constant 3 : i32
        %get3A_755 = arith.index_cast %get3A_754 : i32 to index
        %get3A_756 = arith.index_cast %add3A_739 : i32 to index
        %get3A_757 = arith.constant 32 : index
        %get3A_758 = tpu.vector_load %arg6[%get3A_755, %get3A_756, %get3A_757] {strides = array<i32>} : memref<4x208x64xf32, #tpu.memory_space<vmem>>, vector<1x1x16xf32>,
        %get3A_759 = vector.shape_cast %get3A_758 : vector<1x1x16xf32> to vector<16xf32>
        %add3A_760 = arith.addf %add3A_730, %get3A_759 : vector<16xf32>
        %get3A_761 = arith.constant 3 : i32
        %get3A_762 = arith.index_cast %get3A_761 : i32 to index
        %get3A_763 = arith.index_cast %add3A_739 : i32 to index
        %get3A_764 = arith.constant 48 : index
        %get3A_765 = tpu.vector_load %arg6[%get3A_762, %get3A_763, %get3A_764] {strides = array<i32>} : memref<4x208x64xf32, #tpu.memory_space<vmem>>, vector<1x1x16xf32>,
        %get3A_766 = vector.shape_cast %get3A_765 : vector<1x1x16xf32> to vector<16xf32>
        %add3A_767 = arith.addf %add3A_737, %get3A_766 : vector<16xf32>
        %add3A_768 = arith.constant 14 : i32
        %add3A_769 = arith.addi %mul3A_348, %add3A_768 : i32
        %get3A_770 = arith.constant 3 : i32
        %get3A_771 = arith.index_cast %get3A_770 : i32 to index
        %get3A_772 = arith.index_cast %add3A_769 : i32 to index
        %get3A_773 = arith.constant 0 : index
        %get3A_774 = tpu.vector_load %arg6[%get3A_771, %get3A_772, %get3A_773] {strides = array<i32>} : memref<4x208x64xf32, #tpu.memory_space<vmem>>, vector<1x1x16xf32>,
        %get3A_775 = vector.shape_cast %get3A_774 : vector<1x1x16xf32> to vector<16xf32>
        %add3A_776 = arith.addf %add3A_746, %get3A_775 : vector<16xf32>
        %get3A_777 = arith.constant 3 : i32
        %get3A_778 = arith.index_cast %get3A_777 : i32 to index
        %get3A_779 = arith.index_cast %add3A_769 : i32 to index
        %get3A_780 = arith.constant 16 : index
        %get3A_781 = tpu.vector_load %arg6[%get3A_778, %get3A_779, %get3A_780] {strides = array<i32>} : memref<4x208x64xf32, #tpu.memory_space<vmem>>, vector<1x1x16xf32>,
        %get3A_782 = vector.shape_cast %get3A_781 : vector<1x1x16xf32> to vector<16xf32>
        %add3A_783 = arith.addf %add3A_753, %get3A_782 : vector<16xf32>
        %get3A_784 = arith.constant 3 : i32
        %get3A_785 = arith.index_cast %get3A_784 : i32 to index
        %get3A_786 = arith.index_cast %add3A_769 : i32 to index
        %get3A_787 = arith.constant 32 : index
        %get3A_788 = tpu.vector_load %arg6[%get3A_785, %get3A_786, %get3A_787] {strides = array<i32>} : memref<4x208x64xf32, #tpu.memory_space<vmem>>, vector<1x1x16xf32>,
        %get3A_789 = vector.shape_cast %get3A_788 : vector<1x1x16xf32> to vector<16xf32>
        %add3A_790 = arith.addf %add3A_760, %get3A_789 : vector<16xf32>
        %get3A_791 = arith.constant 3 : i32
        %get3A_792 = arith.index_cast %get3A_791 : i32 to index
        %get3A_793 = arith.index_cast %add3A_769 : i32 to index
        %get3A_794 = arith.constant 48 : index
        %get3A_795 = tpu.vector_load %arg6[%get3A_792, %get3A_793, %get3A_794] {strides = array<i32>} : memref<4x208x64xf32, #tpu.memory_space<vmem>>, vector<1x1x16xf32>,
        %get3A_796 = vector.shape_cast %get3A_795 : vector<1x1x16xf32> to vector<16xf32>
        %add3A_797 = arith.addf %add3A_767, %get3A_796 : vector<16xf32>
        %add3A_798 = arith.constant 15 : i32
        %add3A_799 = arith.addi %mul3A_348, %add3A_798 : i32
        %get3A_800 = arith.constant 3 : i32
        %get3A_801 = arith.index_cast %get3A_800 : i32 to index
        %get3A_802 = arith.index_cast %add3A_799 : i32 to index
        %get3A_803 = arith.constant 0 : index
        %get3A_804 = tpu.vector_load %arg6[%get3A_801, %get3A_802, %get3A_803] {strides = array<i32>} : memref<4x208x64xf32, #tpu.memory_space<vmem>>, vector<1x1x16xf32>,
        %get3A_805 = vector.shape_cast %get3A_804 : vector<1x1x16xf32> to vector<16xf32>
        %add3A_806 = arith.addf %add3A_776, %get3A_805 : vector<16xf32>
        %get3A_807 = arith.constant 3 : i32
        %get3A_808 = arith.index_cast %get3A_807 : i32 to index
        %get3A_809 = arith.index_cast %add3A_799 : i32 to index
        %get3A_810 = arith.constant 16 : index
        %get3A_811 = tpu.vector_load %arg6[%get3A_808, %get3A_809, %get3A_810] {strides = array<i32>} : memref<4x208x64xf32, #tpu.memory_space<vmem>>, vector<1x1x16xf32>,
        %get3A_812 = vector.shape_cast %get3A_811 : vector<1x1x16xf32> to vector<16xf32>
        %add3A_813 = arith.addf %add3A_783, %get3A_812 : vector<16xf32>
        %get3A_814 = arith.constant 3 : i32
        %get3A_815 = arith.index_cast %get3A_814 : i32 to index
        %get3A_816 = arith.index_cast %add3A_799 : i32 to index
        %get3A_817 = arith.constant 32 : index
        %get3A_818 = tpu.vector_load %arg6[%get3A_815, %get3A_816, %get3A_817] {strides = array<i32>} : memref<4x208x64xf32, #tpu.memory_space<vmem>>, vector<1x1x16xf32>,
        %get3A_819 = vector.shape_cast %get3A_818 : vector<1x1x16xf32> to vector<16xf32>
        %add3A_820 = arith.addf %add3A_790, %get3A_819 : vector<16xf32>
        %get3A_821 = arith.constant 3 : i32
        %get3A_822 = arith.index_cast %get3A_821 : i32 to index
        %get3A_823 = arith.index_cast %add3A_799 : i32 to index
        %get3A_824 = arith.constant 48 : index
        %get3A_825 = tpu.vector_load %arg6[%get3A_822, %get3A_823, %get3A_824] {strides = array<i32>} : memref<4x208x64xf32, #tpu.memory_space<vmem>>, vector<1x1x16xf32>,
        %get3A_826 = vector.shape_cast %get3A_825 : vector<1x1x16xf32> to vector<16xf32>
        %add3A_827 = arith.addf %add3A_797, %get3A_826 : vector<16xf32>
        scf.yield %add3A_806, %add3A_813, %add3A_820, %add3A_827 : vector<16xf32>, vector<16xf32>, vector<16xf32>, vector<16xf32>
      }
      %scan3A_307 = arith.constant 13 : i32
      %rem3A_308 = arith.constant 16 : i32
      %rem3A_309 = arith.remsi %add3A_284, %rem3A_308 : i32
      %swap3A_310 = arith.index_cast %rem3A_309 : i32 to index
      %swap3A_311 = arith.constant 0 : index
      %swap3A_312 = tpu.vector_load %arg7[%swap3A_310, %swap3A_311] {strides = array<i32>} : memref<16x64xf32, #tpu.memory_space<vmem>>, vector<1x16xf32>,
      %swap3A_313 = vector.shape_cast %swap3A_312 : vector<1x16xf32> to vector<16xf32>
      %swap3A_314 = vector.shape_cast %scan3A_306#0 : vector<16xf32> to vector<1x16xf32>
      tpu.vector_store %arg7[%swap3A_310, %swap3A_311], %swap3A_314 {strides = array<i32>} : memref<16x64xf32, #tpu.memory_space<vmem>>, vector<1x16xf32>,
      %swap3A_315 = arith.index_cast %rem3A_309 : i32 to index
      %swap3A_316 = arith.constant 16 : index
      %swap3A_317 = tpu.vector_load %arg7[%swap3A_315, %swap3A_316] {strides = array<i32>} : memref<16x64xf32, #tpu.memory_space<vmem>>, vector<1x16xf32>,
      %swap3A_318 = vector.shape_cast %swap3A_317 : vector<1x16xf32> to vector<16xf32>
      %swap3A_319 = vector.shape_cast %scan3A_306#1 : vector<16xf32> to vector<1x16xf32>
      tpu.vector_store %arg7[%swap3A_315, %swap3A_316], %swap3A_319 {strides = array<i32>} : memref<16x64xf32, #tpu.memory_space<vmem>>, vector<1x16xf32>,
      %swap3A_320 = arith.index_cast %rem3A_309 : i32 to index
      %swap3A_321 = arith.constant 32 : index
      %swap3A_322 = tpu.vector_load %arg7[%swap3A_320, %swap3A_321] {strides = array<i32>} : memref<16x64xf32, #tpu.memory_space<vmem>>, vector<1x16xf32>,
      %swap3A_323 = vector.shape_cast %swap3A_322 : vector<1x16xf32> to vector<16xf32>
      %swap3A_324 = vector.shape_cast %scan3A_306#2 : vector<16xf32> to vector<1x16xf32>
      tpu.vector_store %arg7[%swap3A_320, %swap3A_321], %swap3A_324 {strides = array<i32>} : memref<16x64xf32, #tpu.memory_space<vmem>>, vector<1x16xf32>,
      %swap3A_325 = arith.index_cast %rem3A_309 : i32 to index
      %swap3A_326 = arith.constant 48 : index
      %swap3A_327 = tpu.vector_load %arg7[%swap3A_325, %swap3A_326] {strides = array<i32>} : memref<16x64xf32, #tpu.memory_space<vmem>>, vector<1x16xf32>,
      %swap3A_328 = vector.shape_cast %swap3A_327 : vector<1x16xf32> to vector<16xf32>
      %swap3A_329 = vector.shape_cast %scan3A_306#3 : vector<16xf32> to vector<1x16xf32>
      tpu.vector_store %arg7[%swap3A_325, %swap3A_326], %swap3A_329 {strides = array<i32>} : memref<16x64xf32, #tpu.memory_space<vmem>>, vector<1x16xf32>,
      %eq3A_330 = arith.constant 15 : i32
      %eq3A_331 = arith.cmpi eq, %rem3A_309, %eq3A_330 : i32
      %convert_element_type3A_332 = arith.extui %eq3A_331 : i1 to i32
      %cond3A_333 = arith.constant 0 : i32
      %cond3A_334 = arith.cmpi ne, %convert_element_type3A_332, %cond3A_333 : i32
      scf.if %cond3A_334 {
        %add3A_342 = arith.addi %multiple_of3A, %add3A_284 : i32
        %sub3A = arith.constant 15 : i32
        %sub3A_343 = arith.subi %add3A_342, %sub3A : i32
        %multiple_of3A_344 = tpu.assume_multiple %sub3A_343, 16 : i32
        "tpu.region"() ({
          %run_scoped3A = tpu.sem_alloc : memref<!tpu.dma_semaphore, #tpu.memory_space<semaphore_mem>>
          %dma_start3A_345 = arith.constant 0 : i32
          %dma_start3A_346 = tpu.memref_slice %arg4[%multiple_of3A_344, %dma_start3A_345] : memref<9216x64xf32, #tpu.memory_space<hbm>> -> memref<16x64xf32, #tpu.memory_space<hbm>>
          %dma_start3A_347 = arith.constant 0 : i32
          %dma_start3A_348 = tpu.memref_slice %arg4[%multiple_of3A_344, %dma_start3A_347] : memref<9216x64xf32, #tpu.memory_space<hbm>> -> memref<16x64xf32, #tpu.memory_space<hbm>>
          tpu.enqueue_dma source(%arg7 : memref<16x64xf32, #tpu.memory_space<vmem>>) target(%dma_start3A_348 : memref<16x64xf32, #tpu.memory_space<hbm>>) target_semaphore(%run_scoped3A : memref<!tpu.dma_semaphore, #tpu.memory_space<semaphore_mem>>)
          %dma_wait3A_349 = arith.constant 0 : i32
          %dma_wait3A_350 = tpu.memref_slice %arg4[%multiple_of3A_344, %dma_wait3A_349] : memref<9216x64xf32, #tpu.memory_space<hbm>> -> memref<16x64xf32, #tpu.memory_space<hbm>>
          %dma_wait3A_351 = arith.constant 0 : i32
          %dma_wait3A_352 = tpu.memref_slice %arg4[%multiple_of3A_344, %dma_wait3A_351] : memref<9216x64xf32, #tpu.memory_space<hbm>> -> memref<16x64xf32, #tpu.memory_space<hbm>>
          tpu.wait_dma2 semaphore(%run_scoped3A : memref<!tpu.dma_semaphore, #tpu.memory_space<semaphore_mem>>) src(%arg7 : memref<16x64xf32, #tpu.memory_space<vmem>>) dst(%dma_wait3A_352 : memref<16x64xf32, #tpu.memory_space<hbm>>)
          tpu.yield
        }) : () -> ()
      } else {
      }
      %add3A_335 = arith.constant 4 : i32
      %add3A_336 = arith.addi %add3A_284, %add3A_335 : i32
      %lt3A_337 = arith.constant 288 : i32
      %lt3A_338 = arith.cmpi slt, %add3A_336, %lt3A_337 : i32
      %convert_element_type3A_339 = arith.extui %lt3A_338 : i1 to i32
      %cond3A_340 = arith.constant 0 : i32
      %cond3A_341 = arith.cmpi ne, %convert_element_type3A_339, %cond3A_340 : i32
      scf.if %cond3A_341 {
        %add3A_342 = arith.constant 4 : i32
        %add3A_343 = arith.addi %add3A_284, %add3A_342 : i32
        %mul3A_344 = arith.constant 2 : i32
        %mul3A_345 = arith.muli %mul3A_344, %add3A_343 : i32
        %dma_start3A_346 = arith.constant 3 : i32
        %dma_start3A_347 = arith.constant 0 : i32
        %dma_start3A_348 = arith.constant 0 : i32
        %dma_start3A_349 = tpu.memref_slice %arg6[%dma_start3A_346, %dma_start3A_347, %dma_start3A_348] : memref<4x208x64xf32, #tpu.memory_space<vmem>> -> memref<1x104x64xf32, #tpu.memory_space<vmem>>
        %dma_start3A_350 = tpu.memref_squeeze %dma_start3A_349 : memref<1x104x64xf32, #tpu.memory_space<vmem>> -> memref<104x64xf32, #tpu.memory_space<vmem>>
        %dma_start3A_351 = arith.constant 0 : i32
        %dma_start3A_352 = tpu.memref_slice %arg5[%mul3A_345, %dma_start3A_351] : memref<576x104xi32, #tpu.memory_space<vmem>> -> memref<1x104xi32, #tpu.memory_space<vmem>>
        %dma_start3A_353 = tpu.memref_squeeze %dma_start3A_352 : memref<1x104xi32, #tpu.memory_space<vmem>> -> memref<104xi32, #tpu.memory_space<vmem>>
        %dma_start3A_354 = arith.constant 0 : i32
        %dma_start3A_355 = arith.constant 0 : i32
        %dma_start3A_356 = tpu.memref_slice %arg3[%dma_start3A_354, %dma_start3A_355] : memref<100008x64xf32, #tpu.memory_space<hbm>> -> memref<100008x64xf32, #tpu.memory_space<hbm>>
        tpu.enqueue_indirect_dma source(%dma_start3A_356 : memref<100008x64xf32, #tpu.memory_space<hbm>>) target(%dma_start3A_350 : memref<104x64xf32, #tpu.memory_space<vmem>>) offsets(%dma_start3A_353 : memref<104xi32, #tpu.memory_space<vmem>>) semaphore(%arg11 : memref<!tpu.dma_semaphore, #tpu.memory_space<semaphore_mem>>)
        %mul3A_357 = arith.constant 2 : i32
        %mul3A_358 = arith.muli %mul3A_357, %add3A_343 : i32
        %add3A_359 = arith.constant 1 : i32
        %add3A_360 = arith.addi %mul3A_358, %add3A_359 : i32
        %dma_start3A_361 = arith.constant 3 : i32
        %dma_start3A_362 = arith.constant 104 : i32
        %dma_start3A_363 = arith.constant 0 : i32
        %dma_start3A_364 = tpu.memref_slice %arg6[%dma_start3A_361, %dma_start3A_362, %dma_start3A_363] : memref<4x208x64xf32, #tpu.memory_space<vmem>> -> memref<1x104x64xf32, #tpu.memory_space<vmem>>
        %dma_start3A_365 = tpu.memref_squeeze %dma_start3A_364 : memref<1x104x64xf32, #tpu.memory_space<vmem>> -> memref<104x64xf32, #tpu.memory_space<vmem>>
        %dma_start3A_366 = arith.constant 0 : i32
        %dma_start3A_367 = tpu.memref_slice %arg5[%add3A_360, %dma_start3A_366] : memref<576x104xi32, #tpu.memory_space<vmem>> -> memref<1x104xi32, #tpu.memory_space<vmem>>
        %dma_start3A_368 = tpu.memref_squeeze %dma_start3A_367 : memref<1x104xi32, #tpu.memory_space<vmem>> -> memref<104xi32, #tpu.memory_space<vmem>>
        %dma_start3A_369 = arith.constant 0 : i32
        %dma_start3A_370 = arith.constant 0 : i32
        %dma_start3A_371 = tpu.memref_slice %arg3[%dma_start3A_369, %dma_start3A_370] : memref<100008x64xf32, #tpu.memory_space<hbm>> -> memref<100008x64xf32, #tpu.memory_space<hbm>>
        tpu.enqueue_indirect_dma source(%dma_start3A_371 : memref<100008x64xf32, #tpu.memory_space<hbm>>) target(%dma_start3A_365 : memref<104x64xf32, #tpu.memory_space<vmem>>) offsets(%dma_start3A_368 : memref<104xi32, #tpu.memory_space<vmem>>) semaphore(%arg11 : memref<!tpu.dma_semaphore, #tpu.memory_space<semaphore_mem>>)
      } else {
      }
    }
    %scan3A_104 = arith.constant 72 : i32
    return
  }
}

module attributes {stable_mosaic.version = 14 : i64} {
  func.func @_score_body(%arg0: memref<1024x200xi32, #tpu.memory_space<vmem>>, %arg1: memref<8192x200xi32, #tpu.memory_space<vmem>>, %arg2: memref<1024x64xf32, #tpu.memory_space<vmem>>, %arg3: memref<8192x64xf32, #tpu.memory_space<vmem>>, %arg4: memref<256x128xf32, #tpu.memory_space<vmem>>, %arg5: memref<1x128xf32, #tpu.memory_space<vmem>>, %arg6: memref<128x1xf32, #tpu.memory_space<vmem>>, %arg7: memref<1x1xf32, #tpu.memory_space<vmem>>, %arg8: memref<8192x1xf32, #tpu.memory_space<vmem>>, %arg9: memref<1024x200xi32, #tpu.memory_space<vmem>>, %arg10: memref<1024x1xi32, #tpu.memory_space<vmem>>) attributes {dimension_semantics = [], scalar_prefetch = 0 : i64, scratch_operands = 0 : i64, tpu.core_type = #tpu.core_type<tc>} {
    %get3A = arith.constant 0 : index
    %get3A_0 = arith.constant 0 : index
    %get3A_1 = vector.load %arg0[%get3A, %get3A_0] : memref<1024x200xi32, #tpu.memory_space<vmem>>, vector<1024x200xi32>
    %ne3A = arith.constant 0 : i32
    %ne3A_2 = vector.broadcast %ne3A : i32 to vector<1024x200xi32>
    %ne3A_3 = arith.cmpi ne, %get3A_1, %ne3A_2 : vector<1024x200xi32>
    %convert_element_type3A = arith.extui %ne3A_3 : vector<1024x200xi1> to vector<1024x200xi32>
    %convert_element_type3A_4 = arith.sitofp %convert_element_type3A : vector<1024x200xi32> to vector<1024x200xf32>
    %reduce_sum3A = arith.constant dense<0.000000e+00> : vector<1024xf32>
    %reduce_sum3A_5 = vector.multi_reduction <add>, %convert_element_type3A_4, %reduce_sum3A [1] : vector<1024x200xf32> to vector<1024xf32>
    %broadcast_in_dim3A = vector.shape_cast %reduce_sum3A_5 : vector<1024xf32> to vector<1024x1xf32>
    %get3A_6 = arith.constant 0 : index
    %get3A_7 = arith.constant 0 : index
    %get3A_8 = vector.load %arg1[%get3A_6, %get3A_7] : memref<8192x200xi32, #tpu.memory_space<vmem>>, vector<8192x200xi32>
    %ne3A_9 = arith.constant 0 : i32
    %ne3A_10 = vector.broadcast %ne3A_9 : i32 to vector<8192x200xi32>
    %ne3A_11 = arith.cmpi ne, %get3A_8, %ne3A_10 : vector<8192x200xi32>
    %convert_element_type3A_12 = arith.extui %ne3A_11 : vector<8192x200xi1> to vector<8192x200xi32>
    %convert_element_type3A_13 = arith.sitofp %convert_element_type3A_12 : vector<8192x200xi32> to vector<8192x200xf32>
    %reduce_sum3A_14 = arith.constant dense<0.000000e+00> : vector<8192xf32>
    %reduce_sum3A_15 = vector.multi_reduction <add>, %convert_element_type3A_13, %reduce_sum3A_14 [1] : vector<8192x200xf32> to vector<8192xf32>
    %broadcast_in_dim3A_16 = vector.shape_cast %reduce_sum3A_15 : vector<8192xf32> to vector<8192x1xf32>
    %get3A_17 = arith.constant 0 : index
    %get3A_18 = arith.constant 0 : index
    %get3A_19 = vector.load %arg2[%get3A_17, %get3A_18] : memref<1024x64xf32, #tpu.memory_space<vmem>>, vector<1024x64xf32>
    %max3A = arith.constant 9.99999993E-9 : f32
    %max3A_20 = vector.broadcast %max3A : f32 to vector<1024x1xf32>
    %max3A_21 = arith.maximumf %broadcast_in_dim3A, %max3A_20 : vector<1024x1xf32>
    %div3A = vector.broadcast %max3A_21 : vector<1024x1xf32> to vector<1024x64xf32>
    %div3A_22 = arith.divf %get3A_19, %div3A : vector<1024x64xf32>
    %get3A_23 = arith.constant 0 : index
    %get3A_24 = arith.constant 0 : index
    %get3A_25 = vector.load %arg3[%get3A_23, %get3A_24] : memref<8192x64xf32, #tpu.memory_space<vmem>>, vector<8192x64xf32>
    %max3A_26 = arith.constant 9.99999993E-9 : f32
    %max3A_27 = vector.broadcast %max3A_26 : f32 to vector<8192x1xf32>
    %max3A_28 = arith.maximumf %broadcast_in_dim3A_16, %max3A_27 : vector<8192x1xf32>
    %div3A_29 = vector.broadcast %max3A_28 : vector<8192x1xf32> to vector<8192x64xf32>
    %div3A_30 = arith.divf %get3A_25, %div3A_29 : vector<8192x64xf32>
    %broadcast_in_dim3A_31 = vector.shape_cast %div3A_22 : vector<1024x64xf32> to vector<1024x1x64xf32>
    %broadcast_in_dim3A_32 = vector.shape_cast %broadcast_in_dim3A_31 : vector<1024x1x64xf32> to vector<1024x1x64xf32>
    %broadcast_in_dim3A_33 = vector.broadcast %broadcast_in_dim3A_32 : vector<1024x1x64xf32> to vector<1024x8x64xf32>
    %reshape3A = vector.shape_cast %broadcast_in_dim3A_33 : vector<1024x8x64xf32> to vector<8192x64xf32>
    %mul3A = arith.mulf %reshape3A, %div3A_30 : vector<8192x64xf32>
    %sub3A = arith.subf %div3A_30, %reshape3A : vector<8192x64xf32>
    %concatenate3A = tpu.concatenate %reshape3A, %div3A_30, %mul3A, %sub3A in 1 : vector<8192x64xf32>, vector<8192x64xf32>, vector<8192x64xf32>, vector<8192x64xf32> -> vector<8192x256xf32>
    %get3A_34 = arith.constant 0 : index
    %get3A_35 = arith.constant 0 : index
    %get3A_36 = vector.load %arg4[%get3A_34, %get3A_35] : memref<256x128xf32, #tpu.memory_space<vmem>>, vector<256x128xf32>
    %dot_general3A = arith.constant dense<0.000000e+00> : vector<8192x128xf32>
    %dot_general3A_37 = tpu.matmul %concatenate3A, %get3A_36, %dot_general3A {dimension_numbers = #tpu.dot_dimension_numbers<[1], [0], [0], [1], [0, 0, 1, 1], [], []>, transpose_lhs_hint = false} : vector<8192x256xf32>, vector<256x128xf32>, vector<8192x128xf32> -> vector<8192x128xf32>
    %get3A_38 = arith.constant 0 : index
    %get3A_39 = arith.constant 0 : index
    %get3A_40 = vector.load %arg5[%get3A_38, %get3A_39] : memref<1x128xf32, #tpu.memory_space<vmem>>, vector<1x128xf32>
    %add3A = vector.broadcast %get3A_40 : vector<1x128xf32> to vector<8192x128xf32>
    %add3A_41 = arith.addf %dot_general3A_37, %add3A : vector<8192x128xf32>
    %mul3A_42 = arith.constant 5.000000e-01 : f32
    %mul3A_43 = vector.broadcast %mul3A_42 : f32 to vector<8192x128xf32>
    %mul3A_44 = arith.mulf %mul3A_43, %add3A_41 : vector<8192x128xf32>
    %neg3A = arith.constant 0.000000e+00 : f32
    %neg3A_45 = vector.broadcast %neg3A : f32 to vector<8192x128xf32>
    %neg3A_46 = arith.subf %neg3A_45, %add3A_41 : vector<8192x128xf32>
    %mul3A_47 = arith.constant 0.707106769 : f32
    %mul3A_48 = vector.broadcast %mul3A_47 : f32 to vector<8192x128xf32>
    %mul3A_49 = arith.mulf %neg3A_46, %mul3A_48 : vector<8192x128xf32>
    %abs3A = math.absf %mul3A_49 : vector<8192x128xf32>
    %mul3A_50 = arith.mulf %mul3A_49, %mul3A_49 : vector<8192x128xf32>
    %broadcast_in_dim3A_51 = arith.constant 0.000000e+00 : f32
    %broadcast_in_dim3A_52 = vector.broadcast %broadcast_in_dim3A_51 : f32 to vector<8192x128xf32>
    %mul3A_53 = arith.mulf %broadcast_in_dim3A_52, %mul3A_50 : vector<8192x128xf32>
    %add3A_54 = arith.constant 7.85386146E-5 : f32
    %add3A_55 = vector.broadcast %add3A_54 : f32 to vector<8192x128xf32>
    %add3A_56 = arith.addf %mul3A_53, %add3A_55 : vector<8192x128xf32>
    %mul3A_57 = arith.mulf %add3A_56, %mul3A_50 : vector<8192x128xf32>
    %add3A_58 = arith.constant -8.0101937E-4 : f32
    %add3A_59 = vector.broadcast %add3A_58 : f32 to vector<8192x128xf32>
    %add3A_60 = arith.addf %mul3A_57, %add3A_59 : vector<8192x128xf32>
    %mul3A_61 = arith.mulf %add3A_60, %mul3A_50 : vector<8192x128xf32>
    %add3A_62 = arith.constant 0.00518832775 : f32
    %add3A_63 = vector.broadcast %add3A_62 : f32 to vector<8192x128xf32>
    %add3A_64 = arith.addf %mul3A_61, %add3A_63 : vector<8192x128xf32>
    %mul3A_65 = arith.mulf %add3A_64, %mul3A_50 : vector<8192x128xf32>
    %add3A_66 = arith.constant -0.0268538129 : f32
    %add3A_67 = vector.broadcast %add3A_66 : f32 to vector<8192x128xf32>
    %add3A_68 = arith.addf %mul3A_65, %add3A_67 : vector<8192x128xf32>
    %mul3A_69 = arith.mulf %add3A_68, %mul3A_50 : vector<8192x128xf32>
    %add3A_70 = arith.constant 0.112835854 : f32
    %add3A_71 = vector.broadcast %add3A_70 : f32 to vector<8192x128xf32>
    %add3A_72 = arith.addf %mul3A_69, %add3A_71 : vector<8192x128xf32>
    %mul3A_73 = arith.mulf %add3A_72, %mul3A_50 : vector<8192x128xf32>
    %add3A_74 = arith.constant -0.37612626 : f32
    %add3A_75 = vector.broadcast %add3A_74 : f32 to vector<8192x128xf32>
    %add3A_76 = arith.addf %mul3A_73, %add3A_75 : vector<8192x128xf32>
    %mul3A_77 = arith.mulf %add3A_76, %mul3A_50 : vector<8192x128xf32>
    %add3A_78 = arith.constant 1.12837911 : f32
    %add3A_79 = vector.broadcast %add3A_78 : f32 to vector<8192x128xf32>
    %add3A_80 = arith.addf %mul3A_77, %add3A_79 : vector<8192x128xf32>
    %mul3A_81 = arith.mulf %mul3A_49, %add3A_80 : vector<8192x128xf32>
    %sub3A_82 = arith.constant 1.000000e+00 : f32
    %sub3A_83 = vector.broadcast %sub3A_82 : f32 to vector<8192x128xf32>
    %sub3A_84 = arith.subf %sub3A_83, %mul3A_81 : vector<8192x128xf32>
    %neg3A_85 = arith.constant 0.000000e+00 : f32
    %neg3A_86 = vector.broadcast %neg3A_85 : f32 to vector<8192x128xf32>
    %neg3A_87 = arith.subf %neg3A_86, %mul3A_49 : vector<8192x128xf32>
    %mul3A_88 = arith.mulf %neg3A_87, %mul3A_49 : vector<8192x128xf32>
    %exp3A = math.exp %mul3A_88 : vector<8192x128xf32>
    %div3A_89 = arith.constant 1.000000e+00 : f32
    %div3A_90 = vector.broadcast %div3A_89 : f32 to vector<8192x128xf32>
    %div3A_91 = arith.divf %div3A_90, %abs3A : vector<8192x128xf32>
    %mul3A_92 = arith.mulf %div3A_91, %div3A_91 : vector<8192x128xf32>
    %lt3A = arith.constant 2.000000e+00 : f32
    %lt3A_93 = vector.broadcast %lt3A : f32 to vector<8192x128xf32>
    %lt3A_94 = arith.cmpf olt, %abs3A, %lt3A_93 : vector<8192x128xf32>
    %broadcast_in_dim3A_95 = arith.constant 0.000000e+00 : f32
    %broadcast_in_dim3A_96 = vector.broadcast %broadcast_in_dim3A_95 : f32 to vector<8192x128xf32>
    %mul3A_97 = arith.mulf %broadcast_in_dim3A_96, %mul3A_92 : vector<8192x128xf32>
    %add3A_98 = arith.constant 2.326820e-02 : f32
    %add3A_99 = vector.broadcast %add3A_98 : f32 to vector<8192x128xf32>
    %add3A_100 = arith.addf %mul3A_97, %add3A_99 : vector<8192x128xf32>
    %mul3A_101 = arith.mulf %add3A_100, %mul3A_92 : vector<8192x128xf32>
    %add3A_102 = arith.constant -0.138703942 : f32
    %add3A_103 = vector.broadcast %add3A_102 : f32 to vector<8192x128xf32>
    %add3A_104 = arith.addf %mul3A_101, %add3A_103 : vector<8192x128xf32>
    %mul3A_105 = arith.mulf %add3A_104, %mul3A_92 : vector<8192x128xf32>
    %add3A_106 = arith.constant 0.368742466 : f32
    %add3A_107 = vector.broadcast %add3A_106 : f32 to vector<8192x128xf32>
    %add3A_108 = arith.addf %mul3A_105, %add3A_107 : vector<8192x128xf32>
    %mul3A_109 = arith.mulf %add3A_108, %mul3A_92 : vector<8192x128xf32>
    %add3A_110 = arith.constant -0.582473278 : f32
    %add3A_111 = vector.broadcast %add3A_110 : f32 to vector<8192x128xf32>
    %add3A_112 = arith.addf %mul3A_109, %add3A_111 : vector<8192x128xf32>
    %mul3A_113 = arith.mulf %add3A_112, %mul3A_92 : vector<8192x128xf32>
    %add3A_114 = arith.constant 0.621000468 : f32
    %add3A_115 = vector.broadcast %add3A_114 : f32 to vector<8192x128xf32>
    %add3A_116 = arith.addf %mul3A_113, %add3A_115 : vector<8192x128xf32>
    %mul3A_117 = arith.mulf %add3A_116, %mul3A_92 : vector<8192x128xf32>
    %add3A_118 = arith.constant -0.494451523 : f32
    %add3A_119 = vector.broadcast %add3A_118 : f32 to vector<8192x128xf32>
    %add3A_120 = arith.addf %mul3A_117, %add3A_119 : vector<8192x128xf32>
    %mul3A_121 = arith.mulf %add3A_120, %mul3A_92 : vector<8192x128xf32>
    %add3A_122 = arith.constant 3.404880e-01 : f32
    %add3A_123 = vector.broadcast %add3A_122 : f32 to vector<8192x128xf32>
    %add3A_124 = arith.addf %mul3A_121, %add3A_123 : vector<8192x128xf32>
    %mul3A_125 = arith.mulf %add3A_124, %mul3A_92 : vector<8192x128xf32>
    %add3A_126 = arith.constant -0.274112701 : f32
    %add3A_127 = vector.broadcast %add3A_126 : f32 to vector<8192x128xf32>
    %add3A_128 = arith.addf %mul3A_125, %add3A_127 : vector<8192x128xf32>
    %mul3A_129 = arith.mulf %add3A_128, %mul3A_92 : vector<8192x128xf32>
    %add3A_130 = arith.constant 0.563825965 : f32
    %add3A_131 = vector.broadcast %add3A_130 : f32 to vector<8192x128xf32>
    %add3A_132 = arith.addf %mul3A_129, %add3A_131 : vector<8192x128xf32>
    %broadcast_in_dim3A_133 = arith.constant 0.000000e+00 : f32
    %broadcast_in_dim3A_134 = vector.broadcast %broadcast_in_dim3A_133 : f32 to vector<8192x128xf32>
    %mul3A_135 = arith.mulf %broadcast_in_dim3A_134, %mul3A_92 : vector<8192x128xf32>
    %add3A_136 = arith.constant -10.477664 : f32
    %add3A_137 = vector.broadcast %add3A_136 : f32 to vector<8192x128xf32>
    %add3A_138 = arith.addf %mul3A_135, %add3A_137 : vector<8192x128xf32>
    %mul3A_139 = arith.mulf %add3A_138, %mul3A_92 : vector<8192x128xf32>
    %add3A_140 = arith.constant 1.297720e+01 : f32
    %add3A_141 = vector.broadcast %add3A_140 : f32 to vector<8192x128xf32>
    %add3A_142 = arith.addf %mul3A_139, %add3A_141 : vector<8192x128xf32>
    %mul3A_143 = arith.mulf %add3A_142, %mul3A_92 : vector<8192x128xf32>
    %add3A_144 = arith.constant -7.49551868 : f32
    %add3A_145 = vector.broadcast %add3A_144 : f32 to vector<8192x128xf32>
    %add3A_146 = arith.addf %mul3A_143, %add3A_145 : vector<8192x128xf32>
    %mul3A_147 = arith.mulf %add3A_146, %mul3A_92 : vector<8192x128xf32>
    %add3A_148 = arith.constant 2.92101908 : f32
    %add3A_149 = vector.broadcast %add3A_148 : f32 to vector<8192x128xf32>
    %add3A_150 = arith.addf %mul3A_147, %add3A_149 : vector<8192x128xf32>
    %mul3A_151 = arith.mulf %add3A_150, %mul3A_92 : vector<8192x128xf32>
    %add3A_152 = arith.constant -1.01526523 : f32
    %add3A_153 = vector.broadcast %add3A_152 : f32 to vector<8192x128xf32>
    %add3A_154 = arith.addf %mul3A_151, %add3A_153 : vector<8192x128xf32>
    %mul3A_155 = arith.mulf %add3A_154, %mul3A_92 : vector<8192x128xf32>
    %add3A_156 = arith.constant 0.42184633 : f32
    %add3A_157 = vector.broadcast %add3A_156 : f32 to vector<8192x128xf32>
    %add3A_158 = arith.addf %mul3A_155, %add3A_157 : vector<8192x128xf32>
    %mul3A_159 = arith.mulf %add3A_158, %mul3A_92 : vector<8192x128xf32>
    %add3A_160 = arith.constant -0.282076746 : f32
    %add3A_161 = vector.broadcast %add3A_160 : f32 to vector<8192x128xf32>
    %add3A_162 = arith.addf %mul3A_159, %add3A_161 : vector<8192x128xf32>
    %mul3A_163 = arith.mulf %add3A_162, %mul3A_92 : vector<8192x128xf32>
    %add3A_164 = arith.constant 0.564189494 : f32
    %add3A_165 = vector.broadcast %add3A_164 : f32 to vector<8192x128xf32>
    %add3A_166 = arith.addf %mul3A_163, %add3A_165 : vector<8192x128xf32>
    %select_n3A = arith.select %lt3A_94, %add3A_132, %add3A_166 : vector<8192x128xi1>, vector<8192x128xf32>
    %mul3A_167 = arith.mulf %exp3A, %div3A_91 : vector<8192x128xf32>
    %mul3A_168 = arith.mulf %mul3A_167, %select_n3A : vector<8192x128xf32>
    %lt3A_169 = arith.constant 0.000000e+00 : f32
    %lt3A_170 = vector.broadcast %lt3A_169 : f32 to vector<8192x128xf32>
    %lt3A_171 = arith.cmpf olt, %mul3A_49, %lt3A_170 : vector<8192x128xf32>
    %sub3A_172 = arith.constant 2.000000e+00 : f32
    %sub3A_173 = vector.broadcast %sub3A_172 : f32 to vector<8192x128xf32>
    %sub3A_174 = arith.subf %sub3A_173, %mul3A_168 : vector<8192x128xf32>
    %select_n3A_175 = arith.select %lt3A_171, %sub3A_174, %mul3A_168 : vector<8192x128xi1>, vector<8192x128xf32>
    %gt3A = arith.constant 1.000000e+00 : f32
    %gt3A_176 = vector.broadcast %gt3A : f32 to vector<8192x128xf32>
    %gt3A_177 = arith.cmpf ogt, %abs3A, %gt3A_176 : vector<8192x128xf32>
    %select_n3A_178 = arith.select %gt3A_177, %select_n3A_175, %sub3A_84 : vector<8192x128xi1>, vector<8192x128xf32>
    %mul3A_179 = arith.mulf %mul3A_44, %select_n3A_178 : vector<8192x128xf32>
    %get3A_180 = arith.constant 0 : index
    %get3A_181 = arith.constant 0 : index
    %get3A_182 = vector.load %arg6[%get3A_180, %get3A_181] : memref<128x1xf32, #tpu.memory_space<vmem>>, vector<128x1xf32>
    %dot_general3A_183 = arith.constant dense<0.000000e+00> : vector<8192x1xf32>
    %dot_general3A_184 = tpu.matmul %mul3A_179, %get3A_182, %dot_general3A_183 {dimension_numbers = #tpu.dot_dimension_numbers<[1], [0], [0], [1], [0, 0, 1, 1], [], []>, transpose_lhs_hint = false} : vector<8192x128xf32>, vector<128x1xf32>, vector<8192x1xf32> -> vector<8192x1xf32>
    %get3A_185 = arith.constant 0 : index
    %get3A_186 = arith.constant 0 : index
    %get3A_187 = vector.load %arg7[%get3A_185, %get3A_186] : memref<1x1xf32, #tpu.memory_space<vmem>>, vector<1x1xf32>
    %add3A_188 = vector.broadcast %get3A_187 : vector<1x1xf32> to vector<8192x1xf32>
    %add3A_189 = arith.addf %dot_general3A_184, %add3A_188 : vector<8192x1xf32>
    %swap3A = arith.constant 0 : index
    %swap3A_190 = arith.constant 0 : index
    %swap3A_191 = vector.load %arg8[%swap3A, %swap3A_190] : memref<8192x1xf32, #tpu.memory_space<vmem>>, vector<8192x1xf32>
    tpu.vector_store %arg8[%swap3A, %swap3A_190], %add3A_189 {strides = array<i32>} : memref<8192x1xf32, #tpu.memory_space<vmem>>, vector<8192x1xf32>,
    %reshape3A_192 = vector.shape_cast %add3A_189 : vector<8192x1xf32> to vector<1024x8x1xf32>
    %reduce_max3A = arith.constant dense<0xFF800000> : vector<1024x1xf32>
    %reduce_max3A_193 = vector.multi_reduction <maximumf>, %reshape3A_192, %reduce_max3A [1] : vector<1024x8x1xf32> to vector<1024x1xf32>
    %broadcast_in_dim3A_194 = vector.shape_cast %reduce_max3A_193 : vector<1024x1xf32> to vector<1024x1x1xf32>
    %iota3A = tpu.iota {dimensions = array<i32: 1>} : vector<1024x8x1xi32>
    %eq3A = vector.broadcast %broadcast_in_dim3A_194 : vector<1024x1x1xf32> to vector<1024x8x1xf32>
    %eq3A_195 = arith.cmpf oeq, %reshape3A_192, %eq3A : vector<1024x8x1xf32>
    %jit3A = arith.constant 8 : i32
    %broadcast_in_dim3A_196 = vector.broadcast %jit3A : i32 to vector<1024x8x1xi32>
    %select_n3A_197 = arith.select %eq3A_195, %iota3A, %broadcast_in_dim3A_196 : vector<1024x8x1xi1>, vector<1024x8x1xi32>
    %reduce_min3A = arith.constant dense<2147483647> : vector<1024x1xi32>
    %reduce_min3A_198 = vector.multi_reduction <minsi>, %select_n3A_197, %reduce_min3A [1] : vector<1024x8x1xi32> to vector<1024x1xi32>
    %swap3A_199 = arith.constant 0 : index
    %swap3A_200 = arith.constant 0 : index
    %swap3A_201 = vector.load %arg10[%swap3A_199, %swap3A_200] : memref<1024x1xi32, #tpu.memory_space<vmem>>, vector<1024x1xi32>
    tpu.vector_store %arg10[%swap3A_199, %swap3A_200], %reduce_min3A_198 {strides = array<i32>} : memref<1024x1xi32, #tpu.memory_space<vmem>>, vector<1024x1xi32>,
    %broadcast_in_dim3A_202 = vector.shape_cast %reduce_min3A_198 : vector<1024x1xi32> to vector<1024x1x1xi32>
    %eq3A_203 = vector.broadcast %broadcast_in_dim3A_202 : vector<1024x1x1xi32> to vector<1024x8x1xi32>
    %eq3A_204 = arith.cmpi eq, %iota3A, %eq3A_203 : vector<1024x8x1xi32>
    %convert_element_type3A_205 = arith.extui %eq3A_204 : vector<1024x8x1xi1> to vector<1024x8x1xi32>
    %get3A_206 = arith.constant 0 : index
    %get3A_207 = arith.constant 0 : index
    %get3A_208 = vector.load %arg1[%get3A_206, %get3A_207] : memref<8192x200xi32, #tpu.memory_space<vmem>>, vector<8192x200xi32>
    %reshape3A_209 = vector.shape_cast %get3A_208 : vector<8192x200xi32> to vector<1024x8x200xi32>
    %mul3A_210 = vector.broadcast %convert_element_type3A_205 : vector<1024x8x1xi32> to vector<1024x8x200xi32>
    %mul3A_211 = arith.muli %reshape3A_209, %mul3A_210 : vector<1024x8x200xi32>
    %reduce_sum3A_212 = arith.constant dense<0> : vector<1024x200xi32>
    %reduce_sum3A_213 = vector.multi_reduction <add>, %mul3A_211, %reduce_sum3A_212 [1] : vector<1024x8x200xi32> to vector<1024x200xi32>
    %swap3A_214 = arith.constant 0 : index
    %swap3A_215 = arith.constant 0 : index
    %swap3A_216 = vector.load %arg9[%swap3A_214, %swap3A_215] : memref<1024x200xi32, #tpu.memory_space<vmem>>, vector<1024x200xi32>
    tpu.vector_store %arg9[%swap3A_214, %swap3A_215], %reduce_sum3A_213 {strides = array<i32>} : memref<1024x200xi32, #tpu.memory_space<vmem>>, vector<1024x200xi32>,
    return
  }
}

</mosaic_0001>

<sc_bundles>
// kernel: kernel.4.cloned.1.call-start
scs
__scs_entry_jumppad:
0x0: {  	(pc) =	sbr.rel $0x88, $3  }
0x1: {  	(tag) =	ssettag $0x0;
	lr =	simm.s32 $0x1  }
0x2: {  	[smem:$0x3F9A] =	sst lr;
	_ =	strace $0xD0000000  }
0x3: {  	_ = 	snop  }
0x4: {  	_ = 	snop  }
0x5: {  	_ = 	snop  }
0x6: {  	_ = 	snop  }
0x7: {  	_ = 	snop  }
__scs_overlays_trampoline_lowered:
0x8: {  	[smem:$0x3FA9] =	sst s0  }
0x9: {  	[smem:$0x3FAA] =	sst s1  }
0xa: {  	[smem:$0x3FAB] =	sst s2  }
0xb: {  	[smem:$0x3FAC] =	sst s3  }
0xc: {  	[smem:$0x3FAD] =	sst s4  }
0xd: {  	[smem:$0x3FAE] =	sst s5  }
0xe: {  	[smem:$0x3FAF] =	sst s6  }
0xf: {  	[smem:$0x3FB0] =	sst s7  }
0x10: {  	[smem:$0x3FB1] =	sst s8  }
0x11: {  	[smem:$0x3FB2] =	sst s9;
	s0 =	simm.s32 @!p0 $0x0  }
0x12: {  	s1 =	sld [smem:$0x3F98];
	s0 =	simm.s32 @p0 $0x1  }
0x13: {  	[smem:$0x3FB3] =	sst s0;
	s0 =	simm.s32 @!p1 $0x0  }
0x14: {  	s2 =	sld [smem:$0x3F97];
	s0 =	simm.s32 @p1 $0x1  }
0x15: {  	[smem:$0x3FB4] =	sst s0;
	s0 =	simm.s32 @!p2 $0x0  }
0x16: {  	s3 =	sld [smem:$0x3FDB];
	s0 =	simm.s32 @p2 $0x1  }
0x17: {  	s4 =	simm.s32 $0x1BF5;
	[smem:$0x3FB6] =	sst s0  }
0x18: {  	s0 =	sld [smem:$0x3F99];
	_ =	swait.ge [sflag:s4], $0x0  }
0x19: {  	s7 =	sld [smem:$0x3F9A]  }
0x1a: {  	s8 =	sadd.s32 $0xFFFFE003, lr  }
0x1b: {  	s9 =	sadd.s32 $0xFFFFFEF7, lr;
	s5 =	simm.s32 $0xFFFFFFFF;
	p2 =	slt.u32 s8, $0xFFFFF086  }
0x1c: {  	p1 =	slt.u32 s9, $0xF7A;
	s5 =	simm.s32 @!p2 $0x0  }
0x1d: {  	s5 =	simm.s32 @p1 $0x1;
	p0 =	seq.s32 s7, s2  }
0x1e: {  	s7 =	smul.u32 @!p0 $0xF7A, s2;
	p2 =	seq.s32 @!p0 s5, $0x0  }
0x1f: {  	s9 =	smul.u32 $0xF7A, s1;
	s8 =	simm.s32 @!p0 $0x1BF5;
	p2 =	por !p2, p0  }
0x20: {  	[sflag:s8] =	ssyncset.s32 @!p0 $0xFFFFF086;
	s6 =	sadd.s32 @!p0 s3, s7;
	s7 =	simm.s32 @!p0 $0x108  }
0x21: {  	s3 =	sadd.s32 s3, s9;
	s6 =	sadd.s32 @!p0 $0x88, s6;
	s7 =	simm.s32 @p2 $0x1082  }
0x22: {  	[simem:s7], [sflag:s8] =	dma.local @!p0 [hbm:s6], $0xF7A  }
0x23: {  	s9 =	sor.u32 $0xD0000000, s2;
	s6 =	simm.s32 $0x108;
	_ =	swait.ge @!p0 [sflag:s8], $0x0  }
0x24: {  	s3 =	sadd.s32 $0x88, s3;
	s6 =	simm.s32 @!p1 $0x1082;
	[sflag:s4] =	ssyncset.s32 $0xFFFFF086  }
0x25: {  	[simem:s6], [sflag:s4] =	dma.local [hbm:s3], $0xF7A  }
0x26: {  	[smem:$0x3F9A] =	sst s1;
	(tag) =	ssettag s2;
	_ =	strace s9  }
0x27: {  	s1 =	sld [smem:$0x3FAA]  }
0x28: {  	s2 =	sld [smem:$0x3FAB]  }
0x29: {  	s4 =	sld [smem:$0x3FAD]  }
0x2a: {  	p0 =	seq.s32 s5, $0x0;
	s5 =	sld [smem:$0x3FAE]  }
0x2b: {  	s6 =	sld [smem:$0x3FAF]  }
0x2c: {  	s7 =	sld [smem:$0x3FB0]  }
0x2d: {  	s3 =	simm.s32 $0x108;
	s8 =	sld [smem:$0x3FB1]  }
0x2e: {  	s3 =	simm.s32 @!p0 $0x1082;
	s9 =	sld [smem:$0x3FB2]  }
0x2f: {  	lr =	sadd.s32 s0, s3;
	s0 =	sld [smem:$0x3FA9]  }
0x30: {  	s3 =	sld [smem:$0x3FAC]  }
0x31: {  	[smem:$0x3FB5] =	sst s10  }
0x32: {  	s10 =	sld [smem:$0x3FB3];
	_ =	sdelay $0x3  }
0x33: {  	p0 =	seq.s32 s10, $0x1;
	s10 =	sld [smem:$0x3FB5];
	_ =	sdelay $0x3  }
0x34: {  	[smem:$0x3FB5] =	sst s10  }
0x35: {  	s10 =	sld [smem:$0x3FB4];
	_ =	sdelay $0x3  }
0x36: {  	p1 =	seq.s32 s10, $0x1;
	s10 =	sld [smem:$0x3FB5];
	_ =	sdelay $0x3  }
0x37: {  	[smem:$0x3FB5] =	sst s10  }
0x38: {  	s10 =	sld [smem:$0x3FB6]  }
0x39: {  	_ = 	snop;
	(pc) =	sbr.ind lr, $3  }
0x3a: {  	_ = 	snop  }
0x3b: {  	_ = 	snop  }
0x3c: {  	p2 =	seq.s32 s10, $0x1;
	s10 =	sld [smem:$0x3FB5]  }
0x3d: {  	_ =	shalt  }
0x3e: {  	_ =	shalt  }
0x3f: {  	_ =	shalt  }
0x40: {  	_ =	shalt  }
0x41: {  	_ =	shalt  }
0x42: {  	_ =	shalt  }
0x43: {  	_ =	shalt  }
0x44: {  	_ =	shalt  }
0x45: {  	_ =	shalt  }
0x46: {  	_ =	shalt  }
0x47: {  	_ =	shalt  }
0x48: {  	_ =	shalt  }
0x49: {  	_ =	shalt  }
0x4a: {  	_ =	shalt  }
0x4b: {  	_ =	shalt  }
0x4c: {  	_ =	shalt  }
0x4d: {  	_ =	shalt  }
0x4e: {  	_ =	shalt  }
0x4f: {  	_ =	shalt  }
0x50: {  	_ =	shalt  }
0x51: {  	_ =	shalt  }
0x52: {  	_ =	shalt  }
0x53: {  	_ =	shalt  }
0x54: {  	_ =	shalt  }
0x55: {  	_ =	shalt  }
0x56: {  	_ =	shalt  }
0x57: {  	_ =	shalt  }
0x58: {  	_ =	shalt  }
0x59: {  	_ =	shalt  }
0x5a: {  	_ =	shalt  }
0x5b: {  	_ =	shalt  }
0x5c: {  	_ =	shalt  }
0x5d: {  	_ =	shalt  }
0x5e: {  	_ =	shalt  }
0x5f: {  	_ =	shalt  }
0x60: {  	_ =	shalt  }
0x61: {  	_ =	shalt  }
0x62: {  	_ =	shalt  }
0x63: {  	_ =	shalt  }
0x64: {  	_ =	shalt  }
0x65: {  	_ =	shalt  }
0x66: {  	_ =	shalt  }
0x67: {  	_ =	shalt  }
0x68: {  	_ =	shalt  }
0x69: {  	_ =	shalt  }
0x6a: {  	_ =	shalt  }
0x6b: {  	_ =	shalt  }
0x6c: {  	_ =	shalt  }
0x6d: {  	_ =	shalt  }
0x6e: {  	_ =	shalt  }
0x6f: {  	_ =	shalt  }
0x70: {  	_ =	shalt  }
0x71: {  	_ =	shalt  }
0x72: {  	_ =	shalt  }
0x73: {  	_ =	shalt  }
0x74: {  	_ =	shalt  }
0x75: {  	_ =	shalt  }
0x76: {  	_ =	shalt  }
0x77: {  	_ =	shalt  }
0x78: {  	_ =	shalt  }
0x79: {  	_ =	shalt  }
0x7a: {  	_ =	shalt  }
0x7b: {  	_ =	shalt  }
0x7c: {  	_ =	shalt  }
0x7d: {  	_ =	shalt  }
0x7e: {  	_ =	shalt  }
0x7f: {  	_ =	shalt  }
0x80: {  	_ =	shalt  }
0x81: {  	_ =	shalt  }
0x82: {  	_ =	shalt  }
0x83: {  	_ =	shalt  }
0x84: {  	_ =	shalt  }
0x85: {  	_ =	shalt  }
0x86: {  	_ =	shalt  }
0x87: {  	_ =	shalt  }
.Lfunc_end0:
.L_simem_size_0:
called_computation_lowered:
.L_overlay_start_0:
0x88: {  	s2 =	sld [smem:$0x3FD9]  }
0x89: {  	s3 =	sld [smem:$0x3FFE];
	_ =	sdelay $0x1  }
0x8a: {  	s1 =	srdreg.scid  }
0x8b: {  	s0 =	sand.u32 $0x1, s1  }
0x8c: {  	s16 =	sshll.u32 s0, $0xA;
	s2 =	sadd.s32 s3, s2  }
0x8d: {  	s2 =	sadd.s32 s2, s16  }
0x8e: {  	[smem:$0x3FC1] =	sst s2  }
0x8f: {  	_ = 	snop  }
0x90: {  	(tm) =	ssettm $0x1  }
0x91: {  	s17 =	sld [smem:$0x3FFB];
	_ =	sdelay $0x3  }
0x92: {  	_ =	strace s17  }
0x93: {  	s2 =	sld [smem:$0x3FFC];
	_ =	sdelay $0x3  }
0x94: {  	_ =	strace s2  }
0x95: {  	s2 =	sld [smem:$0x3FFD];
	_ =	sdelay $0x3  }
0x96: {  	_ =	strace s2  }
0x97: {  	_ =	strace $0x8FFFFFFF  }
0x98: {  	s18 =	sld [smem:$0x3FDB];
	_ =	sdelay $0x1  }
0x99: {  	s19 =	simm.s32 $_scs_section_size  }
0x9a: {  	s4 =	simm.s32 $_size__tile_overlayer_lowered;
	s5 =	simm.s32 $_tile_overlayer_lowered  }
0x9b: {  	s22 =	simm.s32 $0x1BFF;
	s21 =	sshll.u32 s5, $0x1;
	s2 =	sadd.s32 s19, s18  }
0x9c: {  	s6 =	simm.s32 $0x0;
	s20 =	sshll.u32 s4, $0x1;
	s4 =	sadd.s32 s21, s2  }
0x9d: {  	[timem:s6], [sflag:s22] =	dma.local [hbm:s4], s20  }
0x9e: {  	_ =	swait.ge [sflag:s22], s20  }
0x9f: {  	s3 =	ssub.s32 $0x0, s20;
	[sflag:s22] =	ssyncset.done $0x0  }
0xa0: {  	[sflag:s22] =	ssyncadd.s32 s3;
	_ =	sdelay $0x1  }
0xa1: {  	s23 =	simm.s32 $0x1B8B  }
0xa2: {  	_ =	swait.ge [sflag:s23], $0x1  }
0xa3: {  	[sflag:s23] =	ssyncset.done $0x0  }
0xa4: {  	s25 =	simm.s32 $0x1B8E;
	s24 =	sld [smem:$0x3FFE];
	[sflag:s23] =	ssyncadd.s32 $0xFFFFFFFF  }
0xa5: {  	s26 =	simm.s32 $execute0_lowered;
	[smem:$0x3FD2] =	sst s25  }
0xa6: {  	s4 =	sshll.u32 s26, $0x1;
	_ =	strace $0x80000046;
	[dreg:$0x1] =	wrdreg $0xFFFFFFFF  }
0xa7: {  	s28 =	simm.s32 $_size_execute0_lowered;
	s2 =	sadd.s32 s2, s4;
	[dreg:$0x0] =	wrdreg $0x0  }
0xa8: {  	s4 =	sshll.u32 s28, $0x1;
	[dreg:$0x2] =	wrdreg s2  }
0xa9: {  	[dreg:$0x3] =	wrdreg s4  }
0xaa: {  	[dreg:$0x4] =	wrdreg $0xC0  }
0xab: {  	_ =	task [dreg:s6], $0x5FFFF  }
0xac: {  	[dreg:$0x1] =	wrdreg $0xFFFFFFFF  }
0xad: {  	[dreg:$0x0] =	wrdreg $0x60  }
0xae: {  	[dreg:$0x2] =	wrdreg s24  }
0xaf: {  	[dreg:$0x3] =	wrdreg $0x9  }
0xb0: {  	_ =	task.clear_ibuf [dreg:s6], $0x4FFFF;
	_ =	strace $0x90000046  }
0xb1: {  	s29 =	simm.s32 $0x9;
	_ =	strace $0x80000048  }
0xb2: {  	_ =	swait.ge [sflag:s29], $0x1  }
0xb3: {  	[sflag:s29] =	ssyncadd.s32 $0xFFFFFFFF  }
0xb4: {  	_ =	strace $0x90000048  }
0xb5: {  	_ =	sfence  }
0xb6: {  	s30 =	sld [smem:$0x0];
	_ =	sdelay $0x2  }
0xb7: {  	s31 =	sshll.u32 s1, $0xD;
	s1 =	sshrl.u32 s1, $0x2  }
0xb8: {  	s3 =	sand.u32 $0x4000, s31;
	s1 =	sadd.s32 s1, s30  }
0xb9: {  	s0 =	sor.u32 s3, s0;
	s1 =	sshll.u32 s1, $0x11  }
0xba: {  	s0 =	sor.u32 s1, s0  }
0xbb: {  	s0 =	sadd.s32 $0x8F2B, s0  }
0xbc: {  	[sflag:s0] =	ssyncadd.remote.s32 $0x1  }
0xbd: {  	_ =	sfence.sel $0xFFFF  }
0xbe: {  	[dreg:$0x0] =	wrdreg $0xFFFFFFFF;
	(pc) =	sbr.abs _section_cstart, $3  }
0xbf: {  	[dreg:$0x1] =	wrdreg $0xFFFFFFFF  }
0xc0: {  	_ =	task.clear_ibuf [dreg:s6], $0x2FFFF;
	_ =	strace $0x9FFFFFFF  }
0xc1: {  	(tm) =	ssettm $0x7FFFFFFF  }
tec
execute0_lowered:
.L_overlay_start_1:
0x0: {  	(tag) =	ssettag $0x1  }
0x1: {  	s0 =	srdreg.scid;
	s1 =	stileid.u32  }
0x2: {  	s4 =	rddreg [dreg:$0x0];
	s2 =	simm.s32 $0x0;
	s8 =	simm.s32 $0x5  }
0x3: {  	s9 =	simm.s32 $0x68;
	s13 =	simm.s32 $0x11E00;
	s14 =	simm.s32 $0x138  }
0x4: {  	s15 =	simm.s32 $0x13800;
	s16 =	simm.s32 $0x1A0;
	s17 =	simm.s32 $0x15200  }
0x5: {  	s18 =	simm.s32 $0x208;
	s19 =	simm.s32 $0x16C00;
	s20 =	simm.s32 $0x270  }
0x6: {  	s21 =	simm.s32 $0x18600;
	s22 =	simm.s32 $0x2D8;
	s23 =	simm.s32 $0x1A000  }
0x7: {  	s24 =	simm.s32 $0x1;
	s25 =	simm.s32 $0x2;
	s26 =	simm.s32 $0x3  }
0x8: {  	s28 =	simm.s32 $0x4;
	s0 =	sand.u32 $0x1, s0;
	s1 =	sshll.u32 s1, $0x1  }
.Ltmp0:
0x9: {  	s1 =	sor.u32 s0, s1;
	s0 =	ssub.s32 $0x2, s0;
	(pc) =	sbr.rel .LBB2_1-.Ltmp0, $4  }
0xa: {  	[smem:$0x7FF] =	sst s2;
	s3 =	smul.u32 $0x1D40, s1;
	s5 =	sshrl.u32 s0, $0x1  }
0xb: {  	s29 =	simm.s32 $0x0;
	_ =	strace $0x80000047;
	s0 =	ssub.s32 s0, s5  }
0xc: {  	s5 =	smul.u32 $0x120, s1;
	s6 =	sadd.s32 s3, s4;
	s3 =	sadd.s32 $0x3AC00, s4  }
0xd: {  	s4 =	sadd.s32 $0xFE200, s4;
	s7 =	smax.u32 s0, $0x1;
	s6 =	sadd.s32 $0x400, s6  }
.LBB2_12:
0xe: {  	s29 =	sadd.s32 $0x1, s29  }
0xf: {  	p0 =	sne.s32 s29, s7  }
.Ltmp1:
0x10: {  	_ = 	snop;
	(pc) =	sbr.rel @!p0 .LBB2_13-.Ltmp1, $1  }
0x11: {  	_ =	sdelay $0x3  }
.LBB2_1:
0x12: {  	[tilespmem:s2], [sflag:$0x5] =	stream.linear.gather [hbm4b:s6+s2], $0xEA00, $0x38;
	[tilespmem:$0x1BE00] =	vst v63  }
0x13: {  	_ =	swait.ge [sflag:s8], $0xEA00  }
0x14: {  	[sflag:s8] =	ssyncset.done $0x0  }
0x15: {  	s0 =	simm.s32 $0xEA00;
	[sflag:s8] =	ssyncadd.s32 $0xFFFF1600  }
0x16: {  	[tilespmem:s0], [sflag:$0x1] =	stream.indirect.gather [hbm4b:s3+s9], $0x40, s2, s9, $0xb8;
	[tilespmem:$0x1BE00] =	vst v63  }
0x17: {  	s12 =	simm.s32 $0x10400  }
0x18: {  	[tilespmem:s12], [sflag:$0x1] =	stream.indirect.gather [hbm4b:s3+s9], $0x40, s9, s9, $0xb8;
	[tilespmem:$0x1BE00] =	vst v63  }
0x19: {  	s31 =	simm.s32 $0xD0  }
0x1a: {  	[tilespmem:s13], [sflag:$0x2] =	stream.indirect.gather [hbm4b:s3+s9], $0x40, s31, s9, $0xb8;
	[tilespmem:$0x1BE00] =	vst v63  }
0x1b: {  	_ = 	snop  }
0x1c: {  	[tilespmem:s15], [sflag:$0x2] =	stream.indirect.gather [hbm4b:s3+s9], $0x40, s14, s9, $0xb8;
	[tilespmem:$0x1BE00] =	vst v63  }
0x1d: {  	_ = 	snop  }
0x1e: {  	[tilespmem:s17], [sflag:$0x3] =	stream.indirect.gather [hbm4b:s3+s9], $0x40, s16, s9, $0xb8;
	[tilespmem:$0x1BE00] =	vst v63  }
0x1f: {  	_ = 	snop  }
0x20: {  	[tilespmem:s19], [sflag:$0x3] =	stream.indirect.gather [hbm4b:s3+s9], $0x40, s18, s9, $0xb8;
	[tilespmem:$0x1BE00] =	vst v63  }
0x21: {  	_ = 	snop  }
0x22: {  	[tilespmem:s21], [sflag:$0x4] =	stream.indirect.gather [hbm4b:s3+s9], $0x40, s20, s9, $0xb8;
	[tilespmem:$0x1BE00] =	vst v63  }
0x23: {  	s30 =	simm.s32 $0x0  }
0x24: {  	[tilespmem:s23], [sflag:$0x4] =	stream.indirect.gather [hbm4b:s3+s9], $0x40, s22, s9, $0xb8;
	[tilespmem:$0x1BE00] =	vst v63  }
.LBB2_2:
0x25: {  	_ =	swait.ge [sflag:s24], $0x3400  }
0x26: {  	[sflag:s24] =	ssyncset.done $0x0  }
0x27: {  	s0 =	simm.s32 $0x0;
	[sflag:s24] =	ssyncadd.s32 $0xFFFFCC00  }
0x28: {  	v0 =	vld [tilespmem:s0+$0xEDC0]  }
0x29: {  	v1 =	vld [tilespmem:s0+$0xEDD0]  }
0x2a: {  	v2 =	vld [tilespmem:s0+$0xED80]  }
0x2b: {  	v3 =	vld [tilespmem:s0+$0xED90]  }
0x2c: {  	v4 =	vld [tilespmem:s0+$0xED40]  }
0x2d: {  	v5 =	vld [tilespmem:s0+$0xED50]  }
0x2e: {  	v6 =	vld [tilespmem:s0+$0xED00]  }
0x2f: {  	v7 =	vld [tilespmem:s0+$0xED10]  }
0x30: {  	v9 =	vld [tilespmem:s0+$0xECC0]  }
0x31: {  	v8 =	vld [tilespmem:s0+$0xECD0]  }
0x32: {  	v11 =	vld [tilespmem:s0+$0xEC80]  }
0x33: {  	v10 =	vld [tilespmem:s0+$0xEC90]  }
0x34: {  	v13 =	vld [tilespmem:s0+$0xEC40]  }
0x35: {  	v12 =	vld [tilespmem:s0+$0xEC50]  }
0x36: {  	v15 =	vld [tilespmem:s0+$0xEC00]  }
0x37: {  	v14 =	vld [tilespmem:s0+$0xEC10]  }
0x38: {  	v17 =	vld [tilespmem:s0+$0xEBC0]  }
0x39: {  	v16 =	vld [tilespmem:s0+$0xEBD0]  }
0x3a: {  	v19 =	vld [tilespmem:s0+$0xEB80]  }
0x3b: {  	v18 =	vld [tilespmem:s0+$0xEB90]  }
0x3c: {  	v21 =	vld [tilespmem:s0+$0xEB40]  }
0x3d: {  	v20 =	vld [tilespmem:s0+$0xEB50]  }
0x3e: {  	v23 =	vld [tilespmem:s0+$0xEB00]  }
0x3f: {  	v22 =	vld [tilespmem:s0+$0xEB10]  }
0x40: {  	v25 =	vld [tilespmem:s0+$0xEAC0]  }
0x41: {  	v24 =	vld [tilespmem:s0+$0xEAD0]  }
0x42: {  	v31 =	vld [tilespmem:s0+$0xEA80]  }
0x43: {  	v30 =	vld [tilespmem:s0+$0xEA90]  }
0x44: {  	v33 =	vld [tilespmem:s0+$0xEA40]  }
0x45: {  	v32 =	vld [tilespmem:s0+$0xEA50]  }
0x46: {  	v35 =	vld [tilespmem:s0+$0xEA00]  }
0x47: {  	v26 =	vimm.f32 $0.0e+00;
	v36 =	vld [tilespmem:s0+$0xEA10]  }
0x48: {  	s1 =	simm.s32 $0x1000;
	v29 =	vimm.f32 $0.0e+00;
	v28 =	vimm.f32 $0.0e+00;
	v27 =	vimm.f32 $0.0e+00;
	v34 =	vld [tilespmem:s0+$0xEA20]  }
.LBB2_3:
0x49: {  	p0 =	sne.s32 s1, $0xC000;
	v37 =	vld [tilespmem:s0+$0xEA30]  }
0x4a: {  	v38 =	vld [tilespmem:s0+$0xEA60]  }
0x4b: {  	v39 =	vld [tilespmem:s0+$0xEA70]  }
0x4c: {  	v40 =	vld [tilespmem:s0+$0xEAA0]  }
0x4d: {  	v26 =	vadd.f32 v35, v26;
	v29 =	vadd.f32 v36, v29;
	v35 =	vld [tilespmem:s0+$0xEAB0]  }
0x4e: {  	v28 =	vadd.f32 v34, v28;
	v27 =	vadd.f32 v37, v27;
	v34 =	vld [tilespmem:s0+$0xEAE0]  }
0x4f: {  	v26 =	vadd.f32 v33, v26;
	v29 =	vadd.f32 v32, v29;
	v32 =	vld [tilespmem:s0+$0xEAF0]  }
0x50: {  	v28 =	vadd.f32 v38, v28;
	v27 =	vadd.f32 v39, v27;
	v33 =	vld [tilespmem:s0+$0xEB20]  }
0x51: {  	v26 =	vadd.f32 v31, v26;
	v29 =	vadd.f32 v30, v29;
	v30 =	vld [tilespmem:s0+$0xEB30]  }
0x52: {  	v28 =	vadd.f32 v40, v28;
	v27 =	vadd.f32 v35, v27;
	v31 =	vld [tilespmem:s0+$0xEB60]  }
0x53: {  	v25 =	vadd.f32 v25, v26;
	v24 =	vadd.f32 v24, v29;
	v26 =	vld [tilespmem:s0+$0xEB70]  }
0x54: {  	v28 =	vadd.f32 v34, v28;
	v27 =	vadd.f32 v32, v27;
	v29 =	vld [tilespmem:s0+$0xEBA0]  }
0x55: {  	v23 =	vadd.f32 v23, v25;
	v22 =	vadd.f32 v22, v24;
	v24 =	vld [tilespmem:s0+$0xEBB0]  }
0x56: {  	v25 =	vadd.f32 v33, v28;
	v27 =	vadd.f32 v30, v27;
	v28 =	vld [tilespmem:s0+$0xEBE0]  }
0x57: {  	v21 =	vadd.f32 v21, v23;
	v20 =	vadd.f32 v20, v22;
	v22 =	vld [tilespmem:s0+$0xEBF0]  }
0x58: {  	v23 =	vadd.f32 v31, v25;
	v25 =	vadd.f32 v26, v27;
	v26 =	vld [tilespmem:s0+$0xEC20]  }
0x59: {  	v19 =	vadd.f32 v19, v21;
	v18 =	vadd.f32 v18, v20;
	v20 =	vld [tilespmem:s0+$0xEC30]  }
0x5a: {  	v21 =	vadd.f32 v29, v23;
	v23 =	vadd.f32 v24, v25;
	v24 =	vld [tilespmem:s0+$0xEC60]  }
0x5b: {  	v17 =	vadd.f32 v17, v19;
	v16 =	vadd.f32 v16, v18;
	v18 =	vld [tilespmem:s0+$0xEC70]  }
0x5c: {  	v19 =	vadd.f32 v28, v21;
	v21 =	vadd.f32 v22, v23;
	v22 =	vld [tilespmem:s0+$0xECA0]  }
0x5d: {  	v15 =	vadd.f32 v15, v17;
	v14 =	vadd.f32 v14, v16;
	v16 =	vld [tilespmem:s0+$0xECB0]  }
0x5e: {  	v17 =	vadd.f32 v26, v19;
	v19 =	vadd.f32 v20, v21;
	v20 =	vld [tilespmem:s0+$0xECE0]  }
0x5f: {  	v13 =	vadd.f32 v13, v15;
	v12 =	vadd.f32 v12, v14;
	v14 =	vld [tilespmem:s0+$0xECF0]  }
0x60: {  	v15 =	vadd.f32 v24, v17;
	v17 =	vadd.f32 v18, v19;
	v18 =	vld [tilespmem:s0+$0xED20]  }
0x61: {  	v11 =	vadd.f32 v11, v13;
	v10 =	vadd.f32 v10, v12;
	v12 =	vld [tilespmem:s0+$0xED30]  }
0x62: {  	v13 =	vadd.f32 v22, v15;
	v15 =	vadd.f32 v16, v17;
	v16 =	vld [tilespmem:s0+$0xED60]  }
0x63: {  	v9 =	vadd.f32 v9, v11;
	v8 =	vadd.f32 v8, v10;
	v10 =	vld [tilespmem:s0+$0xED70]  }
0x64: {  	v11 =	vadd.f32 v20, v13;
	v13 =	vadd.f32 v14, v15;
	v14 =	vld [tilespmem:s0+$0xEDA0]  }
0x65: {  	v6 =	vadd.f32 v6, v9;
	v7 =	vadd.f32 v7, v8;
	v8 =	vld [tilespmem:s0+$0xEDB0]  }
0x66: {  	v9 =	vadd.f32 v18, v11;
	v11 =	vadd.f32 v12, v13;
	v12 =	vld [tilespmem:s0+$0xEDE0]  }
0x67: {  	v4 =	vadd.f32 v4, v6;
	v5 =	vadd.f32 v5, v7;
	v6 =	vld [tilespmem:s0+$0xEDF0];
	s0 =	sshra.s32 s1, $0x2  }
0x68: {  	v9 =	vadd.f32 v16, v9;
	v7 =	vld [tilespmem:s0+$0xEDC0];
	v10 =	vadd.f32 v10, v11  }
0x69: {  	v4 =	vadd.f32 v2, v4;
	v5 =	vadd.f32 v3, v5;
	v11 =	vld [tilespmem:s0+$0xEDD0]  }
0x6a: {  	v9 =	vadd.f32 v14, v9;
	v2 =	vld [tilespmem:s0+$0xED80];
	v8 =	vadd.f32 v8, v10  }
0x6b: {  	v26 =	vadd.f32 v0, v4;
	v29 =	vadd.f32 v1, v5;
	v3 =	vld [tilespmem:s0+$0xED90]  }
0x6c: {  	v28 =	vadd.f32 v12, v9;
	v4 =	vld [tilespmem:s0+$0xED40];
	v27 =	vadd.f32 v6, v8  }
0x6d: {  	v5 =	vld [tilespmem:s0+$0xED50];
	v0 =	vmov v7  }
0x6e: {  	v6 =	vld [tilespmem:s0+$0xED00];
	v1 =	vmov v11  }
0x6f: {  	v7 =	vld [tilespmem:s0+$0xED10]  }
0x70: {  	v9 =	vld [tilespmem:s0+$0xECC0]  }
0x71: {  	v8 =	vld [tilespmem:s0+$0xECD0]  }
0x72: {  	v11 =	vld [tilespmem:s0+$0xEC80]  }
0x73: {  	v10 =	vld [tilespmem:s0+$0xEC90]  }
0x74: {  	v13 =	vld [tilespmem:s0+$0xEC40]  }
0x75: {  	v12 =	vld [tilespmem:s0+$0xEC50]  }
0x76: {  	v15 =	vld [tilespmem:s0+$0xEC00]  }
0x77: {  	v14 =	vld [tilespmem:s0+$0xEC10]  }
0x78: {  	v17 =	vld [tilespmem:s0+$0xEBC0]  }
0x79: {  	v16 =	vld [tilespmem:s0+$0xEBD0]  }
0x7a: {  	v19 =	vld [tilespmem:s0+$0xEB80]  }
0x7b: {  	v18 =	vld [tilespmem:s0+$0xEB90]  }
0x7c: {  	v21 =	vld [tilespmem:s0+$0xEB40]  }
0x7d: {  	v20 =	vld [tilespmem:s0+$0xEB50]  }
0x7e: {  	v23 =	vld [tilespmem:s0+$0xEB00]  }
0x7f: {  	v22 =	vld [tilespmem:s0+$0xEB10]  }
0x80: {  	v25 =	vld [tilespmem:s0+$0xEAC0]  }
0x81: {  	v24 =	vld [tilespmem:s0+$0xEAD0]  }
0x82: {  	v31 =	vld [tilespmem:s0+$0xEA80]  }
0x83: {  	v30 =	vld [tilespmem:s0+$0xEA90]  }
.Ltmp2:
0x84: {  	v33 =	vld [tilespmem:s0+$0xEA40];
	(pc) =	sbr.rel @p0 .LBB2_3-.Ltmp2, $4  }
0x85: {  	v32 =	vld [tilespmem:s0+$0xEA50]  }
0x86: {  	v35 =	vld [tilespmem:s0+$0xEA00]  }
0x87: {  	v36 =	vld [tilespmem:s0+$0xEA10]  }
0x88: {  	s1 =	sadd.s32 $0x1000, s1;
	v34 =	vld [tilespmem:s0+$0xEA20]  }
0x89: {  	v37 =	vld [tilespmem:s0+$0xEA30]  }
0x8a: {  	v38 =	vld [tilespmem:s0+$0xEA60]  }
0x8b: {  	v39 =	vld [tilespmem:s0+$0xEA70];
	v26 =	vadd.f32 v35, v26  }
0x8c: {  	v60 =	vld [tilespmem:s0+$0xEAA0];
	v29 =	vadd.f32 v36, v29  }
0x8d: {  	v61 =	vld [tilespmem:s0+$0xEAB0];
	v28 =	vadd.f32 v34, v28;
	v26 =	vadd.f32 v33, v26  }
0x8e: {  	v62 =	vld [tilespmem:s0+$0xEAE0];
	v27 =	vadd.f32 v37, v27;
	v29 =	vadd.f32 v32, v29  }
0x8f: {  	v63 =	vld [tilespmem:s0+$0xEAF0];
	v28 =	vadd.f32 v38, v28;
	v26 =	vadd.f32 v31, v26  }
0x90: {  	v31 =	vld [tilespmem:s0+$0xEB20];
	v27 =	vadd.f32 v39, v27;
	v29 =	vadd.f32 v30, v29  }
0x91: {  	v30 =	vld [tilespmem:s0+$0xEB30];
	v28 =	vadd.f32 v60, v28;
	v25 =	vadd.f32 v25, v26  }
0x92: {  	v26 =	vadd.f32 v61, v27;
	v27 =	vld [tilespmem:s0+$0xEB60];
	v24 =	vadd.f32 v24, v29  }
0x93: {  	v29 =	vld [tilespmem:s0+$0xEB70];
	v28 =	vadd.f32 v62, v28;
	v23 =	vadd.f32 v23, v25  }
0x94: {  	v25 =	vadd.f32 v63, v26;
	v26 =	vld [tilespmem:s0+$0xEBA0];
	v22 =	vadd.f32 v22, v24  }
0x95: {  	v24 =	vld [tilespmem:s0+$0xEBB0];
	v28 =	vadd.f32 v31, v28;
	v21 =	vadd.f32 v21, v23  }
0x96: {  	v23 =	vadd.f32 v30, v25;
	v25 =	vld [tilespmem:s0+$0xEBE0];
	v20 =	vadd.f32 v20, v22  }
0x97: {  	v22 =	vld [tilespmem:s0+$0xEBF0];
	v27 =	vadd.f32 v27, v28;
	v19 =	vadd.f32 v19, v21  }
0x98: {  	v21 =	vadd.f32 v29, v23;
	v23 =	vld [tilespmem:s0+$0xEC20];
	v18 =	vadd.f32 v18, v20  }
0x99: {  	v20 =	vld [tilespmem:s0+$0xEC30];
	v26 =	vadd.f32 v26, v27;
	v17 =	vadd.f32 v17, v19  }
0x9a: {  	v19 =	vadd.f32 v24, v21;
	v21 =	vld [tilespmem:s0+$0xEC60];
	v16 =	vadd.f32 v16, v18  }
0x9b: {  	v18 =	vld [tilespmem:s0+$0xEC70];
	v24 =	vadd.f32 v25, v26;
	v15 =	vadd.f32 v15, v17  }
0x9c: {  	v17 =	vadd.f32 v22, v19;
	v19 =	vld [tilespmem:s0+$0xECA0];
	v14 =	vadd.f32 v14, v16  }
0x9d: {  	v16 =	vld [tilespmem:s0+$0xECB0];
	v22 =	vadd.f32 v23, v24;
	v13 =	vadd.f32 v13, v15  }
0x9e: {  	v15 =	vadd.f32 v20, v17;
	v17 =	vld [tilespmem:s0+$0xECE0];
	v12 =	vadd.f32 v12, v14  }
0x9f: {  	v14 =	vld [tilespmem:s0+$0xECF0];
	v20 =	vadd.f32 v21, v22;
	v11 =	vadd.f32 v11, v13  }
0xa0: {  	v13 =	vadd.f32 v18, v15;
	v15 =	vld [tilespmem:s0+$0xED20];
	v10 =	vadd.f32 v10, v12  }
0xa1: {  	v12 =	vld [tilespmem:s0+$0xED30];
	v18 =	vadd.f32 v19, v20;
	v9 =	vadd.f32 v9, v11  }
0xa2: {  	v11 =	vadd.f32 v16, v13;
	v13 =	vld [tilespmem:s0+$0xED60];
	v8 =	vadd.f32 v8, v10  }
0xa3: {  	v10 =	vld [tilespmem:s0+$0xED70];
	v16 =	vadd.f32 v17, v18;
	v6 =	vadd.f32 v6, v9  }
0xa4: {  	v9 =	vadd.f32 v14, v11;
	v11 =	vld [tilespmem:s0+$0xEDA0];
	v7 =	vadd.f32 v7, v8  }
0xa5: {  	v8 =	vld [tilespmem:s0+$0xEDB0];
	v14 =	vadd.f32 v15, v16;
	v4 =	vadd.f32 v4, v6  }
0xa6: {  	v6 =	vadd.f32 v12, v9;
	v9 =	vld [tilespmem:s0+$0xEDE0];
	v5 =	vadd.f32 v5, v7  }
0xa7: {  	v7 =	vld [tilespmem:s0+$0xEDF0];
	v12 =	vadd.f32 v13, v14;
	v2 =	vadd.f32 v2, v4  }
0xa8: {  	v4 =	vadd.f32 v10, v6;
	v3 =	vadd.f32 v3, v5  }
0xa9: {  	s12 =	sshll.u32 s30, $0x8;
	v5 =	vadd.f32 v11, v12;
	v0 =	vadd.f32 v0, v2  }
0xaa: {  	p0 =	seq.s32 s30, $0x47;
	s1 =	sand.u32 $0x300, s12;
	v2 =	vadd.f32 v8, v4;
	v1 =	vadd.f32 v1, v3  }
0xab: {  	s0 =	smul.u32 @!p0 $0xD00, s30;
	v3 =	vadd.f32 v9, v5;
	[tilespmem:s1+$0x1BA00] =	vst v0  }
0xac: {  	v0 =	vadd.f32 v7, v2;
	[tilespmem:s1+$0x1BA10] =	vst v1  }
0xad: {  	s0 =	sshra.s32 @!p0 s0, $0x2;
	[tilespmem:s1+$0x1BA20] =	vst v3  }
0xae: {  	s11 =	simm.s32 @!p0 $0x68;
	s31 =	simm.s32 @!p0 $0xEA00;
	s10 =	sadd.s32 @!p0 $0x340, s0;
	[tilespmem:s1+$0x1BA30] =	vst v0  }
0xaf: {  	[tilespmem:s31], [sflag:$0x1] =	stream.indirect.gather @!p0 [hbm4b:s3+s11], $0x40, s10, s11, $0xb8;
	[tilespmem:$0x1BE00] =	vst v63  }
0xb0: {  	s10 =	sadd.s32 @!p0 $0x3A8, s0;
	s31 =	simm.s32 @!p0 $0x10400  }
0xb1: {  	[tilespmem:s31], [sflag:$0x1] =	stream.indirect.gather @!p0 [hbm4b:s3+s11], $0x40, s10, s11, $0xb8;
	[tilespmem:$0x1BE00] =	vst v63  }
0xb2: {  	_ =	swait.ge [sflag:s25], $0x3400  }
0xb3: {  	[sflag:s25] =	ssyncset.done $0x0  }
0xb4: {  	s10 =	simm.s32 $0x0;
	[sflag:s25] =	ssyncadd.s32 $0xFFFFCC00  }
0xb5: {  	v0 =	vld [tilespmem:s10+$0x121C0]  }
0xb6: {  	v1 =	vld [tilespmem:s10+$0x121D0]  }
0xb7: {  	v2 =	vld [tilespmem:s10+$0x12180]  }
0xb8: {  	v3 =	vld [tilespmem:s10+$0x12190]  }
0xb9: {  	v4 =	vld [tilespmem:s10+$0x12140]  }
0xba: {  	v5 =	vld [tilespmem:s10+$0x12150]  }
0xbb: {  	v6 =	vld [tilespmem:s10+$0x12100]  }
0xbc: {  	v7 =	vld [tilespmem:s10+$0x12110]  }
0xbd: {  	v9 =	vld [tilespmem:s10+$0x120C0]  }
0xbe: {  	v8 =	vld [tilespmem:s10+$0x120D0]  }
0xbf: {  	v11 =	vld [tilespmem:s10+$0x12080]  }
0xc0: {  	v10 =	vld [tilespmem:s10+$0x12090]  }
0xc1: {  	v13 =	vld [tilespmem:s10+$0x12040]  }
0xc2: {  	v12 =	vld [tilespmem:s10+$0x12050]  }
0xc3: {  	v15 =	vld [tilespmem:s10+$0x12000]  }
0xc4: {  	v14 =	vld [tilespmem:s10+$0x12010]  }
0xc5: {  	v17 =	vld [tilespmem:s10+$0x11FC0]  }
0xc6: {  	v16 =	vld [tilespmem:s10+$0x11FD0]  }
0xc7: {  	v19 =	vld [tilespmem:s10+$0x11F80]  }
0xc8: {  	v18 =	vld [tilespmem:s10+$0x11F90]  }
0xc9: {  	v21 =	vld [tilespmem:s10+$0x11F40]  }
0xca: {  	v20 =	vld [tilespmem:s10+$0x11F50]  }
0xcb: {  	v23 =	vld [tilespmem:s10+$0x11F00]  }
0xcc: {  	v22 =	vld [tilespmem:s10+$0x11F10]  }
0xcd: {  	v25 =	vld [tilespmem:s10+$0x11EC0]  }
0xce: {  	v24 =	vld [tilespmem:s10+$0x11ED0]  }
0xcf: {  	v31 =	vld [tilespmem:s10+$0x11E80]  }
0xd0: {  	v30 =	vld [tilespmem:s10+$0x11E90]  }
0xd1: {  	v33 =	vld [tilespmem:s10+$0x11E40]  }
0xd2: {  	v32 =	vld [tilespmem:s10+$0x11E50]  }
0xd3: {  	v34 =	vld [tilespmem:s10+$0x11E00]  }
0xd4: {  	v28 =	vimm.f32 $0.0e+00;
	v36 =	vld [tilespmem:s10+$0x11E10]  }
0xd5: {  	v29 =	vimm.f32 $0.0e+00;
	v27 =	vimm.f32 $0.0e+00;
	v26 =	vimm.f32 $0.0e+00;
	s31 =	sshll.u32 s30, $0x2;
	s11 =	simm.s32 $0x1000;
	v35 =	vld [tilespmem:s10+$0x11E20]  }
.LBB2_5:
0xd6: {  	p1 =	sne.s32 s11, $0xC000;
	v37 =	vld [tilespmem:s10+$0x11E30]  }
0xd7: {  	v38 =	vld [tilespmem:s10+$0x11E60]  }
0xd8: {  	v39 =	vld [tilespmem:s10+$0x11E70]  }
0xd9: {  	v40 =	vld [tilespmem:s10+$0x11EA0]  }
0xda: {  	v26 =	vadd.f32 v34, v26;
	v29 =	vadd.f32 v36, v29;
	v34 =	vld [tilespmem:s10+$0x11EB0]  }
0xdb: {  	v28 =	vadd.f32 v35, v28;
	v27 =	vadd.f32 v37, v27;
	v35 =	vld [tilespmem:s10+$0x11EE0]  }
0xdc: {  	v26 =	vadd.f32 v33, v26;
	v29 =	vadd.f32 v32, v29;
	v32 =	vld [tilespmem:s10+$0x11EF0]  }
0xdd: {  	v28 =	vadd.f32 v38, v28;
	v27 =	vadd.f32 v39, v27;
	v33 =	vld [tilespmem:s10+$0x11F20]  }
0xde: {  	v26 =	vadd.f32 v31, v26;
	v29 =	vadd.f32 v30, v29;
	v30 =	vld [tilespmem:s10+$0x11F30]  }
0xdf: {  	v28 =	vadd.f32 v40, v28;
	v27 =	vadd.f32 v34, v27;
	v31 =	vld [tilespmem:s10+$0x11F60]  }
0xe0: {  	v25 =	vadd.f32 v25, v26;
	v24 =	vadd.f32 v24, v29;
	v26 =	vld [tilespmem:s10+$0x11F70]  }
0xe1: {  	v28 =	vadd.f32 v35, v28;
	v27 =	vadd.f32 v32, v27;
	v29 =	vld [tilespmem:s10+$0x11FA0]  }
0xe2: {  	v23 =	vadd.f32 v23, v25;
	v22 =	vadd.f32 v22, v24;
	v24 =	vld [tilespmem:s10+$0x11FB0]  }
0xe3: {  	v25 =	vadd.f32 v33, v28;
	v27 =	vadd.f32 v30, v27;
	v28 =	vld [tilespmem:s10+$0x11FE0]  }
0xe4: {  	v21 =	vadd.f32 v21, v23;
	v20 =	vadd.f32 v20, v22;
	v22 =	vld [tilespmem:s10+$0x11FF0]  }
0xe5: {  	v23 =	vadd.f32 v31, v25;
	v25 =	vadd.f32 v26, v27;
	v26 =	vld [tilespmem:s10+$0x12020]  }
0xe6: {  	v19 =	vadd.f32 v19, v21;
	v18 =	vadd.f32 v18, v20;
	v20 =	vld [tilespmem:s10+$0x12030]  }
0xe7: {  	v21 =	vadd.f32 v29, v23;
	v23 =	vadd.f32 v24, v25;
	v24 =	vld [tilespmem:s10+$0x12060]  }
0xe8: {  	v17 =	vadd.f32 v17, v19;
	v16 =	vadd.f32 v16, v18;
	v18 =	vld [tilespmem:s10+$0x12070]  }
0xe9: {  	v19 =	vadd.f32 v28, v21;
	v21 =	vadd.f32 v22, v23;
	v22 =	vld [tilespmem:s10+$0x120A0]  }
0xea: {  	v15 =	vadd.f32 v15, v17;
	v14 =	vadd.f32 v14, v16;
	v16 =	vld [tilespmem:s10+$0x120B0]  }
0xeb: {  	v17 =	vadd.f32 v26, v19;
	v19 =	vadd.f32 v20, v21;
	v20 =	vld [tilespmem:s10+$0x120E0]  }
0xec: {  	v13 =	vadd.f32 v13, v15;
	v12 =	vadd.f32 v12, v14;
	v14 =	vld [tilespmem:s10+$0x120F0]  }
0xed: {  	v15 =	vadd.f32 v24, v17;
	v17 =	vadd.f32 v18, v19;
	v18 =	vld [tilespmem:s10+$0x12120]  }
0xee: {  	v11 =	vadd.f32 v11, v13;
	v10 =	vadd.f32 v10, v12;
	v12 =	vld [tilespmem:s10+$0x12130]  }
0xef: {  	v13 =	vadd.f32 v22, v15;
	v15 =	vadd.f32 v16, v17;
	v16 =	vld [tilespmem:s10+$0x12160]  }
0xf0: {  	v9 =	vadd.f32 v9, v11;
	v8 =	vadd.f32 v8, v10;
	v10 =	vld [tilespmem:s10+$0x12170]  }
0xf1: {  	v11 =	vadd.f32 v20, v13;
	v13 =	vadd.f32 v14, v15;
	v14 =	vld [tilespmem:s10+$0x121A0]  }
0xf2: {  	v6 =	vadd.f32 v6, v9;
	v7 =	vadd.f32 v7, v8;
	v8 =	vld [tilespmem:s10+$0x121B0]  }
0xf3: {  	v9 =	vadd.f32 v18, v11;
	v11 =	vadd.f32 v12, v13;
	v12 =	vld [tilespmem:s10+$0x121E0]  }
0xf4: {  	v4 =	vadd.f32 v4, v6;
	v5 =	vadd.f32 v5, v7;
	v6 =	vld [tilespmem:s10+$0x121F0];
	s10 =	sshra.s32 s11, $0x2  }
0xf5: {  	v9 =	vadd.f32 v16, v9;
	v7 =	vld [tilespmem:s10+$0x121C0];
	v10 =	vadd.f32 v10, v11  }
0xf6: {  	v4 =	vadd.f32 v2, v4;
	v5 =	vadd.f32 v3, v5;
	v11 =	vld [tilespmem:s10+$0x121D0]  }
0xf7: {  	v9 =	vadd.f32 v14, v9;
	v2 =	vld [tilespmem:s10+$0x12180];
	v8 =	vadd.f32 v8, v10  }
0xf8: {  	v26 =	vadd.f32 v0, v4;
	v29 =	vadd.f32 v1, v5;
	v3 =	vld [tilespmem:s10+$0x12190]  }
0xf9: {  	v28 =	vadd.f32 v12, v9;
	v4 =	vld [tilespmem:s10+$0x12140];
	v27 =	vadd.f32 v6, v8  }
0xfa: {  	v5 =	vld [tilespmem:s10+$0x12150];
	v0 =	vmov v7  }
0xfb: {  	v6 =	vld [tilespmem:s10+$0x12100];
	v1 =	vmov v11  }
0xfc: {  	v7 =	vld [tilespmem:s10+$0x12110]  }
0xfd: {  	v9 =	vld [tilespmem:s10+$0x120C0]  }
0xfe: {  	v8 =	vld [tilespmem:s10+$0x120D0]  }
0xff: {  	v11 =	vld [tilespmem:s10+$0x12080]  }
0x100: {  	v10 =	vld [tilespmem:s10+$0x12090]  }
0x101: {  	v13 =	vld [tilespmem:s10+$0x12040]  }
0x102: {  	v12 =	vld [tilespmem:s10+$0x12050]  }
0x103: {  	v15 =	vld [tilespmem:s10+$0x12000]  }
0x104: {  	v14 =	vld [tilespmem:s10+$0x12010]  }
0x105: {  	v17 =	vld [tilespmem:s10+$0x11FC0]  }
0x106: {  	v16 =	vld [tilespmem:s10+$0x11FD0]  }
0x107: {  	v19 =	vld [tilespmem:s10+$0x11F80]  }
0x108: {  	v18 =	vld [tilespmem:s10+$0x11F90]  }
0x109: {  	v21 =	vld [tilespmem:s10+$0x11F40]  }
0x10a: {  	v20 =	vld [tilespmem:s10+$0x11F50]  }
0x10b: {  	v23 =	vld [tilespmem:s10+$0x11F00]  }
0x10c: {  	v22 =	vld [tilespmem:s10+$0x11F10]  }
0x10d: {  	v25 =	vld [tilespmem:s10+$0x11EC0]  }
0x10e: {  	v24 =	vld [tilespmem:s10+$0x11ED0]  }
0x10f: {  	v31 =	vld [tilespmem:s10+$0x11E80]  }
0x110: {  	v30 =	vld [tilespmem:s10+$0x11E90]  }
.Ltmp3:
0x111: {  	v33 =	vld [tilespmem:s10+$0x11E40];
	(pc) =	sbr.rel @p1 .LBB2_5-.Ltmp3, $4  }
0x112: {  	v32 =	vld [tilespmem:s10+$0x11E50]  }
0x113: {  	v34 =	vld [tilespmem:s10+$0x11E00]  }
0x114: {  	v36 =	vld [tilespmem:s10+$0x11E10]  }
0x115: {  	s11 =	sadd.s32 $0x1000, s11;
	v35 =	vld [tilespmem:s10+$0x11E20]  }
0x116: {  	v37 =	vld [tilespmem:s10+$0x11E30]  }
0x117: {  	v38 =	vld [tilespmem:s10+$0x11E60]  }
0x118: {  	v39 =	vld [tilespmem:s10+$0x11E70];
	v26 =	vadd.f32 v34, v26  }
0x119: {  	v60 =	vld [tilespmem:s10+$0x11EA0];
	v29 =	vadd.f32 v36, v29  }
0x11a: {  	v61 =	vld [tilespmem:s10+$0x11EB0];
	v28 =	vadd.f32 v35, v28;
	v26 =	vadd.f32 v33, v26  }
0x11b: {  	v62 =	vld [tilespmem:s10+$0x11EE0];
	v27 =	vadd.f32 v37, v27;
	v29 =	vadd.f32 v32, v29  }
0x11c: {  	v63 =	vld [tilespmem:s10+$0x11EF0];
	v28 =	vadd.f32 v38, v28;
	v26 =	vadd.f32 v31, v26  }
0x11d: {  	v31 =	vld [tilespmem:s10+$0x11F20];
	v27 =	vadd.f32 v39, v27;
	v29 =	vadd.f32 v30, v29  }
0x11e: {  	v30 =	vld [tilespmem:s10+$0x11F30];
	v28 =	vadd.f32 v60, v28;
	v25 =	vadd.f32 v25, v26  }
0x11f: {  	v26 =	vadd.f32 v61, v27;
	v27 =	vld [tilespmem:s10+$0x11F60];
	v24 =	vadd.f32 v24, v29  }
0x120: {  	v29 =	vld [tilespmem:s10+$0x11F70];
	v28 =	vadd.f32 v62, v28;
	v23 =	vadd.f32 v23, v25  }
0x121: {  	v25 =	vadd.f32 v63, v26;
	v26 =	vld [tilespmem:s10+$0x11FA0];
	v22 =	vadd.f32 v22, v24  }
0x122: {  	v24 =	vld [tilespmem:s10+$0x11FB0];
	v28 =	vadd.f32 v31, v28;
	v21 =	vadd.f32 v21, v23  }
0x123: {  	v23 =	vadd.f32 v30, v25;
	v25 =	vld [tilespmem:s10+$0x11FE0];
	v20 =	vadd.f32 v20, v22  }
0x124: {  	v22 =	vld [tilespmem:s10+$0x11FF0];
	v27 =	vadd.f32 v27, v28;
	v19 =	vadd.f32 v19, v21  }
0x125: {  	v21 =	vadd.f32 v29, v23;
	v23 =	vld [tilespmem:s10+$0x12020];
	v18 =	vadd.f32 v18, v20  }
0x126: {  	v20 =	vld [tilespmem:s10+$0x12030];
	v26 =	vadd.f32 v26, v27;
	v17 =	vadd.f32 v17, v19  }
0x127: {  	v19 =	vadd.f32 v24, v21;
	v21 =	vld [tilespmem:s10+$0x12060];
	v16 =	vadd.f32 v16, v18  }
0x128: {  	v18 =	vld [tilespmem:s10+$0x12070];
	v24 =	vadd.f32 v25, v26;
	v15 =	vadd.f32 v15, v17  }
0x129: {  	v17 =	vadd.f32 v22, v19;
	v19 =	vld [tilespmem:s10+$0x120A0];
	v14 =	vadd.f32 v14, v16  }
0x12a: {  	v16 =	vld [tilespmem:s10+$0x120B0];
	v22 =	vadd.f32 v23, v24;
	v13 =	vadd.f32 v13, v15  }
0x12b: {  	v15 =	vadd.f32 v20, v17;
	v17 =	vld [tilespmem:s10+$0x120E0];
	v12 =	vadd.f32 v12, v14  }
0x12c: {  	v14 =	vld [tilespmem:s10+$0x120F0];
	v20 =	vadd.f32 v21, v22;
	v11 =	vadd.f32 v11, v13  }
0x12d: {  	v13 =	vadd.f32 v18, v15;
	v15 =	vld [tilespmem:s10+$0x12120];
	v10 =	vadd.f32 v10, v12  }
0x12e: {  	v12 =	vld [tilespmem:s10+$0x12130];
	v18 =	vadd.f32 v19, v20;
	v9 =	vadd.f32 v9, v11  }
0x12f: {  	v11 =	vadd.f32 v16, v13;
	v13 =	vld [tilespmem:s10+$0x12160];
	v8 =	vadd.f32 v8, v10  }
0x130: {  	v10 =	vld [tilespmem:s10+$0x12170];
	v16 =	vadd.f32 v17, v18;
	v6 =	vadd.f32 v6, v9  }
0x131: {  	v9 =	vadd.f32 v14, v11;
	v11 =	vld [tilespmem:s10+$0x121A0];
	v7 =	vadd.f32 v7, v8  }
0x132: {  	v8 =	vld [tilespmem:s10+$0x121B0];
	v14 =	vadd.f32 v15, v16;
	v4 =	vadd.f32 v4, v6  }
0x133: {  	v6 =	vadd.f32 v12, v9;
	v9 =	vld [tilespmem:s10+$0x121E0];
	v5 =	vadd.f32 v5, v7  }
0x134: {  	v7 =	vld [tilespmem:s10+$0x121F0];
	v12 =	vadd.f32 v13, v14;
	v2 =	vadd.f32 v2, v4  }
0x135: {  	v4 =	vadd.f32 v10, v6;
	v3 =	vadd.f32 v3, v5  }
0x136: {  	v5 =	vadd.f32 v11, v12;
	v0 =	vadd.f32 v0, v2  }
0x137: {  	v2 =	vadd.f32 v8, v4;
	v1 =	vadd.f32 v1, v3  }
0x138: {  	v3 =	vadd.f32 v9, v5;
	[tilespmem:s1+$0x1BA40] =	vst v0  }
0x139: {  	v0 =	vadd.f32 v7, v2;
	[tilespmem:s1+$0x1BA50] =	vst v1  }
0x13a: {  	[tilespmem:s1+$0x1BA60] =	vst v3  }
0x13b: {  	s11 =	simm.s32 @!p0 $0x68;
	s12 =	simm.s32 @!p0 $0x11E00;
	s10 =	sadd.s32 @!p0 $0x410, s0;
	[tilespmem:s1+$0x1BA70] =	vst v0  }
0x13c: {  	[tilespmem:s12], [sflag:$0x2] =	stream.indirect.gather @!p0 [hbm4b:s3+s11], $0x40, s10, s11, $0xb8;
	[tilespmem:$0x1BE00] =	vst v63  }
0x13d: {  	s10 =	sadd.s32 @!p0 $0x478, s0;
	s12 =	simm.s32 @!p0 $0x13800  }
0x13e: {  	[tilespmem:s12], [sflag:$0x2] =	stream.indirect.gather @!p0 [hbm4b:s3+s11], $0x40, s10, s11, $0xb8;
	[tilespmem:$0x1BE00] =	vst v63  }
0x13f: {  	_ =	swait.ge [sflag:s26], $0x3400  }
0x140: {  	[sflag:s26] =	ssyncset.done $0x0  }
0x141: {  	s10 =	simm.s32 $0x0;
	[sflag:s26] =	ssyncadd.s32 $0xFFFFCC00  }
0x142: {  	v0 =	vld [tilespmem:s10+$0x155C0]  }
0x143: {  	v1 =	vld [tilespmem:s10+$0x155D0]  }
0x144: {  	v2 =	vld [tilespmem:s10+$0x15580]  }
0x145: {  	v3 =	vld [tilespmem:s10+$0x15590]  }
0x146: {  	v4 =	vld [tilespmem:s10+$0x15540]  }
0x147: {  	v5 =	vld [tilespmem:s10+$0x15550]  }
0x148: {  	v6 =	vld [tilespmem:s10+$0x15500]  }
0x149: {  	v7 =	vld [tilespmem:s10+$0x15510]  }
0x14a: {  	v9 =	vld [tilespmem:s10+$0x154C0]  }
0x14b: {  	v8 =	vld [tilespmem:s10+$0x154D0]  }
0x14c: {  	v11 =	vld [tilespmem:s10+$0x15480]  }
0x14d: {  	v10 =	vld [tilespmem:s10+$0x15490]  }
0x14e: {  	v13 =	vld [tilespmem:s10+$0x15440]  }
0x14f: {  	v12 =	vld [tilespmem:s10+$0x15450]  }
0x150: {  	v15 =	vld [tilespmem:s10+$0x15400]  }
0x151: {  	v14 =	vld [tilespmem:s10+$0x15410]  }
0x152: {  	v17 =	vld [tilespmem:s10+$0x153C0]  }
0x153: {  	v16 =	vld [tilespmem:s10+$0x153D0]  }
0x154: {  	v19 =	vld [tilespmem:s10+$0x15380]  }
0x155: {  	v18 =	vld [tilespmem:s10+$0x15390]  }
0x156: {  	v21 =	vld [tilespmem:s10+$0x15340]  }
0x157: {  	v20 =	vld [tilespmem:s10+$0x15350]  }
0x158: {  	v23 =	vld [tilespmem:s10+$0x15300]  }
0x159: {  	v22 =	vld [tilespmem:s10+$0x15310]  }
0x15a: {  	v25 =	vld [tilespmem:s10+$0x152C0]  }
0x15b: {  	v24 =	vld [tilespmem:s10+$0x152D0]  }
0x15c: {  	v31 =	vld [tilespmem:s10+$0x15280]  }
0x15d: {  	v30 =	vld [tilespmem:s10+$0x15290]  }
0x15e: {  	v33 =	vld [tilespmem:s10+$0x15240]  }
0x15f: {  	v32 =	vld [tilespmem:s10+$0x15250]  }
0x160: {  	v35 =	vld [tilespmem:s10+$0x15200]  }
0x161: {  	v28 =	vimm.f32 $0.0e+00;
	v36 =	vld [tilespmem:s10+$0x15210]  }
0x162: {  	v29 =	vimm.f32 $0.0e+00;
	v27 =	vimm.f32 $0.0e+00;
	v26 =	vimm.f32 $0.0e+00;
	s11 =	simm.s32 $0x1000;
	v34 =	vld [tilespmem:s10+$0x15220]  }
.LBB2_7:
0x163: {  	p1 =	sne.s32 s11, $0xC000;
	v37 =	vld [tilespmem:s10+$0x15230]  }
0x164: {  	v38 =	vld [tilespmem:s10+$0x15260]  }
0x165: {  	v39 =	vld [tilespmem:s10+$0x15270]  }
0x166: {  	v40 =	vld [tilespmem:s10+$0x152A0]  }
0x167: {  	v26 =	vadd.f32 v35, v26;
	v29 =	vadd.f32 v36, v29;
	v35 =	vld [tilespmem:s10+$0x152B0]  }
0x168: {  	v28 =	vadd.f32 v34, v28;
	v27 =	vadd.f32 v37, v27;
	v34 =	vld [tilespmem:s10+$0x152E0]  }
0x169: {  	v26 =	vadd.f32 v33, v26;
	v29 =	vadd.f32 v32, v29;
	v32 =	vld [tilespmem:s10+$0x152F0]  }
0x16a: {  	v28 =	vadd.f32 v38, v28;
	v27 =	vadd.f32 v39, v27;
	v33 =	vld [tilespmem:s10+$0x15320]  }
0x16b: {  	v26 =	vadd.f32 v31, v26;
	v29 =	vadd.f32 v30, v29;
	v30 =	vld [tilespmem:s10+$0x15330]  }
0x16c: {  	v28 =	vadd.f32 v40, v28;
	v27 =	vadd.f32 v35, v27;
	v31 =	vld [tilespmem:s10+$0x15360]  }
0x16d: {  	v25 =	vadd.f32 v25, v26;
	v24 =	vadd.f32 v24, v29;
	v26 =	vld [tilespmem:s10+$0x15370]  }
0x16e: {  	v28 =	vadd.f32 v34, v28;
	v27 =	vadd.f32 v32, v27;
	v29 =	vld [tilespmem:s10+$0x153A0]  }
0x16f: {  	v23 =	vadd.f32 v23, v25;
	v22 =	vadd.f32 v22, v24;
	v24 =	vld [tilespmem:s10+$0x153B0]  }
0x170: {  	v25 =	vadd.f32 v33, v28;
	v27 =	vadd.f32 v30, v27;
	v28 =	vld [tilespmem:s10+$0x153E0]  }
0x171: {  	v21 =	vadd.f32 v21, v23;
	v20 =	vadd.f32 v20, v22;
	v22 =	vld [tilespmem:s10+$0x153F0]  }
0x172: {  	v23 =	vadd.f32 v31, v25;
	v25 =	vadd.f32 v26, v27;
	v26 =	vld [tilespmem:s10+$0x15420]  }
0x173: {  	v19 =	vadd.f32 v19, v21;
	v18 =	vadd.f32 v18, v20;
	v20 =	vld [tilespmem:s10+$0x15430]  }
0x174: {  	v21 =	vadd.f32 v29, v23;
	v23 =	vadd.f32 v24, v25;
	v24 =	vld [tilespmem:s10+$0x15460]  }
0x175: {  	v17 =	vadd.f32 v17, v19;
	v16 =	vadd.f32 v16, v18;
	v18 =	vld [tilespmem:s10+$0x15470]  }
0x176: {  	v19 =	vadd.f32 v28, v21;
	v21 =	vadd.f32 v22, v23;
	v22 =	vld [tilespmem:s10+$0x154A0]  }
0x177: {  	v15 =	vadd.f32 v15, v17;
	v14 =	vadd.f32 v14, v16;
	v16 =	vld [tilespmem:s10+$0x154B0]  }
0x178: {  	v17 =	vadd.f32 v26, v19;
	v19 =	vadd.f32 v20, v21;
	v20 =	vld [tilespmem:s10+$0x154E0]  }
0x179: {  	v13 =	vadd.f32 v13, v15;
	v12 =	vadd.f32 v12, v14;
	v14 =	vld [tilespmem:s10+$0x154F0]  }
0x17a: {  	v15 =	vadd.f32 v24, v17;
	v17 =	vadd.f32 v18, v19;
	v18 =	vld [tilespmem:s10+$0x15520]  }
0x17b: {  	v11 =	vadd.f32 v11, v13;
	v10 =	vadd.f32 v10, v12;
	v12 =	vld [tilespmem:s10+$0x15530]  }
0x17c: {  	v13 =	vadd.f32 v22, v15;
	v15 =	vadd.f32 v16, v17;
	v16 =	vld [tilespmem:s10+$0x15560]  }
0x17d: {  	v9 =	vadd.f32 v9, v11;
	v8 =	vadd.f32 v8, v10;
	v10 =	vld [tilespmem:s10+$0x15570]  }
0x17e: {  	v11 =	vadd.f32 v20, v13;
	v13 =	vadd.f32 v14, v15;
	v14 =	vld [tilespmem:s10+$0x155A0]  }
0x17f: {  	v6 =	vadd.f32 v6, v9;
	v7 =	vadd.f32 v7, v8;
	v8 =	vld [tilespmem:s10+$0x155B0]  }
0x180: {  	v9 =	vadd.f32 v18, v11;
	v11 =	vadd.f32 v12, v13;
	v12 =	vld [tilespmem:s10+$0x155E0]  }
0x181: {  	v4 =	vadd.f32 v4, v6;
	v5 =	vadd.f32 v5, v7;
	v6 =	vld [tilespmem:s10+$0x155F0];
	s10 =	sshra.s32 s11, $0x2  }
0x182: {  	v9 =	vadd.f32 v16, v9;
	v7 =	vld [tilespmem:s10+$0x155C0];
	v10 =	vadd.f32 v10, v11  }
0x183: {  	v4 =	vadd.f32 v2, v4;
	v5 =	vadd.f32 v3, v5;
	v11 =	vld [tilespmem:s10+$0x155D0]  }
0x184: {  	v9 =	vadd.f32 v14, v9;
	v2 =	vld [tilespmem:s10+$0x15580];
	v8 =	vadd.f32 v8, v10  }
0x185: {  	v26 =	vadd.f32 v0, v4;
	v29 =	vadd.f32 v1, v5;
	v3 =	vld [tilespmem:s10+$0x15590]  }
0x186: {  	v28 =	vadd.f32 v12, v9;
	v4 =	vld [tilespmem:s10+$0x15540];
	v27 =	vadd.f32 v6, v8  }
0x187: {  	v5 =	vld [tilespmem:s10+$0x15550];
	v0 =	vmov v7  }
0x188: {  	v6 =	vld [tilespmem:s10+$0x15500];
	v1 =	vmov v11  }
0x189: {  	v7 =	vld [tilespmem:s10+$0x15510]  }
0x18a: {  	v9 =	vld [tilespmem:s10+$0x154C0]  }
0x18b: {  	v8 =	vld [tilespmem:s10+$0x154D0]  }
0x18c: {  	v11 =	vld [tilespmem:s10+$0x15480]  }
0x18d: {  	v10 =	vld [tilespmem:s10+$0x15490]  }
0x18e: {  	v13 =	vld [tilespmem:s10+$0x15440]  }
0x18f: {  	v12 =	vld [tilespmem:s10+$0x15450]  }
0x190: {  	v15 =	vld [tilespmem:s10+$0x15400]  }
0x191: {  	v14 =	vld [tilespmem:s10+$0x15410]  }
0x192: {  	v17 =	vld [tilespmem:s10+$0x153C0]  }
0x193: {  	v16 =	vld [tilespmem:s10+$0x153D0]  }
0x194: {  	v19 =	vld [tilespmem:s10+$0x15380]  }
0x195: {  	v18 =	vld [tilespmem:s10+$0x15390]  }
0x196: {  	v21 =	vld [tilespmem:s10+$0x15340]  }
0x197: {  	v20 =	vld [tilespmem:s10+$0x15350]  }
0x198: {  	v23 =	vld [tilespmem:s10+$0x15300]  }
0x199: {  	v22 =	vld [tilespmem:s10+$0x15310]  }
0x19a: {  	v25 =	vld [tilespmem:s10+$0x152C0]  }
0x19b: {  	v24 =	vld [tilespmem:s10+$0x152D0]  }
0x19c: {  	v31 =	vld [tilespmem:s10+$0x15280]  }
0x19d: {  	v30 =	vld [tilespmem:s10+$0x15290]  }
.Ltmp4:
0x19e: {  	v33 =	vld [tilespmem:s10+$0x15240];
	(pc) =	sbr.rel @p1 .LBB2_7-.Ltmp4, $4  }
0x19f: {  	v32 =	vld [tilespmem:s10+$0x15250]  }
0x1a0: {  	v35 =	vld [tilespmem:s10+$0x15200]  }
0x1a1: {  	v36 =	vld [tilespmem:s10+$0x15210]  }
0x1a2: {  	s11 =	sadd.s32 $0x1000, s11;
	v34 =	vld [tilespmem:s10+$0x15220]  }
0x1a3: {  	v37 =	vld [tilespmem:s10+$0x15230]  }
0x1a4: {  	v38 =	vld [tilespmem:s10+$0x15260]  }
0x1a5: {  	v39 =	vld [tilespmem:s10+$0x15270];
	v26 =	vadd.f32 v35, v26  }
0x1a6: {  	v60 =	vld [tilespmem:s10+$0x152A0];
	v29 =	vadd.f32 v36, v29  }
0x1a7: {  	v61 =	vld [tilespmem:s10+$0x152B0];
	v28 =	vadd.f32 v34, v28;
	v26 =	vadd.f32 v33, v26  }
0x1a8: {  	v62 =	vld [tilespmem:s10+$0x152E0];
	v27 =	vadd.f32 v37, v27;
	v29 =	vadd.f32 v32, v29  }
0x1a9: {  	v63 =	vld [tilespmem:s10+$0x152F0];
	v28 =	vadd.f32 v38, v28;
	v26 =	vadd.f32 v31, v26  }
0x1aa: {  	v31 =	vld [tilespmem:s10+$0x15320];
	v27 =	vadd.f32 v39, v27;
	v29 =	vadd.f32 v30, v29  }
0x1ab: {  	v30 =	vld [tilespmem:s10+$0x15330];
	v28 =	vadd.f32 v60, v28;
	v25 =	vadd.f32 v25, v26  }
0x1ac: {  	v26 =	vadd.f32 v61, v27;
	v27 =	vld [tilespmem:s10+$0x15360];
	v24 =	vadd.f32 v24, v29  }
0x1ad: {  	v29 =	vld [tilespmem:s10+$0x15370];
	v28 =	vadd.f32 v62, v28;
	v23 =	vadd.f32 v23, v25  }
0x1ae: {  	v25 =	vadd.f32 v63, v26;
	v26 =	vld [tilespmem:s10+$0x153A0];
	v22 =	vadd.f32 v22, v24  }
0x1af: {  	v24 =	vld [tilespmem:s10+$0x153B0];
	v28 =	vadd.f32 v31, v28;
	v21 =	vadd.f32 v21, v23  }
0x1b0: {  	v23 =	vadd.f32 v30, v25;
	v25 =	vld [tilespmem:s10+$0x153E0];
	v20 =	vadd.f32 v20, v22  }
0x1b1: {  	v22 =	vld [tilespmem:s10+$0x153F0];
	v27 =	vadd.f32 v27, v28;
	v19 =	vadd.f32 v19, v21  }
0x1b2: {  	v21 =	vadd.f32 v29, v23;
	v23 =	vld [tilespmem:s10+$0x15420];
	v18 =	vadd.f32 v18, v20  }
0x1b3: {  	v20 =	vld [tilespmem:s10+$0x15430];
	v26 =	vadd.f32 v26, v27;
	v17 =	vadd.f32 v17, v19  }
0x1b4: {  	v19 =	vadd.f32 v24, v21;
	v21 =	vld [tilespmem:s10+$0x15460];
	v16 =	vadd.f32 v16, v18  }
0x1b5: {  	v18 =	vld [tilespmem:s10+$0x15470];
	v24 =	vadd.f32 v25, v26;
	v15 =	vadd.f32 v15, v17  }
0x1b6: {  	v17 =	vadd.f32 v22, v19;
	v19 =	vld [tilespmem:s10+$0x154A0];
	v14 =	vadd.f32 v14, v16  }
0x1b7: {  	v16 =	vld [tilespmem:s10+$0x154B0];
	v22 =	vadd.f32 v23, v24;
	v13 =	vadd.f32 v13, v15  }
0x1b8: {  	v15 =	vadd.f32 v20, v17;
	v17 =	vld [tilespmem:s10+$0x154E0];
	v12 =	vadd.f32 v12, v14  }
0x1b9: {  	v14 =	vld [tilespmem:s10+$0x154F0];
	v20 =	vadd.f32 v21, v22;
	v11 =	vadd.f32 v11, v13  }
0x1ba: {  	v13 =	vadd.f32 v18, v15;
	v15 =	vld [tilespmem:s10+$0x15520];
	v10 =	vadd.f32 v10, v12  }
0x1bb: {  	v12 =	vld [tilespmem:s10+$0x15530];
	v18 =	vadd.f32 v19, v20;
	v9 =	vadd.f32 v9, v11  }
0x1bc: {  	v11 =	vadd.f32 v16, v13;
	v13 =	vld [tilespmem:s10+$0x15560];
	v8 =	vadd.f32 v8, v10  }
0x1bd: {  	v10 =	vld [tilespmem:s10+$0x15570];
	v16 =	vadd.f32 v17, v18;
	v6 =	vadd.f32 v6, v9  }
0x1be: {  	v9 =	vadd.f32 v14, v11;
	v11 =	vld [tilespmem:s10+$0x155A0];
	v7 =	vadd.f32 v7, v8  }
0x1bf: {  	v8 =	vld [tilespmem:s10+$0x155B0];
	v14 =	vadd.f32 v15, v16;
	v4 =	vadd.f32 v4, v6  }
0x1c0: {  	v6 =	vadd.f32 v12, v9;
	v9 =	vld [tilespmem:s10+$0x155E0];
	v5 =	vadd.f32 v5, v7  }
0x1c1: {  	v7 =	vld [tilespmem:s10+$0x155F0];
	v12 =	vadd.f32 v13, v14;
	v2 =	vadd.f32 v2, v4  }
0x1c2: {  	v4 =	vadd.f32 v10, v6;
	v3 =	vadd.f32 v3, v5  }
0x1c3: {  	v5 =	vadd.f32 v11, v12;
	v0 =	vadd.f32 v0, v2  }
0x1c4: {  	v2 =	vadd.f32 v8, v4;
	v1 =	vadd.f32 v1, v3  }
0x1c5: {  	v3 =	vadd.f32 v9, v5;
	[tilespmem:s1+$0x1BA80] =	vst v0  }
0x1c6: {  	v0 =	vadd.f32 v7, v2;
	[tilespmem:s1+$0x1BA90] =	vst v1  }
0x1c7: {  	[tilespmem:s1+$0x1BAA0] =	vst v3  }
0x1c8: {  	s11 =	simm.s32 @!p0 $0x15200;
	s10 =	simm.s32 @!p0 $0x68;
	[tilespmem:s1+$0x1BAB0] =	vst v0;
	s1 =	sadd.s32 @!p0 $0x4E0, s0  }
0x1c9: {  	[tilespmem:s11], [sflag:$0x3] =	stream.indirect.gather @!p0 [hbm4b:s3+s10], $0x40, s1, s10, $0xb8;
	[tilespmem:$0x1BE00] =	vst v63  }
0x1ca: {  	s0 =	sadd.s32 @!p0 $0x548, s0;
	s1 =	simm.s32 @!p0 $0x16C00  }
0x1cb: {  	[tilespmem:s1], [sflag:$0x3] =	stream.indirect.gather @!p0 [hbm4b:s3+s10], $0x40, s0, s10, $0xb8;
	[tilespmem:$0x1BE00] =	vst v63  }
0x1cc: {  	_ =	swait.ge [sflag:s28], $0x3400  }
0x1cd: {  	[sflag:s28] =	ssyncset.done $0x0  }
0x1ce: {  	s0 =	simm.s32 $0x0;
	[sflag:s28] =	ssyncadd.s32 $0xFFFFCC00  }
0x1cf: {  	v0 =	vld [tilespmem:s0+$0x189C0]  }
0x1d0: {  	v1 =	vld [tilespmem:s0+$0x189D0]  }
0x1d1: {  	v2 =	vld [tilespmem:s0+$0x18980]  }
0x1d2: {  	v3 =	vld [tilespmem:s0+$0x18990]  }
0x1d3: {  	v4 =	vld [tilespmem:s0+$0x18940]  }
0x1d4: {  	v5 =	vld [tilespmem:s0+$0x18950]  }
0x1d5: {  	v6 =	vld [tilespmem:s0+$0x18900]  }
0x1d6: {  	v7 =	vld [tilespmem:s0+$0x18910]  }
0x1d7: {  	v9 =	vld [tilespmem:s0+$0x188C0]  }
0x1d8: {  	v8 =	vld [tilespmem:s0+$0x188D0]  }
0x1d9: {  	v11 =	vld [tilespmem:s0+$0x18880]  }
0x1da: {  	v10 =	vld [tilespmem:s0+$0x18890]  }
0x1db: {  	v13 =	vld [tilespmem:s0+$0x18840]  }
0x1dc: {  	v12 =	vld [tilespmem:s0+$0x18850]  }
0x1dd: {  	v15 =	vld [tilespmem:s0+$0x18800]  }
0x1de: {  	v14 =	vld [tilespmem:s0+$0x18810]  }
0x1df: {  	v17 =	vld [tilespmem:s0+$0x187C0]  }
0x1e0: {  	v16 =	vld [tilespmem:s0+$0x187D0]  }
0x1e1: {  	v19 =	vld [tilespmem:s0+$0x18780]  }
0x1e2: {  	v18 =	vld [tilespmem:s0+$0x18790]  }
0x1e3: {  	v21 =	vld [tilespmem:s0+$0x18740]  }
0x1e4: {  	v20 =	vld [tilespmem:s0+$0x18750]  }
0x1e5: {  	v23 =	vld [tilespmem:s0+$0x18700]  }
0x1e6: {  	v22 =	vld [tilespmem:s0+$0x18710]  }
0x1e7: {  	v25 =	vld [tilespmem:s0+$0x186C0]  }
0x1e8: {  	v24 =	vld [tilespmem:s0+$0x186D0]  }
0x1e9: {  	v31 =	vld [tilespmem:s0+$0x18680]  }
0x1ea: {  	v30 =	vld [tilespmem:s0+$0x18690]  }
0x1eb: {  	v33 =	vld [tilespmem:s0+$0x18640]  }
0x1ec: {  	v32 =	vld [tilespmem:s0+$0x18650]  }
0x1ed: {  	v35 =	vld [tilespmem:s0+$0x18600]  }
0x1ee: {  	v28 =	vimm.f32 $0.0e+00;
	v36 =	vld [tilespmem:s0+$0x18610]  }
0x1ef: {  	v29 =	vimm.f32 $0.0e+00;
	v27 =	vimm.f32 $0.0e+00;
	v26 =	vimm.f32 $0.0e+00;
	s1 =	simm.s32 $0x1000;
	v34 =	vld [tilespmem:s0+$0x18620]  }
.LBB2_9:
0x1f0: {  	p1 =	sne.s32 s1, $0xC000;
	v37 =	vld [tilespmem:s0+$0x18630]  }
0x1f1: {  	v38 =	vld [tilespmem:s0+$0x18660]  }
0x1f2: {  	v39 =	vld [tilespmem:s0+$0x18670]  }
0x1f3: {  	v40 =	vld [tilespmem:s0+$0x186A0]  }
0x1f4: {  	v26 =	vadd.f32 v35, v26;
	v29 =	vadd.f32 v36, v29;
	v35 =	vld [tilespmem:s0+$0x186B0]  }
0x1f5: {  	v28 =	vadd.f32 v34, v28;
	v27 =	vadd.f32 v37, v27;
	v34 =	vld [tilespmem:s0+$0x186E0]  }
0x1f6: {  	v26 =	vadd.f32 v33, v26;
	v29 =	vadd.f32 v32, v29;
	v32 =	vld [tilespmem:s0+$0x186F0]  }
0x1f7: {  	v28 =	vadd.f32 v38, v28;
	v27 =	vadd.f32 v39, v27;
	v33 =	vld [tilespmem:s0+$0x18720]  }
0x1f8: {  	v26 =	vadd.f32 v31, v26;
	v29 =	vadd.f32 v30, v29;
	v30 =	vld [tilespmem:s0+$0x18730]  }
0x1f9: {  	v28 =	vadd.f32 v40, v28;
	v27 =	vadd.f32 v35, v27;
	v31 =	vld [tilespmem:s0+$0x18760]  }
0x1fa: {  	v25 =	vadd.f32 v25, v26;
	v24 =	vadd.f32 v24, v29;
	v26 =	vld [tilespmem:s0+$0x18770]  }
0x1fb: {  	v28 =	vadd.f32 v34, v28;
	v27 =	vadd.f32 v32, v27;
	v29 =	vld [tilespmem:s0+$0x187A0]  }
0x1fc: {  	v23 =	vadd.f32 v23, v25;
	v22 =	vadd.f32 v22, v24;
	v24 =	vld [tilespmem:s0+$0x187B0]  }
0x1fd: {  	v25 =	vadd.f32 v33, v28;
	v27 =	vadd.f32 v30, v27;
	v28 =	vld [tilespmem:s0+$0x187E0]  }
0x1fe: {  	v21 =	vadd.f32 v21, v23;
	v20 =	vadd.f32 v20, v22;
	v22 =	vld [tilespmem:s0+$0x187F0]  }
0x1ff: {  	v23 =	vadd.f32 v31, v25;
	v25 =	vadd.f32 v26, v27;
	v26 =	vld [tilespmem:s0+$0x18820]  }
0x200: {  	v19 =	vadd.f32 v19, v21;
	v18 =	vadd.f32 v18, v20;
	v20 =	vld [tilespmem:s0+$0x18830]  }
0x201: {  	v21 =	vadd.f32 v29, v23;
	v23 =	vadd.f32 v24, v25;
	v24 =	vld [tilespmem:s0+$0x18860]  }
0x202: {  	v17 =	vadd.f32 v17, v19;
	v16 =	vadd.f32 v16, v18;
	v18 =	vld [tilespmem:s0+$0x18870]  }
0x203: {  	v19 =	vadd.f32 v28, v21;
	v21 =	vadd.f32 v22, v23;
	v22 =	vld [tilespmem:s0+$0x188A0]  }
0x204: {  	v15 =	vadd.f32 v15, v17;
	v14 =	vadd.f32 v14, v16;
	v16 =	vld [tilespmem:s0+$0x188B0]  }
0x205: {  	v17 =	vadd.f32 v26, v19;
	v19 =	vadd.f32 v20, v21;
	v20 =	vld [tilespmem:s0+$0x188E0]  }
0x206: {  	v13 =	vadd.f32 v13, v15;
	v12 =	vadd.f32 v12, v14;
	v14 =	vld [tilespmem:s0+$0x188F0]  }
0x207: {  	v15 =	vadd.f32 v24, v17;
	v17 =	vadd.f32 v18, v19;
	v18 =	vld [tilespmem:s0+$0x18920]  }
0x208: {  	v11 =	vadd.f32 v11, v13;
	v10 =	vadd.f32 v10, v12;
	v12 =	vld [tilespmem:s0+$0x18930]  }
0x209: {  	v13 =	vadd.f32 v22, v15;
	v15 =	vadd.f32 v16, v17;
	v16 =	vld [tilespmem:s0+$0x18960]  }
0x20a: {  	v9 =	vadd.f32 v9, v11;
	v8 =	vadd.f32 v8, v10;
	v10 =	vld [tilespmem:s0+$0x18970]  }
0x20b: {  	v11 =	vadd.f32 v20, v13;
	v13 =	vadd.f32 v14, v15;
	v14 =	vld [tilespmem:s0+$0x189A0]  }
0x20c: {  	v6 =	vadd.f32 v6, v9;
	v7 =	vadd.f32 v7, v8;
	v8 =	vld [tilespmem:s0+$0x189B0]  }
0x20d: {  	v9 =	vadd.f32 v18, v11;
	v11 =	vadd.f32 v12, v13;
	v12 =	vld [tilespmem:s0+$0x189E0]  }
0x20e: {  	v4 =	vadd.f32 v4, v6;
	v5 =	vadd.f32 v5, v7;
	v6 =	vld [tilespmem:s0+$0x189F0];
	s0 =	sshra.s32 s1, $0x2  }
0x20f: {  	v9 =	vadd.f32 v16, v9;
	v7 =	vld [tilespmem:s0+$0x189C0];
	v10 =	vadd.f32 v10, v11  }
0x210: {  	v4 =	vadd.f32 v2, v4;
	v5 =	vadd.f32 v3, v5;
	v11 =	vld [tilespmem:s0+$0x189D0]  }
0x211: {  	v9 =	vadd.f32 v14, v9;
	v2 =	vld [tilespmem:s0+$0x18980];
	v8 =	vadd.f32 v8, v10  }
0x212: {  	v26 =	vadd.f32 v0, v4;
	v29 =	vadd.f32 v1, v5;
	v3 =	vld [tilespmem:s0+$0x18990]  }
0x213: {  	v28 =	vadd.f32 v12, v9;
	v4 =	vld [tilespmem:s0+$0x18940];
	v27 =	vadd.f32 v6, v8  }
0x214: {  	v5 =	vld [tilespmem:s0+$0x18950];
	v0 =	vmov v7  }
0x215: {  	v6 =	vld [tilespmem:s0+$0x18900];
	v1 =	vmov v11  }
0x216: {  	v7 =	vld [tilespmem:s0+$0x18910]  }
0x217: {  	v9 =	vld [tilespmem:s0+$0x188C0]  }
0x218: {  	v8 =	vld [tilespmem:s0+$0x188D0]  }
0x219: {  	v11 =	vld [tilespmem:s0+$0x18880]  }
0x21a: {  	v10 =	vld [tilespmem:s0+$0x18890]  }
0x21b: {  	v13 =	vld [tilespmem:s0+$0x18840]  }
0x21c: {  	v12 =	vld [tilespmem:s0+$0x18850]  }
0x21d: {  	v15 =	vld [tilespmem:s0+$0x18800]  }
0x21e: {  	v14 =	vld [tilespmem:s0+$0x18810]  }
0x21f: {  	v17 =	vld [tilespmem:s0+$0x187C0]  }
0x220: {  	v16 =	vld [tilespmem:s0+$0x187D0]  }
0x221: {  	v19 =	vld [tilespmem:s0+$0x18780]  }
0x222: {  	v18 =	vld [tilespmem:s0+$0x18790]  }
0x223: {  	v21 =	vld [tilespmem:s0+$0x18740]  }
0x224: {  	v20 =	vld [tilespmem:s0+$0x18750]  }
0x225: {  	v23 =	vld [tilespmem:s0+$0x18700]  }
0x226: {  	v22 =	vld [tilespmem:s0+$0x18710]  }
0x227: {  	v25 =	vld [tilespmem:s0+$0x186C0]  }
0x228: {  	v24 =	vld [tilespmem:s0+$0x186D0]  }
0x229: {  	v31 =	vld [tilespmem:s0+$0x18680]  }
0x22a: {  	v30 =	vld [tilespmem:s0+$0x18690]  }
.Ltmp5:
0x22b: {  	v33 =	vld [tilespmem:s0+$0x18640];
	(pc) =	sbr.rel @p1 .LBB2_9-.Ltmp5, $4  }
0x22c: {  	v32 =	vld [tilespmem:s0+$0x18650]  }
0x22d: {  	v35 =	vld [tilespmem:s0+$0x18600]  }
0x22e: {  	v36 =	vld [tilespmem:s0+$0x18610]  }
0x22f: {  	s1 =	sadd.s32 $0x1000, s1;
	v34 =	vld [tilespmem:s0+$0x18620]  }
0x230: {  	v37 =	vld [tilespmem:s0+$0x18630]  }
0x231: {  	v38 =	vld [tilespmem:s0+$0x18660]  }
0x232: {  	v39 =	vld [tilespmem:s0+$0x18670];
	v26 =	vadd.f32 v35, v26  }
0x233: {  	v49 =	vld [tilespmem:s0+$0x186A0];
	v29 =	vadd.f32 v36, v29  }
0x234: {  	v50 =	vld [tilespmem:s0+$0x186B0];
	v28 =	vadd.f32 v34, v28;
	v26 =	vadd.f32 v33, v26  }
0x235: {  	v51 =	vld [tilespmem:s0+$0x186E0];
	v27 =	vadd.f32 v37, v27;
	v29 =	vadd.f32 v32, v29  }
0x236: {  	v52 =	vld [tilespmem:s0+$0x186F0];
	v28 =	vadd.f32 v38, v28;
	v26 =	vadd.f32 v31, v26  }
0x237: {  	v53 =	vld [tilespmem:s0+$0x18720];
	v27 =	vadd.f32 v39, v27;
	v29 =	vadd.f32 v30, v29  }
0x238: {  	v54 =	vld [tilespmem:s0+$0x18730];
	v28 =	vadd.f32 v49, v28;
	v25 =	vadd.f32 v25, v26  }
0x239: {  	v56 =	vld [tilespmem:s0+$0x18760];
	v55 =	vadd.f32 v50, v27;
	v24 =	vadd.f32 v24, v29  }
0x23a: {  	v57 =	vld [tilespmem:s0+$0x18770];
	v28 =	vadd.f32 v51, v28;
	v23 =	vadd.f32 v23, v25  }
0x23b: {  	v59 =	vld [tilespmem:s0+$0x187A0];
	v58 =	vadd.f32 v52, v55;
	v22 =	vadd.f32 v22, v24  }
0x23c: {  	v60 =	vld [tilespmem:s0+$0x187B0];
	v28 =	vadd.f32 v53, v28;
	v21 =	vadd.f32 v21, v23  }
0x23d: {  	v62 =	vld [tilespmem:s0+$0x187E0];
	v61 =	vadd.f32 v54, v58;
	v20 =	vadd.f32 v20, v22  }
0x23e: {  	v63 =	vld [tilespmem:s0+$0x187F0];
	v27 =	vadd.f32 v56, v28;
	v19 =	vadd.f32 v19, v21  }
0x23f: {  	v29 =	vld [tilespmem:s0+$0x18820];
	v28 =	vadd.f32 v57, v61;
	v18 =	vadd.f32 v18, v20  }
0x240: {  	v30 =	vld [tilespmem:s0+$0x18830];
	v26 =	vadd.f32 v59, v27;
	v17 =	vadd.f32 v17, v19  }
0x241: {  	v32 =	vld [tilespmem:s0+$0x18860];
	v31 =	vadd.f32 v60, v28;
	v16 =	vadd.f32 v16, v18  }
0x242: {  	v33 =	vld [tilespmem:s0+$0x18870];
	v34 =	vadd.f32 v62, v26;
	v15 =	vadd.f32 v15, v17  }
0x243: {  	v36 =	vld [tilespmem:s0+$0x188A0];
	v35 =	vadd.f32 v63, v31;
	v14 =	vadd.f32 v14, v16  }
0x244: {  	v37 =	vld [tilespmem:s0+$0x188B0];
	v38 =	vadd.f32 v29, v34;
	v13 =	vadd.f32 v13, v15  }
0x245: {  	v40 =	vld [tilespmem:s0+$0x188E0];
	v39 =	vadd.f32 v30, v35;
	v12 =	vadd.f32 v12, v14  }
0x246: {  	v41 =	vld [tilespmem:s0+$0x188F0];
	v42 =	vadd.f32 v32, v38;
	v11 =	vadd.f32 v11, v13  }
0x247: {  	v44 =	vld [tilespmem:s0+$0x18920];
	v43 =	vadd.f32 v33, v39;
	v10 =	vadd.f32 v10, v12  }
0x248: {  	v45 =	vld [tilespmem:s0+$0x18930];
	v46 =	vadd.f32 v36, v42;
	v9 =	vadd.f32 v9, v11  }
0x249: {  	v48 =	vld [tilespmem:s0+$0x18960];
	v47 =	vadd.f32 v37, v43;
	v8 =	vadd.f32 v8, v10  }
0x24a: {  	v49 =	vld [tilespmem:s0+$0x18970];
	v50 =	vadd.f32 v40, v46;
	v6 =	vadd.f32 v6, v9  }
0x24b: {  	v52 =	vld [tilespmem:s0+$0x189A0];
	v51 =	vadd.f32 v41, v47;
	v7 =	vadd.f32 v7, v8  }
0x24c: {  	v53 =	vld [tilespmem:s0+$0x189B0];
	v54 =	vadd.f32 v44, v50;
	v4 =	vadd.f32 v4, v6  }
0x24d: {  	v56 =	vld [tilespmem:s0+$0x189E0];
	v55 =	vadd.f32 v45, v51;
	v5 =	vadd.f32 v5, v7  }
0x24e: {  	v57 =	vld [tilespmem:s0+$0x189F0];
	s0 =	sor.u32 $0x3, s31;
	v58 =	vadd.f32 v48, v54;
	v2 =	vadd.f32 v2, v4  }
0x24f: {  	s1 =	sand.u32 $0xF, s0;
	v59 =	vadd.f32 v49, v55;
	v3 =	vadd.f32 v3, v5  }
0x250: {  	p1 =	sne.s32 s1, $0xF;
	v60 =	vadd.f32 v52, v58;
	v0 =	vadd.f32 v0, v2  }
0x251: {  	s1 =	sshll.u32 s1, $0x6;
	s0 =	sadd.s32 @!p1 s5, s0;
	v61 =	vadd.f32 v53, v59;
	v1 =	vadd.f32 v1, v3  }
0x252: {  	s0 =	sshll.u32 @!p1 s0, $0x3;
	v62 =	vadd.f32 v56, v60;
	[tilespmem:s1+$0x1BA00] =	vst v0  }
0x253: {  	s0 =	sadd.s32 @!p1 $0x1FFFFF88, s0;
	v63 =	vadd.f32 v57, v61;
	[tilespmem:s1+$0x1BA10] =	vst v1  }
0x254: {  	s0 =	sand.u32 @!p1 $0x1FFFFF80, s0;
	[tilespmem:s1+$0x1BA20] =	vst v62  }
0x255: {  	s10 =	simm.s32 @!p1 $0x1BA00;
	s0 =	sadd.s32 @!p1 s4, s0;
	[tilespmem:s1+$0x1BA30] =	vst v63;
	s1 =	simm.s32 @!p1 $0x0  }
0x256: {  	[hbm4b:s0+s1] =	stream.linear.scatter @!p1 [tilespmem:s10], [sflag:$0x5], $0x400, $0x38;
	[tilespmem:$0x1BE00] =	vst v63  }
.Ltmp6:
0x257: {  	_ = 	snop;
	(pc) =	sbr.rel @p0 .LBB2_12-.Ltmp6, $4  }
0x258: {  	s0 =	simm.s32 @!p1 $0x5  }
0x259: {  	_ =	swait.ge @!p1 [sflag:s0], $0x400  }
0x25a: {  	[sflag:s0] =	ssyncset.done @!p1 $0x0  }
0x25b: {  	[sflag:s0] =	ssyncadd.s32 @!p1 $0xFFFFFC00  }
0x25c: {  	s0 =	smul.u32 $0xD00, s30;
	_ =	sdelay $0x1  }
.Ltmp7:
0x25d: {  	s0 =	sshra.s32 s0, $0x2;
	(pc) =	sbr.rel .LBB2_2-.Ltmp7, $4  }
0x25e: {  	s1 =	sadd.s32 $0x5B0, s0  }
0x25f: {  	[tilespmem:s21], [sflag:$0x4] =	stream.indirect.gather [hbm4b:s3+s9], $0x40, s1, s9, $0xb8;
	[tilespmem:$0x1BE00] =	vst v63  }
0x260: {  	s30 =	sadd.s32 $0x1, s30;
	s0 =	sadd.s32 $0x618, s0  }
0x261: {  	[tilespmem:s23], [sflag:$0x4] =	stream.indirect.gather [hbm4b:s3+s9], $0x40, s0, s9, $0xb8;
	[tilespmem:$0x1BE00] =	vst v63  }
.LBB2_13:
0x262: {  	_ =	sfence.sel $0x180000  }
0x263: {  	[bflag:$0x0] =	sbarrier.arrive $0xFFFF  }
0x264: {  	_ =	strace $0x90000047  }
0x265: {  	s0 =	stileid.u32;
	[bflag:$0x2] =	sbarrier.arrive $0xFFFF  }
0x266: {  	p0 =	sne.s32 s0, $0x0;
	s0 =	rddreg [dreg:$0x1]  }
0x267: {  	s0 =	sadd.s32 @!p0 $0x100000, s0  }
0x268: {  	[sflag:s0] =	ssyncadd.tile.s32 @!p0 $0x1;
	_ =	shalt  }
.Lfunc_end2:
_tile_overlayer_lowered:
.L_overlay_start_2:
0x269: {  	(tag) =	ssettag $0x2  }
0x26a: {  	s0 =	rddreg [dreg:$0x0];
	s2 =	stileid.u32  }
0x26b: {  	s1 =	rddreg [dreg:$0x1];
	p0 =	sne.s32 s2, $0x0  }
0x26c: {  	s3 =	rddreg [dreg:$0x2];
	[bflag:$0x3] =	sbarrier.arrive $0xFFFF;
	s2 =	simm.s32 @!p0 $0x1C05  }
0x26d: {  	[timem:s3], [sflag:s2] =	dma.local @!p0 [hbm:s0], s1  }
0x26e: {  	s0 =	simm.s32 @!p0 $0x5  }
0x26f: {  	_ =	swait.ge @!p0 [sflag:s0], s1  }
0x270: {  	s1 =	ssub.s32 @!p0 $0x0, s1;
	[sflag:s0] =	ssyncset.done @!p0 $0x0  }
0x271: {  	[sflag:s0] =	ssyncadd.s32 @!p0 s1  }
0x272: {  	[bflag:$0x3] =	sbarrier.arrive $0xFFFF  }
0x273: {  	_ =	shalt  }

</sc_bundles>
